<compile_context>
chip_gen: v7x
topology: tpu7x:2x2x1
jax: 0.10.2.dev20260603
libtpu: 0.0.44.dev20260713+nightly
codegen_flags: <defaults>
</compile_context>

<pallas_src>
import functools
import math

import jax
import jax.numpy as jnp
from jax import lax
from jax.experimental import pallas as pl
from jax.experimental.pallas import tpu as pltpu
from jax.experimental.pallas import tpu_sc as plsc

_N_LANES = 16
_N_CORES = 2
_N_SUBCORES = 16
_N_TILES = _N_CORES * _N_SUBCORES

_HALF_LOG_2PI = 0.5 * math.log(2.0 * math.pi)
_INV_SQRT2 = 1.0 / math.sqrt(2.0)
_LOG_EPS = math.log(1e-6)

_C = 2000


def _softplus(x):
    return jnp.maximum(x, 0.0) + jnp.log1p(jnp.exp(-jnp.abs(x)))


def _table_body(tj_ref, mp_ref, sp_ref, ti_ref, tab_ref, tp_ref):
    tj = tj_ref[...]
    m = _softplus(mp_ref[...])
    s = _softplus(sp_ref[...]) + 1e-6
    b = 1.0 / s
    phi = 0.5 * (1.0 + lax.erf(m * b * _INV_SQRT2))
    c = -(_HALF_LOG_2PI + jnp.log(s) + jnp.log(phi))
    bp = b * _INV_SQRT2
    tab_ref[0, :] = tj
    tab_ref[1, :] = bp
    tab_ref[2, :] = m * bp
    tab_ref[3, :] = c - _LOG_EPS
    tab_ref[4, :] = jnp.zeros_like(tj)
    tab_ref[5, :] = jnp.zeros_like(tj)
    tab_ref[6, :] = jnp.zeros_like(tj)
    tab_ref[7, :] = jnp.zeros_like(tj)
    n = ti_ref.shape[0]
    u = lax.bitcast_convert_type(ti_ref[...], jnp.int32)
    r = lax.shift_right_logical(
        u + 0x7FFF + lax.bitwise_and(lax.shift_right_logical(u, 16), 1), 16)
    lo = lax.slice(r, (0,), (n // 2,))
    hi = lax.slice(r, (n // 2,), (n,))
    tp_ref[...] = lax.bitwise_or(lo, lax.shift_left(hi, 16))


def _build_tables(t_j, mean_pre, sigma_pre, t_i):
    n = t_j.shape[0]
    ni = t_i.shape[0]
    tab_t, ti_packed = pl.pallas_call(
        _table_body,
        out_shape=[
            jax.ShapeDtypeStruct((8, n), jnp.float32),
            jax.ShapeDtypeStruct((ni // 2,), jnp.int32),
        ],
    )(t_j, mean_pre, sigma_pre, t_i)
    return tab_t.T, ti_packed


def _edge_body(n_edges, n_i, ti_hbm, tab_hbm, si_hbm, sj_hbm, out_hbm,
               ti_v, ii0, ii1, ii2, ij0, ij1, ij2, jr0, jr1, jr2, acc_v,
               semi0, semi1, semi2, semg0, semg1, semg2):
    w = lax.axis_index("s") * _N_CORES + lax.axis_index("c")
    epw = n_edges // _N_TILES
    base = w * epw
    nch = epw // _C
    half = n_i // 2
    ii = (ii0, ii1, ii2)
    ij = (ij0, ij1, ij2)
    jr = (jr0, jr1, jr2)
    semi = (semi0, semi1, semi2)
    semg = (semg0, semg1, semg2)

    pltpu.sync_copy(ti_hbm, ti_v)

    def fire_idx(p, c):
        off = base + c * _C
        pltpu.async_copy(si_hbm.at[pl.ds(off, _C)], ii[p], semi[p])
        pltpu.async_copy(sj_hbm.at[pl.ds(off, _C)], ij[p], semi[p])

    def fire_gather(p):
        pltpu.make_async_copy(si_hbm.at[pl.ds(0, _C)], ii[p], semi[p]).wait()
        pltpu.make_async_copy(sj_hbm.at[pl.ds(0, _C)], ij[p], semi[p]).wait()
        pltpu.async_copy(tab_hbm.at[ij[p]], jr[p], semg[p])

    def compute(p, acc):
        pltpu.make_async_copy(tab_hbm.at[ij[p]], jr[p], semg[p]).wait()
        iiv = ii[p]
        jrv = jr[p]

        def grp(gg, acc):
            vi = iiv[pl.ds(gg, _N_LANES)]
            m = (vi >= half).astype(jnp.int32)
            word = plsc.load_gather(ti_v, [vi - m * half])
            ti = plsc.bitcast(
                lax.shift_left(
                    lax.shift_right_logical(word, lax.shift_left(m, 4)), 16),
                jnp.float32)
            rows = gg + lax.iota(jnp.int32, _N_LANES)
            tj = plsc.load_gather(jrv, [rows, jnp.zeros((_N_LANES,), jnp.int32)])
            bp = plsc.load_gather(jrv, [rows, jnp.full((_N_LANES,), 1, jnp.int32)])
            ab = plsc.load_gather(jrv, [rows, jnp.full((_N_LANES,), 2, jnp.int32)])
            cp = plsc.load_gather(jrv, [rows, jnp.full((_N_LANES,), 3, jnp.int32)])
            z = jnp.abs(ti - tj) * bp - ab
            y = cp - z * z
            e = jnp.exp(-jnp.abs(y))
            t = e / (2.0 + e)
            t2 = t * t
            l = t * (2.0 + t2 * (2.0 / 3.0 + t2 * (0.4 + t2 * (2.0 / 7.0))))
            return acc + (jnp.maximum(y, 0.0) + l)

        return plsc.parallel_loop(0, _C, _N_LANES, unroll=4, carry=acc)(grp)

    fire_idx(0, 0)
    fire_idx(1, 1)
    fire_gather(0)
    fire_gather(1)
    fire_idx(2, 2)

    def triple(k, acc):
        c0 = 3 * k

        for t in range(3):
            c = c0 + t
            b = t
            fire_gather((b + 2) % 3)
            acc = compute(b, acc)

            @pl.when(c + 3 < nch)
            def _():
                fire_idx(b, c + 3)

        return acc

    ntr = nch // 3
    acc = lax.fori_loop(0, ntr, triple, jnp.zeros((_N_LANES,), jnp.float32))
    for c in range(3 * ntr, nch):
        acc = compute(c % 3, acc)
    acc_v[...] = acc
    pltpu.sync_copy(acc_v, out_hbm.at[w])


def _edge_sums(ti_packed, tab, sparse_i, sparse_j):
    n_edges = sparse_i.shape[0]
    n_i = 2 * ti_packed.shape[0]
    mesh = plsc.VectorSubcoreMesh(core_axis_name="c", subcore_axis_name="s")
    k = pl.kernel(
        functools.partial(_edge_body, n_edges, n_i),
        out_type=jax.ShapeDtypeStruct((_N_TILES, _N_LANES), jnp.float32),
        mesh=mesh,
        scratch_types=[
            pltpu.VMEM((ti_packed.shape[0],), jnp.int32),
            pltpu.VMEM((_C,), jnp.int32),
            pltpu.VMEM((_C,), jnp.int32),
            pltpu.VMEM((_C,), jnp.int32),
            pltpu.VMEM((_C,), jnp.int32),
            pltpu.VMEM((_C,), jnp.int32),
            pltpu.VMEM((_C,), jnp.int32),
            pltpu.VMEM((_C, 8), jnp.float32),
            pltpu.VMEM((_C, 8), jnp.float32),
            pltpu.VMEM((_C, 8), jnp.float32),
            pltpu.VMEM((_N_LANES,), jnp.float32),
            pltpu.SemaphoreType.DMA,
            pltpu.SemaphoreType.DMA,
            pltpu.SemaphoreType.DMA,
            pltpu.SemaphoreType.DMA,
            pltpu.SemaphoreType.DMA,
            pltpu.SemaphoreType.DMA,
        ],
        compiler_params=pltpu.CompilerParams(
            needs_layout_passes=False, use_tc_tiling_on_sc=False,
            disable_bounds_checks=True),
    )
    return k(ti_packed, tab, sparse_i, sparse_j)


def kernel(T_i, T_j, mean_pre, sigma_pre, sparse_i, sparse_j, epoch):
    del epoch
    tab, ti_packed = _build_tables(T_j, mean_pre, sigma_pre, T_i)
    sums = _edge_sums(ti_packed, tab,
                      sparse_i.astype(jnp.int32), sparse_j.astype(jnp.int32))
    n_edges = sparse_i.shape[0]
    return jnp.sum(sums) + jnp.float32(_LOG_EPS) * n_edges

# --- scband reference (transcript-rebuilt; emitter-appended) ---
"""Pipeline reference for scband-lsm-44126493999245 (READ-ONLY COPY).

The authoritative reference and input builder live on the scoring server;
editing this copy changes nothing except your own understanding.
"""

import jax, jax.numpy as jnp
import numpy as np

N_I = 100000
N_J = 100000
N_EDGES = 3200000

def _softplus(x):
    return jnp.logaddexp(x, 0.0)

def _phi_x(x, pi):
    return 1.0 / jnp.sqrt(2.0 * pi) * jnp.exp(-0.5 * (x * x))

def _PHI_x(x):
    return 0.5 * (1.0 + jax.scipy.special.erf(x / 2.0 ** 0.5))

def setup_inputs(seed: int = 0):
    key = jax.random.key(seed)
    ks = jax.random.split(key, 6)
    T_i = jax.random.uniform(ks[0], (N_I,), dtype=jnp.float32)
    T_j = jax.random.uniform(ks[1], (N_J,), dtype=jnp.float32)
    # learned parameters of the truncated-normal per-item distributions
    mean_pre = jax.random.normal(ks[2], (N_J,), dtype=jnp.float32)
    sigma_pre = jax.random.uniform(ks[3], (N_J,), dtype=jnp.float32)
    sparse_i = jax.random.randint(ks[4], (N_EDGES,), 0, N_I)
    sparse_j = jax.random.randint(ks[5], (N_EDGES,), 0, N_J)
    return {"T_i": T_i, "T_j": T_j, "mean_pre": mean_pre, "sigma_pre": sigma_pre,
            "sparse_i": sparse_i, "sparse_j": sparse_j, "epoch": 1}

def reference(T_i, T_j, mean_pre, sigma_pre, sparse_i, sparse_j, epoch):
    # LSM.pdf_optim(epoch, dist='Truncated')
    pi = jnp.float32(np.pi)
    sigma = _softplus(sigma_pre)
    mean = _softplus(mean_pre)
    alpha_trunc = jnp.zeros((N_J,), dtype=jnp.float32)
    # CDF_trun (computed in the torch forward; unused by the returned likelihood)
    max_T = T_i.max()
    T_j_shift = max_T + 1e-06 - T_j
    x_mu_sigma = (T_j_shift - mean) / sigma
    nom = _PHI_x(x_mu_sigma) - _PHI_x((alpha_trunc - mean) / sigma)
    Z = 1.0 - _PHI_x((alpha_trunc - mean) / sigma)
    CDF = (nom / Z).astype(jnp.float32)
    # PDF_trunc over all sparse links (memory-bound gathers)
    Ti_g = jnp.take(T_i, sparse_i, axis=0)
    Tj_g = jnp.take(T_j, sparse_j, axis=0)
    mean_g = jnp.take(mean, sparse_j, axis=0)
    sigma_g = jnp.take(sigma, sparse_j, axis=0)
    a_g = jnp.take(alpha_trunc, sparse_j, axis=0)
    x_t_link = jnp.abs(Ti_g - Tj_g)
    phi_x_t = (x_t_link - mean_g) / (sigma_g + 1e-06)
    PDF = 1e-06 + 1.0 / (sigma_g + 1e-06) * (_phi_x(phi_x_t, pi) / (1.0 - _PHI_x((a_g - mean_g) / (sigma_g + 1e-06))))
    logit_u = jnp.log(PDF)
    log_likelihood_sparse = jnp.sum(logit_u)
    return log_likelihood_sparse

if __name__ == "__main__":
    import jax
    _d = setup_inputs()
    print(jax.jit(kernel)(*tuple(_d.values())))

</pallas_src>

<mosaic_0001>
#map = affine_map<(d0, d1) -> (0)>
#map1 = affine_map<(d0, d1) -> (0, 0)>
module attributes {stable_mosaic.version = 14 : i64} {
  func.func @_edge_body(%arg0: i32, %arg1: i32, %arg2: memref<50000xi32, #tpu.memory_space<hbm>>, %arg3: memref<100000x8xf32, #tpu.memory_space<hbm>>, %arg4: memref<3200000xi32, #tpu.memory_space<hbm>>, %arg5: memref<3200000xi32, #tpu.memory_space<hbm>>, %arg6: memref<32x16xf32, #tpu.memory_space<hbm>>, %arg7: memref<50000xi32, #tpu.memory_space<vmem>>, %arg8: memref<2000xi32, #tpu.memory_space<vmem>>, %arg9: memref<2000xi32, #tpu.memory_space<vmem>>, %arg10: memref<2000xi32, #tpu.memory_space<vmem>>, %arg11: memref<2000xi32, #tpu.memory_space<vmem>>, %arg12: memref<2000xi32, #tpu.memory_space<vmem>>, %arg13: memref<2000xi32, #tpu.memory_space<vmem>>, %arg14: memref<2000x8xf32, #tpu.memory_space<vmem>>, %arg15: memref<2000x8xf32, #tpu.memory_space<vmem>>, %arg16: memref<2000x8xf32, #tpu.memory_space<vmem>>, %arg17: memref<16xf32, #tpu.memory_space<vmem>>, %arg18: memref<!tpu.dma_semaphore, #tpu.memory_space<semaphore_mem>>, %arg19: memref<!tpu.dma_semaphore, #tpu.memory_space<semaphore_mem>>, %arg20: memref<!tpu.dma_semaphore, #tpu.memory_space<semaphore_mem>>, %arg21: memref<!tpu.dma_semaphore, #tpu.memory_space<semaphore_mem>>, %arg22: memref<!tpu.dma_semaphore, #tpu.memory_space<semaphore_mem>>, %arg23: memref<!tpu.dma_semaphore, #tpu.memory_space<semaphore_mem>>) attributes {dimension_semantics = [#tpu.dimension_semantics<core_parallel>, #tpu.dimension_semantics<subcore_parallel>], iteration_bounds = array<i64: 2, 16>, scalar_prefetch = 0 : i64, scratch_operands = 17 : i64, tpu.core_type = #tpu.core_type<sc_vector_subcore>, window_params = [{transform_indices = #map}, {transform_indices = #map1}, {transform_indices = #map}, {transform_indices = #map}, {transform_indices = #map1}]} {
    %mul3A = arith.constant 2 : i32
    %mul3A_0 = arith.muli %arg1, %mul3A : i32
    %add3A = arith.addi %mul3A_0, %arg0 : i32
    %mul3A_1 = arith.constant 100000 : i32
    %mul3A_2 = arith.muli %add3A, %mul3A_1 : i32
    "tpu.region"() ({
      %run_scoped3A = tpu.sem_alloc : memref<!tpu.dma_semaphore, #tpu.memory_space<semaphore_mem>>
      tpu.enqueue_dma source(%arg2 : memref<50000xi32, #tpu.memory_space<hbm>>) target(%arg7 : memref<50000xi32, #tpu.memory_space<vmem>>) target_semaphore(%run_scoped3A : memref<!tpu.dma_semaphore, #tpu.memory_space<semaphore_mem>>)
      tpu.wait_dma2 semaphore(%run_scoped3A : memref<!tpu.dma_semaphore, #tpu.memory_space<semaphore_mem>>) src(%arg2 : memref<50000xi32, #tpu.memory_space<hbm>>) dst(%arg7 : memref<50000xi32, #tpu.memory_space<vmem>>)
      tpu.yield
    }) : () -> ()
    %add3A_3 = arith.constant 0 : i32
    %add3A_4 = arith.addi %mul3A_2, %add3A_3 : i32
    %dma_start3A = tpu.memref_slice %arg4[%add3A_4] : memref<3200000xi32, #tpu.memory_space<hbm>> -> memref<2000xi32, #tpu.memory_space<hbm>>
    %dma_start3A_5 = tpu.memref_slice %arg4[%add3A_4] : memref<3200000xi32, #tpu.memory_space<hbm>> -> memref<2000xi32, #tpu.memory_space<hbm>>
    tpu.enqueue_dma source(%dma_start3A_5 : memref<2000xi32, #tpu.memory_space<hbm>>) target(%arg8 : memref<2000xi32, #tpu.memory_space<vmem>>) target_semaphore(%arg18 : memref<!tpu.dma_semaphore, #tpu.memory_space<semaphore_mem>>)
    %dma_start3A_6 = tpu.memref_slice %arg5[%add3A_4] : memref<3200000xi32, #tpu.memory_space<hbm>> -> memref<2000xi32, #tpu.memory_space<hbm>>
    %dma_start3A_7 = tpu.memref_slice %arg5[%add3A_4] : memref<3200000xi32, #tpu.memory_space<hbm>> -> memref<2000xi32, #tpu.memory_space<hbm>>
    tpu.enqueue_dma source(%dma_start3A_7 : memref<2000xi32, #tpu.memory_space<hbm>>) target(%arg11 : memref<2000xi32, #tpu.memory_space<vmem>>) target_semaphore(%arg18 : memref<!tpu.dma_semaphore, #tpu.memory_space<semaphore_mem>>)
    %add3A_8 = arith.constant 2000 : i32
    %add3A_9 = arith.addi %mul3A_2, %add3A_8 : i32
    %dma_start3A_10 = tpu.memref_slice %arg4[%add3A_9] : memref<3200000xi32, #tpu.memory_space<hbm>> -> memref<2000xi32, #tpu.memory_space<hbm>>
    %dma_start3A_11 = tpu.memref_slice %arg4[%add3A_9] : memref<3200000xi32, #tpu.memory_space<hbm>> -> memref<2000xi32, #tpu.memory_space<hbm>>
    tpu.enqueue_dma source(%dma_start3A_11 : memref<2000xi32, #tpu.memory_space<hbm>>) target(%arg9 : memref<2000xi32, #tpu.memory_space<vmem>>) target_semaphore(%arg19 : memref<!tpu.dma_semaphore, #tpu.memory_space<semaphore_mem>>)
    %dma_start3A_12 = tpu.memref_slice %arg5[%add3A_9] : memref<3200000xi32, #tpu.memory_space<hbm>> -> memref<2000xi32, #tpu.memory_space<hbm>>
    %dma_start3A_13 = tpu.memref_slice %arg5[%add3A_9] : memref<3200000xi32, #tpu.memory_space<hbm>> -> memref<2000xi32, #tpu.memory_space<hbm>>
    tpu.enqueue_dma source(%dma_start3A_13 : memref<2000xi32, #tpu.memory_space<hbm>>) target(%arg12 : memref<2000xi32, #tpu.memory_space<vmem>>) target_semaphore(%arg19 : memref<!tpu.dma_semaphore, #tpu.memory_space<semaphore_mem>>)
    %dma_wait3A = arith.constant 0 : i32
    %dma_wait3A_14 = tpu.memref_slice %arg4[%dma_wait3A] : memref<3200000xi32, #tpu.memory_space<hbm>> -> memref<2000xi32, #tpu.memory_space<hbm>>
    %dma_wait3A_15 = arith.constant 0 : i32
    %dma_wait3A_16 = tpu.memref_slice %arg4[%dma_wait3A_15] : memref<3200000xi32, #tpu.memory_space<hbm>> -> memref<2000xi32, #tpu.memory_space<hbm>>
    tpu.wait_dma2 semaphore(%arg18 : memref<!tpu.dma_semaphore, #tpu.memory_space<semaphore_mem>>) src(%dma_wait3A_16 : memref<2000xi32, #tpu.memory_space<hbm>>) dst(%arg8 : memref<2000xi32, #tpu.memory_space<vmem>>)
    %dma_wait3A_17 = arith.constant 0 : i32
    %dma_wait3A_18 = tpu.memref_slice %arg5[%dma_wait3A_17] : memref<3200000xi32, #tpu.memory_space<hbm>> -> memref<2000xi32, #tpu.memory_space<hbm>>
    %dma_wait3A_19 = arith.constant 0 : i32
    %dma_wait3A_20 = tpu.memref_slice %arg5[%dma_wait3A_19] : memref<3200000xi32, #tpu.memory_space<hbm>> -> memref<2000xi32, #tpu.memory_space<hbm>>
    tpu.wait_dma2 semaphore(%arg18 : memref<!tpu.dma_semaphore, #tpu.memory_space<semaphore_mem>>) src(%dma_wait3A_20 : memref<2000xi32, #tpu.memory_space<hbm>>) dst(%arg11 : memref<2000xi32, #tpu.memory_space<vmem>>)
    %dma_start3A_21 = arith.constant 0 : i32
    %dma_start3A_22 = arith.constant 0 : i32
    %dma_start3A_23 = tpu.memref_slice %arg3[%dma_start3A_21, %dma_start3A_22] : memref<100000x8xf32, #tpu.memory_space<hbm>> -> memref<100000x8xf32, #tpu.memory_space<hbm>>
    tpu.enqueue_indirect_dma source(%dma_start3A_23 : memref<100000x8xf32, #tpu.memory_space<hbm>>) target(%arg14 : memref<2000x8xf32, #tpu.memory_space<vmem>>) offsets(%arg11 : memref<2000xi32, #tpu.memory_space<vmem>>) semaphore(%arg21 : memref<!tpu.dma_semaphore, #tpu.memory_space<semaphore_mem>>)
    %dma_wait3A_24 = arith.constant 0 : i32
    %dma_wait3A_25 = tpu.memref_slice %arg4[%dma_wait3A_24] : memref<3200000xi32, #tpu.memory_space<hbm>> -> memref<2000xi32, #tpu.memory_space<hbm>>
    %dma_wait3A_26 = arith.constant 0 : i32
    %dma_wait3A_27 = tpu.memref_slice %arg4[%dma_wait3A_26] : memref<3200000xi32, #tpu.memory_space<hbm>> -> memref<2000xi32, #tpu.memory_space<hbm>>
    tpu.wait_dma2 semaphore(%arg19 : memref<!tpu.dma_semaphore, #tpu.memory_space<semaphore_mem>>) src(%dma_wait3A_27 : memref<2000xi32, #tpu.memory_space<hbm>>) dst(%arg9 : memref<2000xi32, #tpu.memory_space<vmem>>)
    %dma_wait3A_28 = arith.constant 0 : i32
    %dma_wait3A_29 = tpu.memref_slice %arg5[%dma_wait3A_28] : memref<3200000xi32, #tpu.memory_space<hbm>> -> memref<2000xi32, #tpu.memory_space<hbm>>
    %dma_wait3A_30 = arith.constant 0 : i32
    %dma_wait3A_31 = tpu.memref_slice %arg5[%dma_wait3A_30] : memref<3200000xi32, #tpu.memory_space<hbm>> -> memref<2000xi32, #tpu.memory_space<hbm>>
    tpu.wait_dma2 semaphore(%arg19 : memref<!tpu.dma_semaphore, #tpu.memory_space<semaphore_mem>>) src(%dma_wait3A_31 : memref<2000xi32, #tpu.memory_space<hbm>>) dst(%arg12 : memref<2000xi32, #tpu.memory_space<vmem>>)
    %dma_start3A_32 = arith.constant 0 : i32
    %dma_start3A_33 = arith.constant 0 : i32
    %dma_start3A_34 = tpu.memref_slice %arg3[%dma_start3A_32, %dma_start3A_33] : memref<100000x8xf32, #tpu.memory_space<hbm>> -> memref<100000x8xf32, #tpu.memory_space<hbm>>
    tpu.enqueue_indirect_dma source(%dma_start3A_34 : memref<100000x8xf32, #tpu.memory_space<hbm>>) target(%arg15 : memref<2000x8xf32, #tpu.memory_space<vmem>>) offsets(%arg12 : memref<2000xi32, #tpu.memory_space<vmem>>) semaphore(%arg22 : memref<!tpu.dma_semaphore, #tpu.memory_space<semaphore_mem>>)
    %add3A_35 = arith.constant 4000 : i32
    %add3A_36 = arith.addi %mul3A_2, %add3A_35 : i32
    %dma_start3A_37 = tpu.memref_slice %arg4[%add3A_36] : memref<3200000xi32, #tpu.memory_space<hbm>> -> memref<2000xi32, #tpu.memory_space<hbm>>
    %dma_start3A_38 = tpu.memref_slice %arg4[%add3A_36] : memref<3200000xi32, #tpu.memory_space<hbm>> -> memref<2000xi32, #tpu.memory_space<hbm>>
    tpu.enqueue_dma source(%dma_start3A_38 : memref<2000xi32, #tpu.memory_space<hbm>>) target(%arg10 : memref<2000xi32, #tpu.memory_space<vmem>>) target_semaphore(%arg20 : memref<!tpu.dma_semaphore, #tpu.memory_space<semaphore_mem>>)
    %dma_start3A_39 = tpu.memref_slice %arg5[%add3A_36] : memref<3200000xi32, #tpu.memory_space<hbm>> -> memref<2000xi32, #tpu.memory_space<hbm>>
    %dma_start3A_40 = tpu.memref_slice %arg5[%add3A_36] : memref<3200000xi32, #tpu.memory_space<hbm>> -> memref<2000xi32, #tpu.memory_space<hbm>>
    tpu.enqueue_dma source(%dma_start3A_40 : memref<2000xi32, #tpu.memory_space<hbm>>) target(%arg13 : memref<2000xi32, #tpu.memory_space<vmem>>) target_semaphore(%arg20 : memref<!tpu.dma_semaphore, #tpu.memory_space<semaphore_mem>>)
    %broadcast_in_dim3A = arith.constant 0.000000e+00 : f32
    %broadcast_in_dim3A_41 = vector.broadcast %broadcast_in_dim3A : f32 to vector<16xf32>
    %scan3A = arith.constant 0 : i32
    %scan3A_42 = arith.constant 16 : i32
    %scan3A_43 = arith.addi %scan3A, %scan3A_42 : i32
    %scan3A_44 = arith.constant 1 : i32
    %scan3A_45 = scf.for %scan3A_61 = %scan3A to %scan3A_43 step %scan3A_44 iter_args(%scan3A_62 = %broadcast_in_dim3A_41) -> (vector<16xf32>)  : i32 {
      %mul3A_63 = arith.constant 3 : i32
      %mul3A_64 = arith.muli %mul3A_63, %scan3A_61 : i32
      %add3A_65 = arith.constant 0 : i32
      %add3A_66 = arith.addi %mul3A_64, %add3A_65 : i32
      %dma_wait3A_67 = arith.constant 0 : i32
      %dma_wait3A_68 = tpu.memref_slice %arg4[%dma_wait3A_67] : memref<3200000xi32, #tpu.memory_space<hbm>> -> memref<2000xi32, #tpu.memory_space<hbm>>
      %dma_wait3A_69 = arith.constant 0 : i32
      %dma_wait3A_70 = tpu.memref_slice %arg4[%dma_wait3A_69] : memref<3200000xi32, #tpu.memory_space<hbm>> -> memref<2000xi32, #tpu.memory_space<hbm>>
      tpu.wait_dma2 semaphore(%arg20 : memref<!tpu.dma_semaphore, #tpu.memory_space<semaphore_mem>>) src(%dma_wait3A_70 : memref<2000xi32, #tpu.memory_space<hbm>>) dst(%arg10 : memref<2000xi32, #tpu.memory_space<vmem>>)
      %dma_wait3A_71 = arith.constant 0 : i32
      %dma_wait3A_72 = tpu.memref_slice %arg5[%dma_wait3A_71] : memref<3200000xi32, #tpu.memory_space<hbm>> -> memref<2000xi32, #tpu.memory_space<hbm>>
      %dma_wait3A_73 = arith.constant 0 : i32
      %dma_wait3A_74 = tpu.memref_slice %arg5[%dma_wait3A_73] : memref<3200000xi32, #tpu.memory_space<hbm>> -> memref<2000xi32, #tpu.memory_space<hbm>>
      tpu.wait_dma2 semaphore(%arg20 : memref<!tpu.dma_semaphore, #tpu.memory_space<semaphore_mem>>) src(%dma_wait3A_74 : memref<2000xi32, #tpu.memory_space<hbm>>) dst(%arg13 : memref<2000xi32, #tpu.memory_space<vmem>>)
      %dma_start3A_75 = arith.constant 0 : i32
      %dma_start3A_76 = arith.constant 0 : i32
      %dma_start3A_77 = tpu.memref_slice %arg3[%dma_start3A_75, %dma_start3A_76] : memref<100000x8xf32, #tpu.memory_space<hbm>> -> memref<100000x8xf32, #tpu.memory_space<hbm>>
      tpu.enqueue_indirect_dma source(%dma_start3A_77 : memref<100000x8xf32, #tpu.memory_space<hbm>>) target(%arg16 : memref<2000x8xf32, #tpu.memory_space<vmem>>) offsets(%arg13 : memref<2000xi32, #tpu.memory_space<vmem>>) semaphore(%arg23 : memref<!tpu.dma_semaphore, #tpu.memory_space<semaphore_mem>>)
      %dma_wait3A_78 = arith.constant 0 : i32
      %dma_wait3A_79 = arith.constant 0 : i32
      %dma_wait3A_80 = tpu.memref_slice %arg3[%dma_wait3A_78, %dma_wait3A_79] : memref<100000x8xf32, #tpu.memory_space<hbm>> -> memref<100000x8xf32, #tpu.memory_space<hbm>>
      tpu.wait_indirect_dma semaphore(%arg21 : memref<!tpu.dma_semaphore, #tpu.memory_space<semaphore_mem>>) src(%dma_wait3A_80 : memref<100000x8xf32, #tpu.memory_space<hbm>>) dst(%arg14 : memref<2000x8xf32, #tpu.memory_space<vmem>>)
      %parallel_loop3A_81 = arith.constant 0 : i32
      %parallel_loop3A_82 = arith.constant 2000 : i32
      %parallel_loop3A_83 = arith.constant 16 : i32
      %parallel_loop3A_84 = scf.for %parallel_loop3A_143 = %parallel_loop3A_81 to %parallel_loop3A_82 step %parallel_loop3A_83 iter_args(%parallel_loop3A_144 = %scan3A_62) -> (vector<16xf32>)  : i32 {
        %parallel_loop3A_145 = arith.index_cast %parallel_loop3A_143 : i32 to index
        %parallel_loop3A_146 = tpu.vector_load %arg8[%parallel_loop3A_145] {strides = array<i32>} : memref<2000xi32, #tpu.memory_space<vmem>>, vector<16xi32>,
        %parallel_loop3A_147 = arith.constant 50000 : i32
        %parallel_loop3A_148 = vector.broadcast %parallel_loop3A_147 : i32 to vector<16xi32>
        %parallel_loop3A_149 = arith.cmpi sge, %parallel_loop3A_146, %parallel_loop3A_148 : vector<16xi32>
        %parallel_loop3A_150 = arith.extui %parallel_loop3A_149 : vector<16xi1> to vector<16xi32>
        %parallel_loop3A_151 = arith.constant 50000 : i32
        %parallel_loop3A_152 = vector.broadcast %parallel_loop3A_151 : i32 to vector<16xi32>
        %parallel_loop3A_153 = arith.muli %parallel_loop3A_150, %parallel_loop3A_152 : vector<16xi32>
        %parallel_loop3A_154 = arith.subi %parallel_loop3A_146, %parallel_loop3A_153 : vector<16xi32>
        %parallel_loop3A_155 = tpu.vector_load_idx %arg7[%parallel_loop3A_154] : memref<50000xi32, #tpu.memory_space<vmem>>[vector<16xi32>], vector<16xi32>,
        %parallel_loop3A_156 = arith.constant 4 : i32
        %parallel_loop3A_157 = vector.broadcast %parallel_loop3A_156 : i32 to vector<16xi32>
        %parallel_loop3A_158 = arith.shli %parallel_loop3A_150, %parallel_loop3A_157 : vector<16xi32>
        %parallel_loop3A_159 = arith.shrui %parallel_loop3A_155, %parallel_loop3A_158 : vector<16xi32>
        %parallel_loop3A_160 = arith.constant 16 : i32
        %parallel_loop3A_161 = vector.broadcast %parallel_loop3A_160 : i32 to vector<16xi32>
        %parallel_loop3A_162 = arith.shli %parallel_loop3A_159, %parallel_loop3A_161 : vector<16xi32>
        %parallel_loop3A_163 = vector.bitcast %parallel_loop3A_162 : vector<16xi32> to vector<16xf32>
        %parallel_loop3A_164 = tpu.iota {dimensions = array<i32: 0>} : vector<16xi32>
        %parallel_loop3A_165 = vector.broadcast %parallel_loop3A_143 : i32 to vector<16xi32>
        %parallel_loop3A_166 = arith.addi %parallel_loop3A_165, %parallel_loop3A_164 : vector<16xi32>
        %parallel_loop3A_167 = arith.constant 0 : i32
        %parallel_loop3A_168 = vector.broadcast %parallel_loop3A_167 : i32 to vector<16xi32>
        %parallel_loop3A_169 = tpu.vector_load_idx %arg14[%parallel_loop3A_166, %parallel_loop3A_168] : memref<2000x8xf32, #tpu.memory_space<vmem>>[vector<16xi32>, vector<16xi32>], vector<16xf32>,
        %parallel_loop3A_170 = arith.constant 1 : i32
        %parallel_loop3A_171 = vector.broadcast %parallel_loop3A_170 : i32 to vector<16xi32>
        %parallel_loop3A_172 = tpu.vector_load_idx %arg14[%parallel_loop3A_166, %parallel_loop3A_171] : memref<2000x8xf32, #tpu.memory_space<vmem>>[vector<16xi32>, vector<16xi32>], vector<16xf32>,
        %parallel_loop3A_173 = arith.constant 2 : i32
        %parallel_loop3A_174 = vector.broadcast %parallel_loop3A_173 : i32 to vector<16xi32>
        %parallel_loop3A_175 = tpu.vector_load_idx %arg14[%parallel_loop3A_166, %parallel_loop3A_174] : memref<2000x8xf32, #tpu.memory_space<vmem>>[vector<16xi32>, vector<16xi32>], vector<16xf32>,
        %parallel_loop3A_176 = arith.constant 3 : i32
        %parallel_loop3A_177 = vector.broadcast %parallel_loop3A_176 : i32 to vector<16xi32>
        %parallel_loop3A_178 = tpu.vector_load_idx %arg14[%parallel_loop3A_166, %parallel_loop3A_177] : memref<2000x8xf32, #tpu.memory_space<vmem>>[vector<16xi32>, vector<16xi32>], vector<16xf32>,
        %parallel_loop3A_179 = arith.subf %parallel_loop3A_163, %parallel_loop3A_169 : vector<16xf32>
        %parallel_loop3A_180 = math.absf %parallel_loop3A_179 : vector<16xf32>
        %parallel_loop3A_181 = arith.mulf %parallel_loop3A_180, %parallel_loop3A_172 : vector<16xf32>
        %parallel_loop3A_182 = arith.subf %parallel_loop3A_181, %parallel_loop3A_175 : vector<16xf32>
        %parallel_loop3A_183 = arith.mulf %parallel_loop3A_182, %parallel_loop3A_182 : vector<16xf32>
        %parallel_loop3A_184 = arith.subf %parallel_loop3A_178, %parallel_loop3A_183 : vector<16xf32>
        %parallel_loop3A_185 = math.absf %parallel_loop3A_184 : vector<16xf32>
        %parallel_loop3A_186 = arith.constant 0.000000e+00 : f32
        %parallel_loop3A_187 = vector.broadcast %parallel_loop3A_186 : f32 to vector<16xf32>
        %parallel_loop3A_188 = arith.subf %parallel_loop3A_187, %parallel_loop3A_185 : vector<16xf32>
        %parallel_loop3A_189 = math.exp %parallel_loop3A_188 : vector<16xf32>
        %parallel_loop3A_190 = arith.constant 2.000000e+00 : f32
        %parallel_loop3A_191 = vector.broadcast %parallel_loop3A_190 : f32 to vector<16xf32>
        %parallel_loop3A_192 = arith.addf %parallel_loop3A_191, %parallel_loop3A_189 : vector<16xf32>
        %parallel_loop3A_193 = arith.divf %parallel_loop3A_189, %parallel_loop3A_192 : vector<16xf32>
        %parallel_loop3A_194 = arith.mulf %parallel_loop3A_193, %parallel_loop3A_193 : vector<16xf32>
        %parallel_loop3A_195 = arith.constant 0.285714298 : f32
        %parallel_loop3A_196 = vector.broadcast %parallel_loop3A_195 : f32 to vector<16xf32>
        %parallel_loop3A_197 = arith.mulf %parallel_loop3A_194, %parallel_loop3A_196 : vector<16xf32>
        %parallel_loop3A_198 = arith.constant 4.000000e-01 : f32
        %parallel_loop3A_199 = vector.broadcast %parallel_loop3A_198 : f32 to vector<16xf32>
        %parallel_loop3A_200 = arith.addf %parallel_loop3A_199, %parallel_loop3A_197 : vector<16xf32>
        %parallel_loop3A_201 = arith.mulf %parallel_loop3A_194, %parallel_loop3A_200 : vector<16xf32>
        %parallel_loop3A_202 = arith.constant 0.666666686 : f32
        %parallel_loop3A_203 = vector.broadcast %parallel_loop3A_202 : f32 to vector<16xf32>
        %parallel_loop3A_204 = arith.addf %parallel_loop3A_203, %parallel_loop3A_201 : vector<16xf32>
        %parallel_loop3A_205 = arith.mulf %parallel_loop3A_194, %parallel_loop3A_204 : vector<16xf32>
        %parallel_loop3A_206 = arith.constant 2.000000e+00 : f32
        %parallel_loop3A_207 = vector.broadcast %parallel_loop3A_206 : f32 to vector<16xf32>
        %parallel_loop3A_208 = arith.addf %parallel_loop3A_207, %parallel_loop3A_205 : vector<16xf32>
        %parallel_loop3A_209 = arith.mulf %parallel_loop3A_193, %parallel_loop3A_208 : vector<16xf32>
        %parallel_loop3A_210 = arith.constant 0.000000e+00 : f32
        %parallel_loop3A_211 = vector.broadcast %parallel_loop3A_210 : f32 to vector<16xf32>
        %parallel_loop3A_212 = arith.maximumf %parallel_loop3A_184, %parallel_loop3A_211 : vector<16xf32>
        %parallel_loop3A_213 = arith.addf %parallel_loop3A_212, %parallel_loop3A_209 : vector<16xf32>
        %parallel_loop3A_214 = arith.addf %parallel_loop3A_144, %parallel_loop3A_213 : vector<16xf32>
        scf.yield %parallel_loop3A_214 : vector<16xf32>
      } {sc.loop_unroll_factor = 4 : i64, sc.parallel_access}
      %add3A_85 = arith.constant 3 : i32
      %add3A_86 = arith.addi %add3A_66, %add3A_85 : i32
      %lt3A = arith.constant 50 : i32
      %lt3A_87 = arith.cmpi slt, %add3A_86, %lt3A : i32
      %convert_element_type3A = arith.extui %lt3A_87 : i1 to i32
      %cond3A = arith.constant 0 : i32
      %cond3A_88 = arith.cmpi ne, %convert_element_type3A, %cond3A : i32
      scf.if %cond3A_88 {
        %add3A_143 = arith.constant 3 : i32
        %add3A_144 = arith.addi %add3A_66, %add3A_143 : i32
        %mul3A_145 = arith.constant 2000 : i32
        %mul3A_146 = arith.muli %add3A_144, %mul3A_145 : i32
        %add3A_147 = arith.addi %mul3A_2, %mul3A_146 : i32
        %dma_start3A_148 = tpu.memref_slice %arg4[%add3A_147] : memref<3200000xi32, #tpu.memory_space<hbm>> -> memref<2000xi32, #tpu.memory_space<hbm>>
        %dma_start3A_149 = tpu.memref_slice %arg4[%add3A_147] : memref<3200000xi32, #tpu.memory_space<hbm>> -> memref<2000xi32, #tpu.memory_space<hbm>>
        tpu.enqueue_dma source(%dma_start3A_149 : memref<2000xi32, #tpu.memory_space<hbm>>) target(%arg8 : memref<2000xi32, #tpu.memory_space<vmem>>) target_semaphore(%arg18 : memref<!tpu.dma_semaphore, #tpu.memory_space<semaphore_mem>>)
        %dma_start3A_150 = tpu.memref_slice %arg5[%add3A_147] : memref<3200000xi32, #tpu.memory_space<hbm>> -> memref<2000xi32, #tpu.memory_space<hbm>>
        %dma_start3A_151 = tpu.memref_slice %arg5[%add3A_147] : memref<3200000xi32, #tpu.memory_space<hbm>> -> memref<2000xi32, #tpu.memory_space<hbm>>
        tpu.enqueue_dma source(%dma_start3A_151 : memref<2000xi32, #tpu.memory_space<hbm>>) target(%arg11 : memref<2000xi32, #tpu.memory_space<vmem>>) target_semaphore(%arg18 : memref<!tpu.dma_semaphore, #tpu.memory_space<semaphore_mem>>)
      } else {
      }
      %add3A_89 = arith.constant 1 : i32
      %add3A_90 = arith.addi %mul3A_64, %add3A_89 : i32
      %dma_wait3A_91 = arith.constant 0 : i32
      %dma_wait3A_92 = tpu.memref_slice %arg4[%dma_wait3A_91] : memref<3200000xi32, #tpu.memory_space<hbm>> -> memref<2000xi32, #tpu.memory_space<hbm>>
      %dma_wait3A_93 = arith.constant 0 : i32
      %dma_wait3A_94 = tpu.memref_slice %arg4[%dma_wait3A_93] : memref<3200000xi32, #tpu.memory_space<hbm>> -> memref<2000xi32, #tpu.memory_space<hbm>>
      tpu.wait_dma2 semaphore(%arg18 : memref<!tpu.dma_semaphore, #tpu.memory_space<semaphore_mem>>) src(%dma_wait3A_94 : memref<2000xi32, #tpu.memory_space<hbm>>) dst(%arg8 : memref<2000xi32, #tpu.memory_space<vmem>>)
      %dma_wait3A_95 = arith.constant 0 : i32
      %dma_wait3A_96 = tpu.memref_slice %arg5[%dma_wait3A_95] : memref<3200000xi32, #tpu.memory_space<hbm>> -> memref<2000xi32, #tpu.memory_space<hbm>>
      %dma_wait3A_97 = arith.constant 0 : i32
      %dma_wait3A_98 = tpu.memref_slice %arg5[%dma_wait3A_97] : memref<3200000xi32, #tpu.memory_space<hbm>> -> memref<2000xi32, #tpu.memory_space<hbm>>
      tpu.wait_dma2 semaphore(%arg18 : memref<!tpu.dma_semaphore, #tpu.memory_space<semaphore_mem>>) src(%dma_wait3A_98 : memref<2000xi32, #tpu.memory_space<hbm>>) dst(%arg11 : memref<2000xi32, #tpu.memory_space<vmem>>)
      %dma_start3A_99 = arith.constant 0 : i32
      %dma_start3A_100 = arith.constant 0 : i32
      %dma_start3A_101 = tpu.memref_slice %arg3[%dma_start3A_99, %dma_start3A_100] : memref<100000x8xf32, #tpu.memory_space<hbm>> -> memref<100000x8xf32, #tpu.memory_space<hbm>>
      tpu.enqueue_indirect_dma source(%dma_start3A_101 : memref<100000x8xf32, #tpu.memory_space<hbm>>) target(%arg14 : memref<2000x8xf32, #tpu.memory_space<vmem>>) offsets(%arg11 : memref<2000xi32, #tpu.memory_space<vmem>>) semaphore(%arg21 : memref<!tpu.dma_semaphore, #tpu.memory_space<semaphore_mem>>)
      %dma_wait3A_102 = arith.constant 0 : i32
      %dma_wait3A_103 = arith.constant 0 : i32
      %dma_wait3A_104 = tpu.memref_slice %arg3[%dma_wait3A_102, %dma_wait3A_103] : memref<100000x8xf32, #tpu.memory_space<hbm>> -> memref<100000x8xf32, #tpu.memory_space<hbm>>
      tpu.wait_indirect_dma semaphore(%arg22 : memref<!tpu.dma_semaphore, #tpu.memory_space<semaphore_mem>>) src(%dma_wait3A_104 : memref<100000x8xf32, #tpu.memory_space<hbm>>) dst(%arg15 : memref<2000x8xf32, #tpu.memory_space<vmem>>)
      %parallel_loop3A_105 = arith.constant 0 : i32
      %parallel_loop3A_106 = arith.constant 2000 : i32
      %parallel_loop3A_107 = arith.constant 16 : i32
      %parallel_loop3A_108 = scf.for %parallel_loop3A_143 = %parallel_loop3A_105 to %parallel_loop3A_106 step %parallel_loop3A_107 iter_args(%parallel_loop3A_144 = %parallel_loop3A_84) -> (vector<16xf32>)  : i32 {
        %parallel_loop3A_145 = arith.index_cast %parallel_loop3A_143 : i32 to index
        %parallel_loop3A_146 = tpu.vector_load %arg9[%parallel_loop3A_145] {strides = array<i32>} : memref<2000xi32, #tpu.memory_space<vmem>>, vector<16xi32>,
        %parallel_loop3A_147 = arith.constant 50000 : i32
        %parallel_loop3A_148 = vector.broadcast %parallel_loop3A_147 : i32 to vector<16xi32>
        %parallel_loop3A_149 = arith.cmpi sge, %parallel_loop3A_146, %parallel_loop3A_148 : vector<16xi32>
        %parallel_loop3A_150 = arith.extui %parallel_loop3A_149 : vector<16xi1> to vector<16xi32>
        %parallel_loop3A_151 = arith.constant 50000 : i32
        %parallel_loop3A_152 = vector.broadcast %parallel_loop3A_151 : i32 to vector<16xi32>
        %parallel_loop3A_153 = arith.muli %parallel_loop3A_150, %parallel_loop3A_152 : vector<16xi32>
        %parallel_loop3A_154 = arith.subi %parallel_loop3A_146, %parallel_loop3A_153 : vector<16xi32>
        %parallel_loop3A_155 = tpu.vector_load_idx %arg7[%parallel_loop3A_154] : memref<50000xi32, #tpu.memory_space<vmem>>[vector<16xi32>], vector<16xi32>,
        %parallel_loop3A_156 = arith.constant 4 : i32
        %parallel_loop3A_157 = vector.broadcast %parallel_loop3A_156 : i32 to vector<16xi32>
        %parallel_loop3A_158 = arith.shli %parallel_loop3A_150, %parallel_loop3A_157 : vector<16xi32>
        %parallel_loop3A_159 = arith.shrui %parallel_loop3A_155, %parallel_loop3A_158 : vector<16xi32>
        %parallel_loop3A_160 = arith.constant 16 : i32
        %parallel_loop3A_161 = vector.broadcast %parallel_loop3A_160 : i32 to vector<16xi32>
        %parallel_loop3A_162 = arith.shli %parallel_loop3A_159, %parallel_loop3A_161 : vector<16xi32>
        %parallel_loop3A_163 = vector.bitcast %parallel_loop3A_162 : vector<16xi32> to vector<16xf32>
        %parallel_loop3A_164 = tpu.iota {dimensions = array<i32: 0>} : vector<16xi32>
        %parallel_loop3A_165 = vector.broadcast %parallel_loop3A_143 : i32 to vector<16xi32>
        %parallel_loop3A_166 = arith.addi %parallel_loop3A_165, %parallel_loop3A_164 : vector<16xi32>
        %parallel_loop3A_167 = arith.constant 0 : i32
        %parallel_loop3A_168 = vector.broadcast %parallel_loop3A_167 : i32 to vector<16xi32>
        %parallel_loop3A_169 = tpu.vector_load_idx %arg15[%parallel_loop3A_166, %parallel_loop3A_168] : memref<2000x8xf32, #tpu.memory_space<vmem>>[vector<16xi32>, vector<16xi32>], vector<16xf32>,
        %parallel_loop3A_170 = arith.constant 1 : i32
        %parallel_loop3A_171 = vector.broadcast %parallel_loop3A_170 : i32 to vector<16xi32>
        %parallel_loop3A_172 = tpu.vector_load_idx %arg15[%parallel_loop3A_166, %parallel_loop3A_171] : memref<2000x8xf32, #tpu.memory_space<vmem>>[vector<16xi32>, vector<16xi32>], vector<16xf32>,
        %parallel_loop3A_173 = arith.constant 2 : i32
        %parallel_loop3A_174 = vector.broadcast %parallel_loop3A_173 : i32 to vector<16xi32>
        %parallel_loop3A_175 = tpu.vector_load_idx %arg15[%parallel_loop3A_166, %parallel_loop3A_174] : memref<2000x8xf32, #tpu.memory_space<vmem>>[vector<16xi32>, vector<16xi32>], vector<16xf32>,
        %parallel_loop3A_176 = arith.constant 3 : i32
        %parallel_loop3A_177 = vector.broadcast %parallel_loop3A_176 : i32 to vector<16xi32>
        %parallel_loop3A_178 = tpu.vector_load_idx %arg15[%parallel_loop3A_166, %parallel_loop3A_177] : memref<2000x8xf32, #tpu.memory_space<vmem>>[vector<16xi32>, vector<16xi32>], vector<16xf32>,
        %parallel_loop3A_179 = arith.subf %parallel_loop3A_163, %parallel_loop3A_169 : vector<16xf32>
        %parallel_loop3A_180 = math.absf %parallel_loop3A_179 : vector<16xf32>
        %parallel_loop3A_181 = arith.mulf %parallel_loop3A_180, %parallel_loop3A_172 : vector<16xf32>
        %parallel_loop3A_182 = arith.subf %parallel_loop3A_181, %parallel_loop3A_175 : vector<16xf32>
        %parallel_loop3A_183 = arith.mulf %parallel_loop3A_182, %parallel_loop3A_182 : vector<16xf32>
        %parallel_loop3A_184 = arith.subf %parallel_loop3A_178, %parallel_loop3A_183 : vector<16xf32>
        %parallel_loop3A_185 = math.absf %parallel_loop3A_184 : vector<16xf32>
        %parallel_loop3A_186 = arith.constant 0.000000e+00 : f32
        %parallel_loop3A_187 = vector.broadcast %parallel_loop3A_186 : f32 to vector<16xf32>
        %parallel_loop3A_188 = arith.subf %parallel_loop3A_187, %parallel_loop3A_185 : vector<16xf32>
        %parallel_loop3A_189 = math.exp %parallel_loop3A_188 : vector<16xf32>
        %parallel_loop3A_190 = arith.constant 2.000000e+00 : f32
        %parallel_loop3A_191 = vector.broadcast %parallel_loop3A_190 : f32 to vector<16xf32>
        %parallel_loop3A_192 = arith.addf %parallel_loop3A_191, %parallel_loop3A_189 : vector<16xf32>
        %parallel_loop3A_193 = arith.divf %parallel_loop3A_189, %parallel_loop3A_192 : vector<16xf32>
        %parallel_loop3A_194 = arith.mulf %parallel_loop3A_193, %parallel_loop3A_193 : vector<16xf32>
        %parallel_loop3A_195 = arith.constant 0.285714298 : f32
        %parallel_loop3A_196 = vector.broadcast %parallel_loop3A_195 : f32 to vector<16xf32>
        %parallel_loop3A_197 = arith.mulf %parallel_loop3A_194, %parallel_loop3A_196 : vector<16xf32>
        %parallel_loop3A_198 = arith.constant 4.000000e-01 : f32
        %parallel_loop3A_199 = vector.broadcast %parallel_loop3A_198 : f32 to vector<16xf32>
        %parallel_loop3A_200 = arith.addf %parallel_loop3A_199, %parallel_loop3A_197 : vector<16xf32>
        %parallel_loop3A_201 = arith.mulf %parallel_loop3A_194, %parallel_loop3A_200 : vector<16xf32>
        %parallel_loop3A_202 = arith.constant 0.666666686 : f32
        %parallel_loop3A_203 = vector.broadcast %parallel_loop3A_202 : f32 to vector<16xf32>
        %parallel_loop3A_204 = arith.addf %parallel_loop3A_203, %parallel_loop3A_201 : vector<16xf32>
        %parallel_loop3A_205 = arith.mulf %parallel_loop3A_194, %parallel_loop3A_204 : vector<16xf32>
        %parallel_loop3A_206 = arith.constant 2.000000e+00 : f32
        %parallel_loop3A_207 = vector.broadcast %parallel_loop3A_206 : f32 to vector<16xf32>
        %parallel_loop3A_208 = arith.addf %parallel_loop3A_207, %parallel_loop3A_205 : vector<16xf32>
        %parallel_loop3A_209 = arith.mulf %parallel_loop3A_193, %parallel_loop3A_208 : vector<16xf32>
        %parallel_loop3A_210 = arith.constant 0.000000e+00 : f32
        %parallel_loop3A_211 = vector.broadcast %parallel_loop3A_210 : f32 to vector<16xf32>
        %parallel_loop3A_212 = arith.maximumf %parallel_loop3A_184, %parallel_loop3A_211 : vector<16xf32>
        %parallel_loop3A_213 = arith.addf %parallel_loop3A_212, %parallel_loop3A_209 : vector<16xf32>
        %parallel_loop3A_214 = arith.addf %parallel_loop3A_144, %parallel_loop3A_213 : vector<16xf32>
        scf.yield %parallel_loop3A_214 : vector<16xf32>
      } {sc.loop_unroll_factor = 4 : i64, sc.parallel_access}
      %add3A_109 = arith.constant 3 : i32
      %add3A_110 = arith.addi %add3A_90, %add3A_109 : i32
      %lt3A_111 = arith.constant 50 : i32
      %lt3A_112 = arith.cmpi slt, %add3A_110, %lt3A_111 : i32
      %convert_element_type3A_113 = arith.extui %lt3A_112 : i1 to i32
      %cond3A_114 = arith.constant 0 : i32
      %cond3A_115 = arith.cmpi ne, %convert_element_type3A_113, %cond3A_114 : i32
      scf.if %cond3A_115 {
        %add3A_143 = arith.constant 3 : i32
        %add3A_144 = arith.addi %add3A_90, %add3A_143 : i32
        %mul3A_145 = arith.constant 2000 : i32
        %mul3A_146 = arith.muli %add3A_144, %mul3A_145 : i32
        %add3A_147 = arith.addi %mul3A_2, %mul3A_146 : i32
        %dma_start3A_148 = tpu.memref_slice %arg4[%add3A_147] : memref<3200000xi32, #tpu.memory_space<hbm>> -> memref<2000xi32, #tpu.memory_space<hbm>>
        %dma_start3A_149 = tpu.memref_slice %arg4[%add3A_147] : memref<3200000xi32, #tpu.memory_space<hbm>> -> memref<2000xi32, #tpu.memory_space<hbm>>
        tpu.enqueue_dma source(%dma_start3A_149 : memref<2000xi32, #tpu.memory_space<hbm>>) target(%arg9 : memref<2000xi32, #tpu.memory_space<vmem>>) target_semaphore(%arg19 : memref<!tpu.dma_semaphore, #tpu.memory_space<semaphore_mem>>)
        %dma_start3A_150 = tpu.memref_slice %arg5[%add3A_147] : memref<3200000xi32, #tpu.memory_space<hbm>> -> memref<2000xi32, #tpu.memory_space<hbm>>
        %dma_start3A_151 = tpu.memref_slice %arg5[%add3A_147] : memref<3200000xi32, #tpu.memory_space<hbm>> -> memref<2000xi32, #tpu.memory_space<hbm>>
        tpu.enqueue_dma source(%dma_start3A_151 : memref<2000xi32, #tpu.memory_space<hbm>>) target(%arg12 : memref<2000xi32, #tpu.memory_space<vmem>>) target_semaphore(%arg19 : memref<!tpu.dma_semaphore, #tpu.memory_space<semaphore_mem>>)
      } else {
      }
      %add3A_116 = arith.constant 2 : i32
      %add3A_117 = arith.addi %mul3A_64, %add3A_116 : i32
      %dma_wait3A_118 = arith.constant 0 : i32
      %dma_wait3A_119 = tpu.memref_slice %arg4[%dma_wait3A_118] : memref<3200000xi32, #tpu.memory_space<hbm>> -> memref<2000xi32, #tpu.memory_space<hbm>>
      %dma_wait3A_120 = arith.constant 0 : i32
      %dma_wait3A_121 = tpu.memref_slice %arg4[%dma_wait3A_120] : memref<3200000xi32, #tpu.memory_space<hbm>> -> memref<2000xi32, #tpu.memory_space<hbm>>
      tpu.wait_dma2 semaphore(%arg19 : memref<!tpu.dma_semaphore, #tpu.memory_space<semaphore_mem>>) src(%dma_wait3A_121 : memref<2000xi32, #tpu.memory_space<hbm>>) dst(%arg9 : memref<2000xi32, #tpu.memory_space<vmem>>)
      %dma_wait3A_122 = arith.constant 0 : i32
      %dma_wait3A_123 = tpu.memref_slice %arg5[%dma_wait3A_122] : memref<3200000xi32, #tpu.memory_space<hbm>> -> memref<2000xi32, #tpu.memory_space<hbm>>
      %dma_wait3A_124 = arith.constant 0 : i32
      %dma_wait3A_125 = tpu.memref_slice %arg5[%dma_wait3A_124] : memref<3200000xi32, #tpu.memory_space<hbm>> -> memref<2000xi32, #tpu.memory_space<hbm>>
      tpu.wait_dma2 semaphore(%arg19 : memref<!tpu.dma_semaphore, #tpu.memory_space<semaphore_mem>>) src(%dma_wait3A_125 : memref<2000xi32, #tpu.memory_space<hbm>>) dst(%arg12 : memref<2000xi32, #tpu.memory_space<vmem>>)
      %dma_start3A_126 = arith.constant 0 : i32
      %dma_start3A_127 = arith.constant 0 : i32
      %dma_start3A_128 = tpu.memref_slice %arg3[%dma_start3A_126, %dma_start3A_127] : memref<100000x8xf32, #tpu.memory_space<hbm>> -> memref<100000x8xf32, #tpu.memory_space<hbm>>
      tpu.enqueue_indirect_dma source(%dma_start3A_128 : memref<100000x8xf32, #tpu.memory_space<hbm>>) target(%arg15 : memref<2000x8xf32, #tpu.memory_space<vmem>>) offsets(%arg12 : memref<2000xi32, #tpu.memory_space<vmem>>) semaphore(%arg22 : memref<!tpu.dma_semaphore, #tpu.memory_space<semaphore_mem>>)
      %dma_wait3A_129 = arith.constant 0 : i32
      %dma_wait3A_130 = arith.constant 0 : i32
      %dma_wait3A_131 = tpu.memref_slice %arg3[%dma_wait3A_129, %dma_wait3A_130] : memref<100000x8xf32, #tpu.memory_space<hbm>> -> memref<100000x8xf32, #tpu.memory_space<hbm>>
      tpu.wait_indirect_dma semaphore(%arg23 : memref<!tpu.dma_semaphore, #tpu.memory_space<semaphore_mem>>) src(%dma_wait3A_131 : memref<100000x8xf32, #tpu.memory_space<hbm>>) dst(%arg16 : memref<2000x8xf32, #tpu.memory_space<vmem>>)
      %parallel_loop3A_132 = arith.constant 0 : i32
      %parallel_loop3A_133 = arith.constant 2000 : i32
      %parallel_loop3A_134 = arith.constant 16 : i32
      %parallel_loop3A_135 = scf.for %parallel_loop3A_143 = %parallel_loop3A_132 to %parallel_loop3A_133 step %parallel_loop3A_134 iter_args(%parallel_loop3A_144 = %parallel_loop3A_108) -> (vector<16xf32>)  : i32 {
        %parallel_loop3A_145 = arith.index_cast %parallel_loop3A_143 : i32 to index
        %parallel_loop3A_146 = tpu.vector_load %arg10[%parallel_loop3A_145] {strides = array<i32>} : memref<2000xi32, #tpu.memory_space<vmem>>, vector<16xi32>,
        %parallel_loop3A_147 = arith.constant 50000 : i32
        %parallel_loop3A_148 = vector.broadcast %parallel_loop3A_147 : i32 to vector<16xi32>
        %parallel_loop3A_149 = arith.cmpi sge, %parallel_loop3A_146, %parallel_loop3A_148 : vector<16xi32>
        %parallel_loop3A_150 = arith.extui %parallel_loop3A_149 : vector<16xi1> to vector<16xi32>
        %parallel_loop3A_151 = arith.constant 50000 : i32
        %parallel_loop3A_152 = vector.broadcast %parallel_loop3A_151 : i32 to vector<16xi32>
        %parallel_loop3A_153 = arith.muli %parallel_loop3A_150, %parallel_loop3A_152 : vector<16xi32>
        %parallel_loop3A_154 = arith.subi %parallel_loop3A_146, %parallel_loop3A_153 : vector<16xi32>
        %parallel_loop3A_155 = tpu.vector_load_idx %arg7[%parallel_loop3A_154] : memref<50000xi32, #tpu.memory_space<vmem>>[vector<16xi32>], vector<16xi32>,
        %parallel_loop3A_156 = arith.constant 4 : i32
        %parallel_loop3A_157 = vector.broadcast %parallel_loop3A_156 : i32 to vector<16xi32>
        %parallel_loop3A_158 = arith.shli %parallel_loop3A_150, %parallel_loop3A_157 : vector<16xi32>
        %parallel_loop3A_159 = arith.shrui %parallel_loop3A_155, %parallel_loop3A_158 : vector<16xi32>
        %parallel_loop3A_160 = arith.constant 16 : i32
        %parallel_loop3A_161 = vector.broadcast %parallel_loop3A_160 : i32 to vector<16xi32>
        %parallel_loop3A_162 = arith.shli %parallel_loop3A_159, %parallel_loop3A_161 : vector<16xi32>
        %parallel_loop3A_163 = vector.bitcast %parallel_loop3A_162 : vector<16xi32> to vector<16xf32>
        %parallel_loop3A_164 = tpu.iota {dimensions = array<i32: 0>} : vector<16xi32>
        %parallel_loop3A_165 = vector.broadcast %parallel_loop3A_143 : i32 to vector<16xi32>
        %parallel_loop3A_166 = arith.addi %parallel_loop3A_165, %parallel_loop3A_164 : vector<16xi32>
        %parallel_loop3A_167 = arith.constant 0 : i32
        %parallel_loop3A_168 = vector.broadcast %parallel_loop3A_167 : i32 to vector<16xi32>
        %parallel_loop3A_169 = tpu.vector_load_idx %arg16[%parallel_loop3A_166, %parallel_loop3A_168] : memref<2000x8xf32, #tpu.memory_space<vmem>>[vector<16xi32>, vector<16xi32>], vector<16xf32>,
        %parallel_loop3A_170 = arith.constant 1 : i32
        %parallel_loop3A_171 = vector.broadcast %parallel_loop3A_170 : i32 to vector<16xi32>
        %parallel_loop3A_172 = tpu.vector_load_idx %arg16[%parallel_loop3A_166, %parallel_loop3A_171] : memref<2000x8xf32, #tpu.memory_space<vmem>>[vector<16xi32>, vector<16xi32>], vector<16xf32>,
        %parallel_loop3A_173 = arith.constant 2 : i32
        %parallel_loop3A_174 = vector.broadcast %parallel_loop3A_173 : i32 to vector<16xi32>
        %parallel_loop3A_175 = tpu.vector_load_idx %arg16[%parallel_loop3A_166, %parallel_loop3A_174] : memref<2000x8xf32, #tpu.memory_space<vmem>>[vector<16xi32>, vector<16xi32>], vector<16xf32>,
        %parallel_loop3A_176 = arith.constant 3 : i32
        %parallel_loop3A_177 = vector.broadcast %parallel_loop3A_176 : i32 to vector<16xi32>
        %parallel_loop3A_178 = tpu.vector_load_idx %arg16[%parallel_loop3A_166, %parallel_loop3A_177] : memref<2000x8xf32, #tpu.memory_space<vmem>>[vector<16xi32>, vector<16xi32>], vector<16xf32>,
        %parallel_loop3A_179 = arith.subf %parallel_loop3A_163, %parallel_loop3A_169 : vector<16xf32>
        %parallel_loop3A_180 = math.absf %parallel_loop3A_179 : vector<16xf32>
        %parallel_loop3A_181 = arith.mulf %parallel_loop3A_180, %parallel_loop3A_172 : vector<16xf32>
        %parallel_loop3A_182 = arith.subf %parallel_loop3A_181, %parallel_loop3A_175 : vector<16xf32>
        %parallel_loop3A_183 = arith.mulf %parallel_loop3A_182, %parallel_loop3A_182 : vector<16xf32>
        %parallel_loop3A_184 = arith.subf %parallel_loop3A_178, %parallel_loop3A_183 : vector<16xf32>
        %parallel_loop3A_185 = math.absf %parallel_loop3A_184 : vector<16xf32>
        %parallel_loop3A_186 = arith.constant 0.000000e+00 : f32
        %parallel_loop3A_187 = vector.broadcast %parallel_loop3A_186 : f32 to vector<16xf32>
        %parallel_loop3A_188 = arith.subf %parallel_loop3A_187, %parallel_loop3A_185 : vector<16xf32>
        %parallel_loop3A_189 = math.exp %parallel_loop3A_188 : vector<16xf32>
        %parallel_loop3A_190 = arith.constant 2.000000e+00 : f32
        %parallel_loop3A_191 = vector.broadcast %parallel_loop3A_190 : f32 to vector<16xf32>
        %parallel_loop3A_192 = arith.addf %parallel_loop3A_191, %parallel_loop3A_189 : vector<16xf32>
        %parallel_loop3A_193 = arith.divf %parallel_loop3A_189, %parallel_loop3A_192 : vector<16xf32>
        %parallel_loop3A_194 = arith.mulf %parallel_loop3A_193, %parallel_loop3A_193 : vector<16xf32>
        %parallel_loop3A_195 = arith.constant 0.285714298 : f32
        %parallel_loop3A_196 = vector.broadcast %parallel_loop3A_195 : f32 to vector<16xf32>
        %parallel_loop3A_197 = arith.mulf %parallel_loop3A_194, %parallel_loop3A_196 : vector<16xf32>
        %parallel_loop3A_198 = arith.constant 4.000000e-01 : f32
        %parallel_loop3A_199 = vector.broadcast %parallel_loop3A_198 : f32 to vector<16xf32>
        %parallel_loop3A_200 = arith.addf %parallel_loop3A_199, %parallel_loop3A_197 : vector<16xf32>
        %parallel_loop3A_201 = arith.mulf %parallel_loop3A_194, %parallel_loop3A_200 : vector<16xf32>
        %parallel_loop3A_202 = arith.constant 0.666666686 : f32
        %parallel_loop3A_203 = vector.broadcast %parallel_loop3A_202 : f32 to vector<16xf32>
        %parallel_loop3A_204 = arith.addf %parallel_loop3A_203, %parallel_loop3A_201 : vector<16xf32>
        %parallel_loop3A_205 = arith.mulf %parallel_loop3A_194, %parallel_loop3A_204 : vector<16xf32>
        %parallel_loop3A_206 = arith.constant 2.000000e+00 : f32
        %parallel_loop3A_207 = vector.broadcast %parallel_loop3A_206 : f32 to vector<16xf32>
        %parallel_loop3A_208 = arith.addf %parallel_loop3A_207, %parallel_loop3A_205 : vector<16xf32>
        %parallel_loop3A_209 = arith.mulf %parallel_loop3A_193, %parallel_loop3A_208 : vector<16xf32>
        %parallel_loop3A_210 = arith.constant 0.000000e+00 : f32
        %parallel_loop3A_211 = vector.broadcast %parallel_loop3A_210 : f32 to vector<16xf32>
        %parallel_loop3A_212 = arith.maximumf %parallel_loop3A_184, %parallel_loop3A_211 : vector<16xf32>
        %parallel_loop3A_213 = arith.addf %parallel_loop3A_212, %parallel_loop3A_209 : vector<16xf32>
        %parallel_loop3A_214 = arith.addf %parallel_loop3A_144, %parallel_loop3A_213 : vector<16xf32>
        scf.yield %parallel_loop3A_214 : vector<16xf32>
      } {sc.loop_unroll_factor = 4 : i64, sc.parallel_access}
      %add3A_136 = arith.constant 3 : i32
      %add3A_137 = arith.addi %add3A_117, %add3A_136 : i32
      %lt3A_138 = arith.constant 50 : i32
      %lt3A_139 = arith.cmpi slt, %add3A_137, %lt3A_138 : i32
      %convert_element_type3A_140 = arith.extui %lt3A_139 : i1 to i32
      %cond3A_141 = arith.constant 0 : i32
      %cond3A_142 = arith.cmpi ne, %convert_element_type3A_140, %cond3A_141 : i32
      scf.if %cond3A_142 {
        %add3A_143 = arith.constant 3 : i32
        %add3A_144 = arith.addi %add3A_117, %add3A_143 : i32
        %mul3A_145 = arith.constant 2000 : i32
        %mul3A_146 = arith.muli %add3A_144, %mul3A_145 : i32
        %add3A_147 = arith.addi %mul3A_2, %mul3A_146 : i32
        %dma_start3A_148 = tpu.memref_slice %arg4[%add3A_147] : memref<3200000xi32, #tpu.memory_space<hbm>> -> memref<2000xi32, #tpu.memory_space<hbm>>
        %dma_start3A_149 = tpu.memref_slice %arg4[%add3A_147] : memref<3200000xi32, #tpu.memory_space<hbm>> -> memref<2000xi32, #tpu.memory_space<hbm>>
        tpu.enqueue_dma source(%dma_start3A_149 : memref<2000xi32, #tpu.memory_space<hbm>>) target(%arg10 : memref<2000xi32, #tpu.memory_space<vmem>>) target_semaphore(%arg20 : memref<!tpu.dma_semaphore, #tpu.memory_space<semaphore_mem>>)
        %dma_start3A_150 = tpu.memref_slice %arg5[%add3A_147] : memref<3200000xi32, #tpu.memory_space<hbm>> -> memref<2000xi32, #tpu.memory_space<hbm>>
        %dma_start3A_151 = tpu.memref_slice %arg5[%add3A_147] : memref<3200000xi32, #tpu.memory_space<hbm>> -> memref<2000xi32, #tpu.memory_space<hbm>>
        tpu.enqueue_dma source(%dma_start3A_151 : memref<2000xi32, #tpu.memory_space<hbm>>) target(%arg13 : memref<2000xi32, #tpu.memory_space<vmem>>) target_semaphore(%arg20 : memref<!tpu.dma_semaphore, #tpu.memory_space<semaphore_mem>>)
      } else {
      }
      scf.yield %parallel_loop3A_135 : vector<16xf32>
    }
    %scan3A_46 = arith.constant 16 : i32
    %dma_wait3A_47 = arith.constant 0 : i32
    %dma_wait3A_48 = arith.constant 0 : i32
    %dma_wait3A_49 = tpu.memref_slice %arg3[%dma_wait3A_47, %dma_wait3A_48] : memref<100000x8xf32, #tpu.memory_space<hbm>> -> memref<100000x8xf32, #tpu.memory_space<hbm>>
    tpu.wait_indirect_dma semaphore(%arg21 : memref<!tpu.dma_semaphore, #tpu.memory_space<semaphore_mem>>) src(%dma_wait3A_49 : memref<100000x8xf32, #tpu.memory_space<hbm>>) dst(%arg14 : memref<2000x8xf32, #tpu.memory_space<vmem>>)
    %parallel_loop3A = arith.constant 0 : i32
    %parallel_loop3A_50 = arith.constant 2000 : i32
    %parallel_loop3A_51 = arith.constant 16 : i32
    %parallel_loop3A_52 = scf.for %parallel_loop3A_61 = %parallel_loop3A to %parallel_loop3A_50 step %parallel_loop3A_51 iter_args(%parallel_loop3A_62 = %scan3A_45) -> (vector<16xf32>)  : i32 {
      %parallel_loop3A_63 = arith.index_cast %parallel_loop3A_61 : i32 to index
      %parallel_loop3A_64 = tpu.vector_load %arg8[%parallel_loop3A_63] {strides = array<i32>} : memref<2000xi32, #tpu.memory_space<vmem>>, vector<16xi32>,
      %parallel_loop3A_65 = arith.constant 50000 : i32
      %parallel_loop3A_66 = vector.broadcast %parallel_loop3A_65 : i32 to vector<16xi32>
      %parallel_loop3A_67 = arith.cmpi sge, %parallel_loop3A_64, %parallel_loop3A_66 : vector<16xi32>
      %parallel_loop3A_68 = arith.extui %parallel_loop3A_67 : vector<16xi1> to vector<16xi32>
      %parallel_loop3A_69 = arith.constant 50000 : i32
      %parallel_loop3A_70 = vector.broadcast %parallel_loop3A_69 : i32 to vector<16xi32>
      %parallel_loop3A_71 = arith.muli %parallel_loop3A_68, %parallel_loop3A_70 : vector<16xi32>
      %parallel_loop3A_72 = arith.subi %parallel_loop3A_64, %parallel_loop3A_71 : vector<16xi32>
      %parallel_loop3A_73 = tpu.vector_load_idx %arg7[%parallel_loop3A_72] : memref<50000xi32, #tpu.memory_space<vmem>>[vector<16xi32>], vector<16xi32>,
      %parallel_loop3A_74 = arith.constant 4 : i32
      %parallel_loop3A_75 = vector.broadcast %parallel_loop3A_74 : i32 to vector<16xi32>
      %parallel_loop3A_76 = arith.shli %parallel_loop3A_68, %parallel_loop3A_75 : vector<16xi32>
      %parallel_loop3A_77 = arith.shrui %parallel_loop3A_73, %parallel_loop3A_76 : vector<16xi32>
      %parallel_loop3A_78 = arith.constant 16 : i32
      %parallel_loop3A_79 = vector.broadcast %parallel_loop3A_78 : i32 to vector<16xi32>
      %parallel_loop3A_80 = arith.shli %parallel_loop3A_77, %parallel_loop3A_79 : vector<16xi32>
      %parallel_loop3A_81 = vector.bitcast %parallel_loop3A_80 : vector<16xi32> to vector<16xf32>
      %parallel_loop3A_82 = tpu.iota {dimensions = array<i32: 0>} : vector<16xi32>
      %parallel_loop3A_83 = vector.broadcast %parallel_loop3A_61 : i32 to vector<16xi32>
      %parallel_loop3A_84 = arith.addi %parallel_loop3A_83, %parallel_loop3A_82 : vector<16xi32>
      %parallel_loop3A_85 = arith.constant 0 : i32
      %parallel_loop3A_86 = vector.broadcast %parallel_loop3A_85 : i32 to vector<16xi32>
      %parallel_loop3A_87 = tpu.vector_load_idx %arg14[%parallel_loop3A_84, %parallel_loop3A_86] : memref<2000x8xf32, #tpu.memory_space<vmem>>[vector<16xi32>, vector<16xi32>], vector<16xf32>,
      %parallel_loop3A_88 = arith.constant 1 : i32
      %parallel_loop3A_89 = vector.broadcast %parallel_loop3A_88 : i32 to vector<16xi32>
      %parallel_loop3A_90 = tpu.vector_load_idx %arg14[%parallel_loop3A_84, %parallel_loop3A_89] : memref<2000x8xf32, #tpu.memory_space<vmem>>[vector<16xi32>, vector<16xi32>], vector<16xf32>,
      %parallel_loop3A_91 = arith.constant 2 : i32
      %parallel_loop3A_92 = vector.broadcast %parallel_loop3A_91 : i32 to vector<16xi32>
      %parallel_loop3A_93 = tpu.vector_load_idx %arg14[%parallel_loop3A_84, %parallel_loop3A_92] : memref<2000x8xf32, #tpu.memory_space<vmem>>[vector<16xi32>, vector<16xi32>], vector<16xf32>,
      %parallel_loop3A_94 = arith.constant 3 : i32
      %parallel_loop3A_95 = vector.broadcast %parallel_loop3A_94 : i32 to vector<16xi32>
      %parallel_loop3A_96 = tpu.vector_load_idx %arg14[%parallel_loop3A_84, %parallel_loop3A_95] : memref<2000x8xf32, #tpu.memory_space<vmem>>[vector<16xi32>, vector<16xi32>], vector<16xf32>,
      %parallel_loop3A_97 = arith.subf %parallel_loop3A_81, %parallel_loop3A_87 : vector<16xf32>
      %parallel_loop3A_98 = math.absf %parallel_loop3A_97 : vector<16xf32>
      %parallel_loop3A_99 = arith.mulf %parallel_loop3A_98, %parallel_loop3A_90 : vector<16xf32>
      %parallel_loop3A_100 = arith.subf %parallel_loop3A_99, %parallel_loop3A_93 : vector<16xf32>
      %parallel_loop3A_101 = arith.mulf %parallel_loop3A_100, %parallel_loop3A_100 : vector<16xf32>
      %parallel_loop3A_102 = arith.subf %parallel_loop3A_96, %parallel_loop3A_101 : vector<16xf32>
      %parallel_loop3A_103 = math.absf %parallel_loop3A_102 : vector<16xf32>
      %parallel_loop3A_104 = arith.constant 0.000000e+00 : f32
      %parallel_loop3A_105 = vector.broadcast %parallel_loop3A_104 : f32 to vector<16xf32>
      %parallel_loop3A_106 = arith.subf %parallel_loop3A_105, %parallel_loop3A_103 : vector<16xf32>
      %parallel_loop3A_107 = math.exp %parallel_loop3A_106 : vector<16xf32>
      %parallel_loop3A_108 = arith.constant 2.000000e+00 : f32
      %parallel_loop3A_109 = vector.broadcast %parallel_loop3A_108 : f32 to vector<16xf32>
      %parallel_loop3A_110 = arith.addf %parallel_loop3A_109, %parallel_loop3A_107 : vector<16xf32>
      %parallel_loop3A_111 = arith.divf %parallel_loop3A_107, %parallel_loop3A_110 : vector<16xf32>
      %parallel_loop3A_112 = arith.mulf %parallel_loop3A_111, %parallel_loop3A_111 : vector<16xf32>
      %parallel_loop3A_113 = arith.constant 0.285714298 : f32
      %parallel_loop3A_114 = vector.broadcast %parallel_loop3A_113 : f32 to vector<16xf32>
      %parallel_loop3A_115 = arith.mulf %parallel_loop3A_112, %parallel_loop3A_114 : vector<16xf32>
      %parallel_loop3A_116 = arith.constant 4.000000e-01 : f32
      %parallel_loop3A_117 = vector.broadcast %parallel_loop3A_116 : f32 to vector<16xf32>
      %parallel_loop3A_118 = arith.addf %parallel_loop3A_117, %parallel_loop3A_115 : vector<16xf32>
      %parallel_loop3A_119 = arith.mulf %parallel_loop3A_112, %parallel_loop3A_118 : vector<16xf32>
      %parallel_loop3A_120 = arith.constant 0.666666686 : f32
      %parallel_loop3A_121 = vector.broadcast %parallel_loop3A_120 : f32 to vector<16xf32>
      %parallel_loop3A_122 = arith.addf %parallel_loop3A_121, %parallel_loop3A_119 : vector<16xf32>
      %parallel_loop3A_123 = arith.mulf %parallel_loop3A_112, %parallel_loop3A_122 : vector<16xf32>
      %parallel_loop3A_124 = arith.constant 2.000000e+00 : f32
      %parallel_loop3A_125 = vector.broadcast %parallel_loop3A_124 : f32 to vector<16xf32>
      %parallel_loop3A_126 = arith.addf %parallel_loop3A_125, %parallel_loop3A_123 : vector<16xf32>
      %parallel_loop3A_127 = arith.mulf %parallel_loop3A_111, %parallel_loop3A_126 : vector<16xf32>
      %parallel_loop3A_128 = arith.constant 0.000000e+00 : f32
      %parallel_loop3A_129 = vector.broadcast %parallel_loop3A_128 : f32 to vector<16xf32>
      %parallel_loop3A_130 = arith.maximumf %parallel_loop3A_102, %parallel_loop3A_129 : vector<16xf32>
      %parallel_loop3A_131 = arith.addf %parallel_loop3A_130, %parallel_loop3A_127 : vector<16xf32>
      %parallel_loop3A_132 = arith.addf %parallel_loop3A_62, %parallel_loop3A_131 : vector<16xf32>
      scf.yield %parallel_loop3A_132 : vector<16xf32>
    } {sc.loop_unroll_factor = 4 : i64, sc.parallel_access}
    %dma_wait3A_53 = arith.constant 0 : i32
    %dma_wait3A_54 = arith.constant 0 : i32
    %dma_wait3A_55 = tpu.memref_slice %arg3[%dma_wait3A_53, %dma_wait3A_54] : memref<100000x8xf32, #tpu.memory_space<hbm>> -> memref<100000x8xf32, #tpu.memory_space<hbm>>
    tpu.wait_indirect_dma semaphore(%arg22 : memref<!tpu.dma_semaphore, #tpu.memory_space<semaphore_mem>>) src(%dma_wait3A_55 : memref<100000x8xf32, #tpu.memory_space<hbm>>) dst(%arg15 : memref<2000x8xf32, #tpu.memory_space<vmem>>)
    %parallel_loop3A_56 = arith.constant 0 : i32
    %parallel_loop3A_57 = arith.constant 2000 : i32
    %parallel_loop3A_58 = arith.constant 16 : i32
    %parallel_loop3A_59 = scf.for %parallel_loop3A_61 = %parallel_loop3A_56 to %parallel_loop3A_57 step %parallel_loop3A_58 iter_args(%parallel_loop3A_62 = %parallel_loop3A_52) -> (vector<16xf32>)  : i32 {
      %parallel_loop3A_63 = arith.index_cast %parallel_loop3A_61 : i32 to index
      %parallel_loop3A_64 = tpu.vector_load %arg9[%parallel_loop3A_63] {strides = array<i32>} : memref<2000xi32, #tpu.memory_space<vmem>>, vector<16xi32>,
      %parallel_loop3A_65 = arith.constant 50000 : i32
      %parallel_loop3A_66 = vector.broadcast %parallel_loop3A_65 : i32 to vector<16xi32>
      %parallel_loop3A_67 = arith.cmpi sge, %parallel_loop3A_64, %parallel_loop3A_66 : vector<16xi32>
      %parallel_loop3A_68 = arith.extui %parallel_loop3A_67 : vector<16xi1> to vector<16xi32>
      %parallel_loop3A_69 = arith.constant 50000 : i32
      %parallel_loop3A_70 = vector.broadcast %parallel_loop3A_69 : i32 to vector<16xi32>
      %parallel_loop3A_71 = arith.muli %parallel_loop3A_68, %parallel_loop3A_70 : vector<16xi32>
      %parallel_loop3A_72 = arith.subi %parallel_loop3A_64, %parallel_loop3A_71 : vector<16xi32>
      %parallel_loop3A_73 = tpu.vector_load_idx %arg7[%parallel_loop3A_72] : memref<50000xi32, #tpu.memory_space<vmem>>[vector<16xi32>], vector<16xi32>,
      %parallel_loop3A_74 = arith.constant 4 : i32
      %parallel_loop3A_75 = vector.broadcast %parallel_loop3A_74 : i32 to vector<16xi32>
      %parallel_loop3A_76 = arith.shli %parallel_loop3A_68, %parallel_loop3A_75 : vector<16xi32>
      %parallel_loop3A_77 = arith.shrui %parallel_loop3A_73, %parallel_loop3A_76 : vector<16xi32>
      %parallel_loop3A_78 = arith.constant 16 : i32
      %parallel_loop3A_79 = vector.broadcast %parallel_loop3A_78 : i32 to vector<16xi32>
      %parallel_loop3A_80 = arith.shli %parallel_loop3A_77, %parallel_loop3A_79 : vector<16xi32>
      %parallel_loop3A_81 = vector.bitcast %parallel_loop3A_80 : vector<16xi32> to vector<16xf32>
      %parallel_loop3A_82 = tpu.iota {dimensions = array<i32: 0>} : vector<16xi32>
      %parallel_loop3A_83 = vector.broadcast %parallel_loop3A_61 : i32 to vector<16xi32>
      %parallel_loop3A_84 = arith.addi %parallel_loop3A_83, %parallel_loop3A_82 : vector<16xi32>
      %parallel_loop3A_85 = arith.constant 0 : i32
      %parallel_loop3A_86 = vector.broadcast %parallel_loop3A_85 : i32 to vector<16xi32>
      %parallel_loop3A_87 = tpu.vector_load_idx %arg15[%parallel_loop3A_84, %parallel_loop3A_86] : memref<2000x8xf32, #tpu.memory_space<vmem>>[vector<16xi32>, vector<16xi32>], vector<16xf32>,
      %parallel_loop3A_88 = arith.constant 1 : i32
      %parallel_loop3A_89 = vector.broadcast %parallel_loop3A_88 : i32 to vector<16xi32>
      %parallel_loop3A_90 = tpu.vector_load_idx %arg15[%parallel_loop3A_84, %parallel_loop3A_89] : memref<2000x8xf32, #tpu.memory_space<vmem>>[vector<16xi32>, vector<16xi32>], vector<16xf32>,
      %parallel_loop3A_91 = arith.constant 2 : i32
      %parallel_loop3A_92 = vector.broadcast %parallel_loop3A_91 : i32 to vector<16xi32>
      %parallel_loop3A_93 = tpu.vector_load_idx %arg15[%parallel_loop3A_84, %parallel_loop3A_92] : memref<2000x8xf32, #tpu.memory_space<vmem>>[vector<16xi32>, vector<16xi32>], vector<16xf32>,
      %parallel_loop3A_94 = arith.constant 3 : i32
      %parallel_loop3A_95 = vector.broadcast %parallel_loop3A_94 : i32 to vector<16xi32>
      %parallel_loop3A_96 = tpu.vector_load_idx %arg15[%parallel_loop3A_84, %parallel_loop3A_95] : memref<2000x8xf32, #tpu.memory_space<vmem>>[vector<16xi32>, vector<16xi32>], vector<16xf32>,
      %parallel_loop3A_97 = arith.subf %parallel_loop3A_81, %parallel_loop3A_87 : vector<16xf32>
      %parallel_loop3A_98 = math.absf %parallel_loop3A_97 : vector<16xf32>
      %parallel_loop3A_99 = arith.mulf %parallel_loop3A_98, %parallel_loop3A_90 : vector<16xf32>
      %parallel_loop3A_100 = arith.subf %parallel_loop3A_99, %parallel_loop3A_93 : vector<16xf32>
      %parallel_loop3A_101 = arith.mulf %parallel_loop3A_100, %parallel_loop3A_100 : vector<16xf32>
      %parallel_loop3A_102 = arith.subf %parallel_loop3A_96, %parallel_loop3A_101 : vector<16xf32>
      %parallel_loop3A_103 = math.absf %parallel_loop3A_102 : vector<16xf32>
      %parallel_loop3A_104 = arith.constant 0.000000e+00 : f32
      %parallel_loop3A_105 = vector.broadcast %parallel_loop3A_104 : f32 to vector<16xf32>
      %parallel_loop3A_106 = arith.subf %parallel_loop3A_105, %parallel_loop3A_103 : vector<16xf32>
      %parallel_loop3A_107 = math.exp %parallel_loop3A_106 : vector<16xf32>
      %parallel_loop3A_108 = arith.constant 2.000000e+00 : f32
      %parallel_loop3A_109 = vector.broadcast %parallel_loop3A_108 : f32 to vector<16xf32>
      %parallel_loop3A_110 = arith.addf %parallel_loop3A_109, %parallel_loop3A_107 : vector<16xf32>
      %parallel_loop3A_111 = arith.divf %parallel_loop3A_107, %parallel_loop3A_110 : vector<16xf32>
      %parallel_loop3A_112 = arith.mulf %parallel_loop3A_111, %parallel_loop3A_111 : vector<16xf32>
      %parallel_loop3A_113 = arith.constant 0.285714298 : f32
      %parallel_loop3A_114 = vector.broadcast %parallel_loop3A_113 : f32 to vector<16xf32>
      %parallel_loop3A_115 = arith.mulf %parallel_loop3A_112, %parallel_loop3A_114 : vector<16xf32>
      %parallel_loop3A_116 = arith.constant 4.000000e-01 : f32
      %parallel_loop3A_117 = vector.broadcast %parallel_loop3A_116 : f32 to vector<16xf32>
      %parallel_loop3A_118 = arith.addf %parallel_loop3A_117, %parallel_loop3A_115 : vector<16xf32>
      %parallel_loop3A_119 = arith.mulf %parallel_loop3A_112, %parallel_loop3A_118 : vector<16xf32>
      %parallel_loop3A_120 = arith.constant 0.666666686 : f32
      %parallel_loop3A_121 = vector.broadcast %parallel_loop3A_120 : f32 to vector<16xf32>
      %parallel_loop3A_122 = arith.addf %parallel_loop3A_121, %parallel_loop3A_119 : vector<16xf32>
      %parallel_loop3A_123 = arith.mulf %parallel_loop3A_112, %parallel_loop3A_122 : vector<16xf32>
      %parallel_loop3A_124 = arith.constant 2.000000e+00 : f32
      %parallel_loop3A_125 = vector.broadcast %parallel_loop3A_124 : f32 to vector<16xf32>
      %parallel_loop3A_126 = arith.addf %parallel_loop3A_125, %parallel_loop3A_123 : vector<16xf32>
      %parallel_loop3A_127 = arith.mulf %parallel_loop3A_111, %parallel_loop3A_126 : vector<16xf32>
      %parallel_loop3A_128 = arith.constant 0.000000e+00 : f32
      %parallel_loop3A_129 = vector.broadcast %parallel_loop3A_128 : f32 to vector<16xf32>
      %parallel_loop3A_130 = arith.maximumf %parallel_loop3A_102, %parallel_loop3A_129 : vector<16xf32>
      %parallel_loop3A_131 = arith.addf %parallel_loop3A_130, %parallel_loop3A_127 : vector<16xf32>
      %parallel_loop3A_132 = arith.addf %parallel_loop3A_62, %parallel_loop3A_131 : vector<16xf32>
      scf.yield %parallel_loop3A_132 : vector<16xf32>
    } {sc.loop_unroll_factor = 4 : i64, sc.parallel_access}
    %swap3A = arith.constant 0 : index
    %swap3A_60 = tpu.vector_load %arg17[%swap3A] {strides = array<i32>} : memref<16xf32, #tpu.memory_space<vmem>>, vector<16xf32>,
    tpu.vector_store %arg17[%swap3A], %parallel_loop3A_59 {strides = array<i32>} : memref<16xf32, #tpu.memory_space<vmem>>, vector<16xf32>,
    "tpu.region"() ({
      %run_scoped3A = tpu.sem_alloc : memref<!tpu.dma_semaphore, #tpu.memory_space<semaphore_mem>>
      %dma_start3A_61 = arith.constant 0 : i32
      %dma_start3A_62 = tpu.memref_slice %arg6[%add3A, %dma_start3A_61] : memref<32x16xf32, #tpu.memory_space<hbm>> -> memref<1x16xf32, #tpu.memory_space<hbm>>
      %dma_start3A_63 = tpu.memref_squeeze %dma_start3A_62 : memref<1x16xf32, #tpu.memory_space<hbm>> -> memref<16xf32, #tpu.memory_space<hbm>>
      %dma_start3A_64 = arith.constant 0 : i32
      %dma_start3A_65 = tpu.memref_slice %arg6[%add3A, %dma_start3A_64] : memref<32x16xf32, #tpu.memory_space<hbm>> -> memref<1x16xf32, #tpu.memory_space<hbm>>
      %dma_start3A_66 = tpu.memref_squeeze %dma_start3A_65 : memref<1x16xf32, #tpu.memory_space<hbm>> -> memref<16xf32, #tpu.memory_space<hbm>>
      tpu.enqueue_dma source(%arg17 : memref<16xf32, #tpu.memory_space<vmem>>) target(%dma_start3A_66 : memref<16xf32, #tpu.memory_space<hbm>>) target_semaphore(%run_scoped3A : memref<!tpu.dma_semaphore, #tpu.memory_space<semaphore_mem>>)
      %dma_wait3A_67 = arith.constant 0 : i32
      %dma_wait3A_68 = tpu.memref_slice %arg6[%add3A, %dma_wait3A_67] : memref<32x16xf32, #tpu.memory_space<hbm>> -> memref<1x16xf32, #tpu.memory_space<hbm>>
      %dma_wait3A_69 = tpu.memref_squeeze %dma_wait3A_68 : memref<1x16xf32, #tpu.memory_space<hbm>> -> memref<16xf32, #tpu.memory_space<hbm>>
      %dma_wait3A_70 = arith.constant 0 : i32
      %dma_wait3A_71 = tpu.memref_slice %arg6[%add3A, %dma_wait3A_70] : memref<32x16xf32, #tpu.memory_space<hbm>> -> memref<1x16xf32, #tpu.memory_space<hbm>>
      %dma_wait3A_72 = tpu.memref_squeeze %dma_wait3A_71 : memref<1x16xf32, #tpu.memory_space<hbm>> -> memref<16xf32, #tpu.memory_space<hbm>>
      tpu.wait_dma2 semaphore(%run_scoped3A : memref<!tpu.dma_semaphore, #tpu.memory_space<semaphore_mem>>) src(%arg17 : memref<16xf32, #tpu.memory_space<vmem>>) dst(%dma_wait3A_72 : memref<16xf32, #tpu.memory_space<hbm>>)
      tpu.yield
    }) : () -> ()
    return
  }
}

module attributes {stable_mosaic.version = 14 : i64} {
  func.func @_table_body(%arg0: memref<100000xf32, #tpu.memory_space<vmem>>, %arg1: memref<100000xf32, #tpu.memory_space<vmem>>, %arg2: memref<100000xf32, #tpu.memory_space<vmem>>, %arg3: memref<100000xf32, #tpu.memory_space<vmem>>, %arg4: memref<8x100000xf32, #tpu.memory_space<vmem>>, %arg5: memref<50000xi32, #tpu.memory_space<vmem>>) attributes {dimension_semantics = [], scalar_prefetch = 0 : i64, scratch_operands = 0 : i64, tpu.core_type = #tpu.core_type<tc>} {
    %get3A = arith.constant 0 : index
    %get3A_0 = vector.load %arg0[%get3A] : memref<100000xf32, #tpu.memory_space<vmem>>, vector<100000xf32>
    %get3A_1 = arith.constant 0 : index
    %get3A_2 = vector.load %arg1[%get3A_1] : memref<100000xf32, #tpu.memory_space<vmem>>, vector<100000xf32>
    %custom_jvp_call3A = arith.constant 0.000000e+00 : f32
    %max3A = vector.broadcast %custom_jvp_call3A : f32 to vector<100000xf32>
    %max3A_3 = arith.maximumf %get3A_2, %max3A : vector<100000xf32>
    %sub3A = vector.broadcast %custom_jvp_call3A : f32 to vector<100000xf32>
    %sub3A_4 = arith.subf %get3A_2, %sub3A : vector<100000xf32>
    %ne3A = arith.cmpf one, %sub3A_4, %sub3A_4 : vector<100000xf32>
    %add3A = vector.broadcast %custom_jvp_call3A : f32 to vector<100000xf32>
    %add3A_5 = arith.addf %get3A_2, %add3A : vector<100000xf32>
    %abs3A = math.absf %sub3A_4 : vector<100000xf32>
    %neg3A = arith.constant 0.000000e+00 : f32
    %neg3A_6 = vector.broadcast %neg3A : f32 to vector<100000xf32>
    %neg3A_7 = arith.subf %neg3A_6, %abs3A : vector<100000xf32>
    %exp3A = math.exp %neg3A_7 : vector<100000xf32>
    %log1p3A = math.log1p %exp3A : vector<100000xf32>
    %add3A_8 = arith.addf %max3A_3, %log1p3A : vector<100000xf32>
    %select_n3A = arith.select %ne3A, %add3A_5, %add3A_8 : vector<100000xi1>, vector<100000xf32>
    %get3A_9 = arith.constant 0 : index
    %get3A_10 = vector.load %arg2[%get3A_9] : memref<100000xf32, #tpu.memory_space<vmem>>, vector<100000xf32>
    %custom_jvp_call3A_11 = arith.constant 0.000000e+00 : f32
    %max3A_12 = vector.broadcast %custom_jvp_call3A_11 : f32 to vector<100000xf32>
    %max3A_13 = arith.maximumf %get3A_10, %max3A_12 : vector<100000xf32>
    %sub3A_14 = vector.broadcast %custom_jvp_call3A_11 : f32 to vector<100000xf32>
    %sub3A_15 = arith.subf %get3A_10, %sub3A_14 : vector<100000xf32>
    %ne3A_16 = arith.cmpf one, %sub3A_15, %sub3A_15 : vector<100000xf32>
    %add3A_17 = vector.broadcast %custom_jvp_call3A_11 : f32 to vector<100000xf32>
    %add3A_18 = arith.addf %get3A_10, %add3A_17 : vector<100000xf32>
    %abs3A_19 = math.absf %sub3A_15 : vector<100000xf32>
    %neg3A_20 = arith.constant 0.000000e+00 : f32
    %neg3A_21 = vector.broadcast %neg3A_20 : f32 to vector<100000xf32>
    %neg3A_22 = arith.subf %neg3A_21, %abs3A_19 : vector<100000xf32>
    %exp3A_23 = math.exp %neg3A_22 : vector<100000xf32>
    %log1p3A_24 = math.log1p %exp3A_23 : vector<100000xf32>
    %add3A_25 = arith.addf %max3A_13, %log1p3A_24 : vector<100000xf32>
    %select_n3A_26 = arith.select %ne3A_16, %add3A_18, %add3A_25 : vector<100000xi1>, vector<100000xf32>
    %add3A_27 = arith.constant 9.99999997E-7 : f32
    %add3A_28 = vector.broadcast %add3A_27 : f32 to vector<100000xf32>
    %add3A_29 = arith.addf %select_n3A_26, %add3A_28 : vector<100000xf32>
    %div3A = arith.constant 1.000000e+00 : f32
    %div3A_30 = vector.broadcast %div3A : f32 to vector<100000xf32>
    %div3A_31 = arith.divf %div3A_30, %add3A_29 : vector<100000xf32>
    %mul3A = arith.mulf %select_n3A, %div3A_31 : vector<100000xf32>
    %mul3A_32 = arith.constant 0.707106769 : f32
    %mul3A_33 = vector.broadcast %mul3A_32 : f32 to vector<100000xf32>
    %mul3A_34 = arith.mulf %mul3A, %mul3A_33 : vector<100000xf32>
    %erf3A = math.erf %mul3A_34 : vector<100000xf32>
    %add3A_35 = arith.constant 1.000000e+00 : f32
    %add3A_36 = vector.broadcast %add3A_35 : f32 to vector<100000xf32>
    %add3A_37 = arith.addf %add3A_36, %erf3A : vector<100000xf32>
    %mul3A_38 = arith.constant 5.000000e-01 : f32
    %mul3A_39 = vector.broadcast %mul3A_38 : f32 to vector<100000xf32>
    %mul3A_40 = arith.mulf %mul3A_39, %add3A_37 : vector<100000xf32>
    %log3A = math.log %add3A_29 : vector<100000xf32>
    %add3A_41 = arith.constant 0.918938517 : f32
    %add3A_42 = vector.broadcast %add3A_41 : f32 to vector<100000xf32>
    %add3A_43 = arith.addf %add3A_42, %log3A : vector<100000xf32>
    %log3A_44 = math.log %mul3A_40 : vector<100000xf32>
    %add3A_45 = arith.addf %add3A_43, %log3A_44 : vector<100000xf32>
    %neg3A_46 = arith.constant 0.000000e+00 : f32
    %neg3A_47 = vector.broadcast %neg3A_46 : f32 to vector<100000xf32>
    %neg3A_48 = arith.subf %neg3A_47, %add3A_45 : vector<100000xf32>
    %mul3A_49 = arith.constant 0.707106769 : f32
    %mul3A_50 = vector.broadcast %mul3A_49 : f32 to vector<100000xf32>
    %mul3A_51 = arith.mulf %div3A_31, %mul3A_50 : vector<100000xf32>
    %swap3A = arith.constant 0 : index
    %swap3A_52 = arith.constant 0 : index
    %swap3A_53 = vector.load %arg4[%swap3A, %swap3A_52] : memref<8x100000xf32, #tpu.memory_space<vmem>>, vector<1x100000xf32>
    %swap3A_54 = vector.shape_cast %swap3A_53 : vector<1x100000xf32> to vector<100000xf32>
    %swap3A_55 = vector.shape_cast %get3A_0 : vector<100000xf32> to vector<1x100000xf32>
    tpu.vector_store %arg4[%swap3A, %swap3A_52], %swap3A_55 {strides = array<i32>} : memref<8x100000xf32, #tpu.memory_space<vmem>>, vector<1x100000xf32>,
    %swap3A_56 = arith.constant 1 : index
    %swap3A_57 = arith.constant 0 : index
    %swap3A_58 = vector.load %arg4[%swap3A_56, %swap3A_57] : memref<8x100000xf32, #tpu.memory_space<vmem>>, vector<1x100000xf32>
    %swap3A_59 = vector.shape_cast %swap3A_58 : vector<1x100000xf32> to vector<100000xf32>
    %swap3A_60 = vector.shape_cast %mul3A_51 : vector<100000xf32> to vector<1x100000xf32>
    tpu.vector_store %arg4[%swap3A_56, %swap3A_57], %swap3A_60 {strides = array<i32>} : memref<8x100000xf32, #tpu.memory_space<vmem>>, vector<1x100000xf32>,
    %mul3A_61 = arith.mulf %select_n3A, %mul3A_51 : vector<100000xf32>
    %swap3A_62 = arith.constant 2 : index
    %swap3A_63 = arith.constant 0 : index
    %swap3A_64 = vector.load %arg4[%swap3A_62, %swap3A_63] : memref<8x100000xf32, #tpu.memory_space<vmem>>, vector<1x100000xf32>
    %swap3A_65 = vector.shape_cast %swap3A_64 : vector<1x100000xf32> to vector<100000xf32>
    %swap3A_66 = vector.shape_cast %mul3A_61 : vector<100000xf32> to vector<1x100000xf32>
    tpu.vector_store %arg4[%swap3A_62, %swap3A_63], %swap3A_66 {strides = array<i32>} : memref<8x100000xf32, #tpu.memory_space<vmem>>, vector<1x100000xf32>,
    %sub3A_67 = arith.constant -13.8155107 : f32
    %sub3A_68 = vector.broadcast %sub3A_67 : f32 to vector<100000xf32>
    %sub3A_69 = arith.subf %neg3A_48, %sub3A_68 : vector<100000xf32>
    %swap3A_70 = arith.constant 3 : index
    %swap3A_71 = arith.constant 0 : index
    %swap3A_72 = vector.load %arg4[%swap3A_70, %swap3A_71] : memref<8x100000xf32, #tpu.memory_space<vmem>>, vector<1x100000xf32>
    %swap3A_73 = vector.shape_cast %swap3A_72 : vector<1x100000xf32> to vector<100000xf32>
    %swap3A_74 = vector.shape_cast %sub3A_69 : vector<100000xf32> to vector<1x100000xf32>
    tpu.vector_store %arg4[%swap3A_70, %swap3A_71], %swap3A_74 {strides = array<i32>} : memref<8x100000xf32, #tpu.memory_space<vmem>>, vector<1x100000xf32>,
    %broadcast_in_dim3A = arith.constant 0.000000e+00 : f32
    %broadcast_in_dim3A_75 = vector.broadcast %broadcast_in_dim3A : f32 to vector<100000xf32>
    %swap3A_76 = arith.constant 4 : index
    %swap3A_77 = arith.constant 0 : index
    %swap3A_78 = vector.load %arg4[%swap3A_76, %swap3A_77] : memref<8x100000xf32, #tpu.memory_space<vmem>>, vector<1x100000xf32>
    %swap3A_79 = vector.shape_cast %swap3A_78 : vector<1x100000xf32> to vector<100000xf32>
    %swap3A_80 = vector.shape_cast %broadcast_in_dim3A_75 : vector<100000xf32> to vector<1x100000xf32>
    tpu.vector_store %arg4[%swap3A_76, %swap3A_77], %swap3A_80 {strides = array<i32>} : memref<8x100000xf32, #tpu.memory_space<vmem>>, vector<1x100000xf32>,
    %broadcast_in_dim3A_81 = arith.constant 0.000000e+00 : f32
    %broadcast_in_dim3A_82 = vector.broadcast %broadcast_in_dim3A_81 : f32 to vector<100000xf32>
    %swap3A_83 = arith.constant 5 : index
    %swap3A_84 = arith.constant 0 : index
    %swap3A_85 = vector.load %arg4[%swap3A_83, %swap3A_84] : memref<8x100000xf32, #tpu.memory_space<vmem>>, vector<1x100000xf32>
    %swap3A_86 = vector.shape_cast %swap3A_85 : vector<1x100000xf32> to vector<100000xf32>
    %swap3A_87 = vector.shape_cast %broadcast_in_dim3A_82 : vector<100000xf32> to vector<1x100000xf32>
    tpu.vector_store %arg4[%swap3A_83, %swap3A_84], %swap3A_87 {strides = array<i32>} : memref<8x100000xf32, #tpu.memory_space<vmem>>, vector<1x100000xf32>,
    %broadcast_in_dim3A_88 = arith.constant 0.000000e+00 : f32
    %broadcast_in_dim3A_89 = vector.broadcast %broadcast_in_dim3A_88 : f32 to vector<100000xf32>
    %swap3A_90 = arith.constant 6 : index
    %swap3A_91 = arith.constant 0 : index
    %swap3A_92 = vector.load %arg4[%swap3A_90, %swap3A_91] : memref<8x100000xf32, #tpu.memory_space<vmem>>, vector<1x100000xf32>
    %swap3A_93 = vector.shape_cast %swap3A_92 : vector<1x100000xf32> to vector<100000xf32>
    %swap3A_94 = vector.shape_cast %broadcast_in_dim3A_89 : vector<100000xf32> to vector<1x100000xf32>
    tpu.vector_store %arg4[%swap3A_90, %swap3A_91], %swap3A_94 {strides = array<i32>} : memref<8x100000xf32, #tpu.memory_space<vmem>>, vector<1x100000xf32>,
    %broadcast_in_dim3A_95 = arith.constant 0.000000e+00 : f32
    %broadcast_in_dim3A_96 = vector.broadcast %broadcast_in_dim3A_95 : f32 to vector<100000xf32>
    %swap3A_97 = arith.constant 7 : index
    %swap3A_98 = arith.constant 0 : index
    %swap3A_99 = vector.load %arg4[%swap3A_97, %swap3A_98] : memref<8x100000xf32, #tpu.memory_space<vmem>>, vector<1x100000xf32>
    %swap3A_100 = vector.shape_cast %swap3A_99 : vector<1x100000xf32> to vector<100000xf32>
    %swap3A_101 = vector.shape_cast %broadcast_in_dim3A_96 : vector<100000xf32> to vector<1x100000xf32>
    tpu.vector_store %arg4[%swap3A_97, %swap3A_98], %swap3A_101 {strides = array<i32>} : memref<8x100000xf32, #tpu.memory_space<vmem>>, vector<1x100000xf32>,
    %get3A_102 = arith.constant 0 : index
    %get3A_103 = vector.load %arg3[%get3A_102] : memref<100000xf32, #tpu.memory_space<vmem>>, vector<100000xf32>
    %bitcast_convert_type3A = tpu.bitcast %get3A_103 : vector<100000xf32> -> vector<100000xi32>
    %add3A_104 = arith.constant 32767 : i32
    %add3A_105 = vector.broadcast %add3A_104 : i32 to vector<100000xi32>
    %add3A_106 = arith.addi %bitcast_convert_type3A, %add3A_105 : vector<100000xi32>
    %shift_right_logical3A = arith.constant 16 : i32
    %shift_right_logical3A_107 = vector.broadcast %shift_right_logical3A : i32 to vector<100000xi32>
    %shift_right_logical3A_108 = arith.shrui %bitcast_convert_type3A, %shift_right_logical3A_107 : vector<100000xi32>
    %and3A = arith.constant 1 : i32
    %and3A_109 = vector.broadcast %and3A : i32 to vector<100000xi32>
    %and3A_110 = arith.andi %shift_right_logical3A_108, %and3A_109 : vector<100000xi32>
    %add3A_111 = arith.addi %add3A_106, %and3A_110 : vector<100000xi32>
    %shift_right_logical3A_112 = arith.constant 16 : i32
    %shift_right_logical3A_113 = vector.broadcast %shift_right_logical3A_112 : i32 to vector<100000xi32>
    %shift_right_logical3A_114 = arith.shrui %add3A_111, %shift_right_logical3A_113 : vector<100000xi32>
    %slice3A = vector.extract_strided_slice %shift_right_logical3A_114 {offsets = [0], sizes = [50000], strides = [1]} : vector<100000xi32> to vector<50000xi32>
    %slice3A_115 = vector.extract_strided_slice %shift_right_logical3A_114 {offsets = [50000], sizes = [50000], strides = [1]} : vector<100000xi32> to vector<50000xi32>
    %shift_left3A = arith.constant 16 : i32
    %shift_left3A_116 = vector.broadcast %shift_left3A : i32 to vector<50000xi32>
    %shift_left3A_117 = arith.shli %slice3A_115, %shift_left3A_116 : vector<50000xi32>
    %or3A = arith.ori %slice3A, %shift_left3A_117 : vector<50000xi32>
    %swap3A_118 = arith.constant 0 : index
    %swap3A_119 = vector.load %arg5[%swap3A_118] : memref<50000xi32, #tpu.memory_space<vmem>>, vector<50000xi32>
    tpu.vector_store %arg5[%swap3A_118], %or3A {strides = array<i32>} : memref<50000xi32, #tpu.memory_space<vmem>>, vector<50000xi32>,
    return
  }
}

</mosaic_0001>

<sc_bundles>
// kernel: kernel.4.cloned.1.call-start
scs
__scs_entry_jumppad:
0x0: {  	(pc) =	sbr.rel $0x88, $3  }
0x1: {  	(tag) =	ssettag $0x0;
	lr =	simm.s32 $0x1  }
0x2: {  	[smem:$0x3F9B] =	sst lr;
	_ =	strace $0xD0000000  }
0x3: {  	_ = 	snop  }
0x4: {  	_ = 	snop  }
0x5: {  	_ = 	snop  }
0x6: {  	_ = 	snop  }
0x7: {  	_ = 	snop  }
__scs_overlays_trampoline_lowered:
0x8: {  	[smem:$0x3FAA] =	sst s0  }
0x9: {  	[smem:$0x3FAB] =	sst s1  }
0xa: {  	[smem:$0x3FAC] =	sst s2  }
0xb: {  	[smem:$0x3FAD] =	sst s3  }
0xc: {  	[smem:$0x3FAE] =	sst s4  }
0xd: {  	[smem:$0x3FAF] =	sst s5  }
0xe: {  	[smem:$0x3FB0] =	sst s6  }
0xf: {  	[smem:$0x3FB1] =	sst s7  }
0x10: {  	[smem:$0x3FB2] =	sst s8  }
0x11: {  	[smem:$0x3FB3] =	sst s9;
	s0 =	simm.s32 @!p0 $0x0  }
0x12: {  	s1 =	sld [smem:$0x3F99];
	s0 =	simm.s32 @p0 $0x1  }
0x13: {  	[smem:$0x3FB4] =	sst s0;
	s0 =	simm.s32 @!p1 $0x0  }
0x14: {  	s2 =	sld [smem:$0x3F98];
	s0 =	simm.s32 @p1 $0x1  }
0x15: {  	[smem:$0x3FB5] =	sst s0;
	s0 =	simm.s32 @!p2 $0x0  }
0x16: {  	s3 =	sld [smem:$0x3FDB];
	s0 =	simm.s32 @p2 $0x1  }
0x17: {  	s4 =	simm.s32 $0x1BF5;
	[smem:$0x3FB7] =	sst s0  }
0x18: {  	s0 =	sld [smem:$0x3F9A];
	_ =	swait.ge [sflag:s4], $0x0  }
0x19: {  	s7 =	sld [smem:$0x3F9B]  }
0x1a: {  	s8 =	sadd.s32 $0xFFFFE003, lr  }
0x1b: {  	s9 =	sadd.s32 $0xFFFFFEF7, lr;
	s5 =	simm.s32 $0xFFFFFFFF;
	p2 =	slt.u32 s8, $0xFFFFF086  }
0x1c: {  	p1 =	slt.u32 s9, $0xF7A;
	s5 =	simm.s32 @!p2 $0x0  }
0x1d: {  	s5 =	simm.s32 @p1 $0x1;
	p0 =	seq.s32 s7, s2  }
0x1e: {  	s7 =	smul.u32 @!p0 $0xF7A, s2;
	p2 =	seq.s32 @!p0 s5, $0x0  }
0x1f: {  	s9 =	smul.u32 $0xF7A, s1;
	s8 =	simm.s32 @!p0 $0x1BF5;
	p2 =	por !p2, p0  }
0x20: {  	[sflag:s8] =	ssyncset.s32 @!p0 $0xFFFFF086;
	s6 =	sadd.s32 @!p0 s3, s7;
	s7 =	simm.s32 @!p0 $0x108  }
0x21: {  	s3 =	sadd.s32 s3, s9;
	s6 =	sadd.s32 @!p0 $0x88, s6;
	s7 =	simm.s32 @p2 $0x1082  }
0x22: {  	[simem:s7], [sflag:s8] =	dma.local @!p0 [hbm:s6], $0xF7A  }
0x23: {  	s9 =	sor.u32 $0xD0000000, s2;
	s6 =	simm.s32 $0x108;
	_ =	swait.ge @!p0 [sflag:s8], $0x0  }
0x24: {  	s3 =	sadd.s32 $0x88, s3;
	s6 =	simm.s32 @!p1 $0x1082;
	[sflag:s4] =	ssyncset.s32 $0xFFFFF086  }
0x25: {  	[simem:s6], [sflag:s4] =	dma.local [hbm:s3], $0xF7A  }
0x26: {  	[smem:$0x3F9B] =	sst s1;
	(tag) =	ssettag s2;
	_ =	strace s9  }
0x27: {  	s1 =	sld [smem:$0x3FAB]  }
0x28: {  	s2 =	sld [smem:$0x3FAC]  }
0x29: {  	s4 =	sld [smem:$0x3FAE]  }
0x2a: {  	p0 =	seq.s32 s5, $0x0;
	s5 =	sld [smem:$0x3FAF]  }
0x2b: {  	s6 =	sld [smem:$0x3FB0]  }
0x2c: {  	s7 =	sld [smem:$0x3FB1]  }
0x2d: {  	s3 =	simm.s32 $0x108;
	s8 =	sld [smem:$0x3FB2]  }
0x2e: {  	s3 =	simm.s32 @!p0 $0x1082;
	s9 =	sld [smem:$0x3FB3]  }
0x2f: {  	lr =	sadd.s32 s0, s3;
	s0 =	sld [smem:$0x3FAA]  }
0x30: {  	s3 =	sld [smem:$0x3FAD]  }
0x31: {  	[smem:$0x3FB6] =	sst s10  }
0x32: {  	s10 =	sld [smem:$0x3FB4];
	_ =	sdelay $0x3  }
0x33: {  	p0 =	seq.s32 s10, $0x1;
	s10 =	sld [smem:$0x3FB6];
	_ =	sdelay $0x3  }
0x34: {  	[smem:$0x3FB6] =	sst s10  }
0x35: {  	s10 =	sld [smem:$0x3FB5];
	_ =	sdelay $0x3  }
0x36: {  	p1 =	seq.s32 s10, $0x1;
	s10 =	sld [smem:$0x3FB6];
	_ =	sdelay $0x3  }
0x37: {  	[smem:$0x3FB6] =	sst s10  }
0x38: {  	s10 =	sld [smem:$0x3FB7]  }
0x39: {  	_ = 	snop;
	(pc) =	sbr.ind lr, $3  }
0x3a: {  	_ = 	snop  }
0x3b: {  	_ = 	snop  }
0x3c: {  	p2 =	seq.s32 s10, $0x1;
	s10 =	sld [smem:$0x3FB6]  }
0x3d: {  	_ =	shalt  }
0x3e: {  	_ =	shalt  }
0x3f: {  	_ =	shalt  }
0x40: {  	_ =	shalt  }
0x41: {  	_ =	shalt  }
0x42: {  	_ =	shalt  }
0x43: {  	_ =	shalt  }
0x44: {  	_ =	shalt  }
0x45: {  	_ =	shalt  }
0x46: {  	_ =	shalt  }
0x47: {  	_ =	shalt  }
0x48: {  	_ =	shalt  }
0x49: {  	_ =	shalt  }
0x4a: {  	_ =	shalt  }
0x4b: {  	_ =	shalt  }
0x4c: {  	_ =	shalt  }
0x4d: {  	_ =	shalt  }
0x4e: {  	_ =	shalt  }
0x4f: {  	_ =	shalt  }
0x50: {  	_ =	shalt  }
0x51: {  	_ =	shalt  }
0x52: {  	_ =	shalt  }
0x53: {  	_ =	shalt  }
0x54: {  	_ =	shalt  }
0x55: {  	_ =	shalt  }
0x56: {  	_ =	shalt  }
0x57: {  	_ =	shalt  }
0x58: {  	_ =	shalt  }
0x59: {  	_ =	shalt  }
0x5a: {  	_ =	shalt  }
0x5b: {  	_ =	shalt  }
0x5c: {  	_ =	shalt  }
0x5d: {  	_ =	shalt  }
0x5e: {  	_ =	shalt  }
0x5f: {  	_ =	shalt  }
0x60: {  	_ =	shalt  }
0x61: {  	_ =	shalt  }
0x62: {  	_ =	shalt  }
0x63: {  	_ =	shalt  }
0x64: {  	_ =	shalt  }
0x65: {  	_ =	shalt  }
0x66: {  	_ =	shalt  }
0x67: {  	_ =	shalt  }
0x68: {  	_ =	shalt  }
0x69: {  	_ =	shalt  }
0x6a: {  	_ =	shalt  }
0x6b: {  	_ =	shalt  }
0x6c: {  	_ =	shalt  }
0x6d: {  	_ =	shalt  }
0x6e: {  	_ =	shalt  }
0x6f: {  	_ =	shalt  }
0x70: {  	_ =	shalt  }
0x71: {  	_ =	shalt  }
0x72: {  	_ =	shalt  }
0x73: {  	_ =	shalt  }
0x74: {  	_ =	shalt  }
0x75: {  	_ =	shalt  }
0x76: {  	_ =	shalt  }
0x77: {  	_ =	shalt  }
0x78: {  	_ =	shalt  }
0x79: {  	_ =	shalt  }
0x7a: {  	_ =	shalt  }
0x7b: {  	_ =	shalt  }
0x7c: {  	_ =	shalt  }
0x7d: {  	_ =	shalt  }
0x7e: {  	_ =	shalt  }
0x7f: {  	_ =	shalt  }
0x80: {  	_ =	shalt  }
0x81: {  	_ =	shalt  }
0x82: {  	_ =	shalt  }
0x83: {  	_ =	shalt  }
0x84: {  	_ =	shalt  }
0x85: {  	_ =	shalt  }
0x86: {  	_ =	shalt  }
0x87: {  	_ =	shalt  }
.Lfunc_end0:
.L_simem_size_0:
called_computation_lowered:
.L_overlay_start_0:
0x88: {  	s2 =	sld [smem:$0x3FD9]  }
0x89: {  	s3 =	sld [smem:$0x3FFE];
	_ =	sdelay $0x1  }
0x8a: {  	s1 =	srdreg.scid  }
0x8b: {  	s0 =	sand.u32 $0x1, s1  }
0x8c: {  	s17 =	sshll.u32 s0, $0xA;
	s2 =	sadd.s32 s3, s2  }
0x8d: {  	s2 =	sadd.s32 s2, s17  }
0x8e: {  	[smem:$0x3FC2] =	sst s2  }
0x8f: {  	_ = 	snop  }
0x90: {  	s2 =	sld [smem:$0x3FC5]  }
0x91: {  	s18 =	sld [smem:$0x3FC4];
	(tm) =	ssettm $0x1  }
0x92: {  	s4 =	sld [smem:$0x3FFB];
	_ =	sdelay $0x3  }
0x93: {  	_ =	strace s4  }
0x94: {  	s4 =	sld [smem:$0x3FFC];
	_ =	sdelay $0x3  }
0x95: {  	_ =	strace s4  }
0x96: {  	s4 =	sld [smem:$0x3FFD];
	_ =	sdelay $0x3  }
0x97: {  	_ =	strace s4  }
0x98: {  	_ =	strace $0x8FFFFFFF  }
0x99: {  	s19 =	sld [smem:$0x3FDB];
	_ =	sdelay $0x1  }
0x9a: {  	s5 =	simm.s32 $_scs_section_size  }
0x9b: {  	s6 =	simm.s32 $_size__tile_overlayer_lowered;
	s7 =	simm.s32 $_tile_overlayer_lowered  }
0x9c: {  	s22 =	simm.s32 $0x1BFF;
	s21 =	sshll.u32 s7, $0x1;
	s4 =	sadd.s32 s5, s19  }
0x9d: {  	s8 =	simm.s32 $0x0;
	s20 =	sshll.u32 s6, $0x1;
	s6 =	sadd.s32 s21, s4  }
0x9e: {  	[timem:s8], [sflag:s22] =	dma.local [hbm:s6], s20  }
0x9f: {  	_ =	swait.ge [sflag:s22], s20  }
0xa0: {  	s5 =	ssub.s32 $0x0, s20;
	[sflag:s22] =	ssyncset.done $0x0  }
0xa1: {  	[sflag:s22] =	ssyncadd.s32 s5;
	_ =	sdelay $0x1  }
0xa2: {  	s23 =	simm.s32 $0x1B8B  }
0xa3: {  	_ =	swait.ge [sflag:s23], $0x1  }
0xa4: {  	[sflag:s23] =	ssyncset.done $0x0  }
0xa5: {  	s25 =	simm.s32 $0x1B8E;
	s24 =	sld [smem:$0x3FFE];
	[sflag:s23] =	ssyncadd.s32 $0xFFFFFFFF  }
0xa6: {  	s26 =	simm.s32 $execute0_lowered;
	[smem:$0x3FD2] =	sst s25  }
0xa7: {  	s6 =	sshll.u32 s26, $0x1;
	_ =	strace $0x80000046;
	[dreg:$0x1] =	wrdreg $0xFFFFFFFF  }
0xa8: {  	s28 =	simm.s32 $_size_execute0_lowered;
	s4 =	sadd.s32 s4, s6;
	[dreg:$0x0] =	wrdreg $0x0  }
0xa9: {  	s6 =	sshll.u32 s28, $0x1;
	[dreg:$0x2] =	wrdreg s4  }
0xaa: {  	[dreg:$0x3] =	wrdreg s6  }
0xab: {  	[dreg:$0x4] =	wrdreg $0xC0  }
0xac: {  	_ =	task [dreg:s8], $0x5FFFF  }
0xad: {  	[dreg:$0x1] =	wrdreg $0xFFFFFFFF  }
0xae: {  	[dreg:$0x0] =	wrdreg $0x60  }
0xaf: {  	[dreg:$0x2] =	wrdreg s24  }
0xb0: {  	[dreg:$0x3] =	wrdreg s2  }
0xb1: {  	[dreg:$0x4] =	wrdreg s18  }
0xb2: {  	[dreg:$0x5] =	wrdreg $0x9  }
0xb3: {  	_ =	task.clear_ibuf [dreg:s8], $0x6FFFF;
	_ =	strace $0x90000046  }
0xb4: {  	s29 =	simm.s32 $0x9;
	_ =	strace $0x80000048  }
0xb5: {  	_ =	swait.ge [sflag:s29], $0x1  }
0xb6: {  	[sflag:s29] =	ssyncadd.s32 $0xFFFFFFFF  }
0xb7: {  	_ =	strace $0x90000048  }
0xb8: {  	_ =	sfence  }
0xb9: {  	s30 =	sld [smem:$0x0];
	_ =	sdelay $0x2  }
0xba: {  	s31 =	sshll.u32 s1, $0xD;
	s1 =	sshrl.u32 s1, $0x2  }
0xbb: {  	s3 =	sand.u32 $0x4000, s31;
	s1 =	sadd.s32 s1, s30  }
0xbc: {  	s0 =	sor.u32 s3, s0;
	s1 =	sshll.u32 s1, $0x11  }
0xbd: {  	s0 =	sor.u32 s1, s0  }
0xbe: {  	s0 =	sadd.s32 $0x8F2B, s0  }
0xbf: {  	[sflag:s0] =	ssyncadd.remote.s32 $0x1  }
0xc0: {  	_ =	sfence.sel $0xFFFF  }
0xc1: {  	[dreg:$0x0] =	wrdreg $0xFFFFFFFF;
	(pc) =	sbr.abs _section_cstart, $3  }
0xc2: {  	[dreg:$0x1] =	wrdreg $0xFFFFFFFF  }
0xc3: {  	_ =	task.clear_ibuf [dreg:s8], $0x2FFFF;
	_ =	strace $0x9FFFFFFF  }
0xc4: {  	(tm) =	ssettm $0x7FFFFFFF  }
0xc5: {  	_ =	shalt  }
tec
execute0_lowered:
.L_overlay_start_1:
0x0: {  	(tag) =	ssettag $0x1  }
0x1: {  	s0 =	rddreg [dreg:$0x0]  }
0x2: {  	s2 =	rddreg [dreg:$0x1]  }
0x3: {  	s3 =	rddreg [dreg:$0x2]  }
0x4: {  	s1 =	srdreg.scid;
	s5 =	stileid.u32;
	s4 =	simm.s32 $0x0  }
0x5: {  	s18 =	simm.s32 $0x7;
	s19 =	simm.s32 $0xC350;
	s28 =	simm.s32 $0x130B0  }
0x6: {  	s29 =	simm.s32 $0xD2F0;
	s30 =	simm.s32 $0xEA60;
	s31 =	simm.s32 $0x3  }
0x7: {  	s1 =	sand.u32 $0x1, s1;
	s5 =	sshll.u32 s5, $0x1;
	[smem:$0x7FF] =	sst s4  }
0x8: {  	s6 =	sadd.s32 $0xC00, s0;
	s5 =	sor.u32 s1, s5;
	_ =	strace $0x80000047  }
0x9: {  	[dreg:$0x4] =	wrdreg s6;
	s6 =	sadd.s32 $0x189000, s0;
	s1 =	ssub.s32 $0x2, s1  }
0xa: {  	s7 =	smul.u32 $0x186A0, s5;
	s5 =	sshll.u32 s5, $0x1;
	s20 =	sshrl.u32 s1, $0x1  }
0xb: {  	s0 =	sadd.s32 s5, s0;
	s1 =	ssub.s32 s1, s20;
	s20 =	simm.s32 $0xDAC0  }
0xc: {  	s8 =	sshrl.u32 s7, $0x3;
	s13 =	sadd.s32 $0x1770, s7;
	s14 =	sadd.s32 $0x1F40, s7  }
0xd: {  	s15 =	sadd.s32 $0x2710, s7;
	s0 =	sadd.s32 $0x2600, s0;
	s26 =	smax.u32 s1, $0x1  }
0xe: {  	s1 =	simm.s32 $0x4;
	s7 =	simm.s32 $0x6;
	[dreg:$0xb] =	wrdreg s0  }
0xf: {  	s21 =	sadd.s32 s2, s8;
	s22 =	sadd.s32 $0xFA, s8;
	[dreg:$0xc] =	wrdreg s26  }
0x10: {  	s9 =	sadd.s32 s3, s8;
	s8 =	sadd.s32 $0x1F4, s8;
	[dreg:$0x5] =	wrdreg s21  }
0x11: {  	s26 =	simm.s32 $0x2;
	[dreg:$0x6] =	wrdreg s9;
	s23 =	sadd.s32 s2, s22  }
0x12: {  	v0 =	vlaneseq.u32;
	s0 =	simm.s32 $0x16F30;
	s5 =	sadd.s32 s3, s22;
	[dreg:$0x7] =	wrdreg s23  }
0x13: {  	v0 =	vmul.u32 $0x8, v0;
	s24 =	sadd.s32 s2, s8;
	s25 =	sadd.s32 s3, s8;
	[dreg:$0x8] =	wrdreg s5  }
0x14: {  	s21 =	simm.s32 $0xCB20;
	s22 =	simm.s32 $0xE290;
	[dreg:$0x9] =	wrdreg s24  }
0x15: {  	v1 =	vimm.s32 $0x0;
	v2 =	vor.u32 $0x3E00, v0;
	s8 =	simm.s32 $0x0;
	[dreg:$0xa] =	wrdreg s25;
	s23 =	simm.s32 $0x1  }
0x16: {  	v3 =	vor.u32 $0x3E01, v0;
	v4 =	vor.u32 $0x3E02, v0;
	v5 =	vor.u32 $0x3E03, v0;
	s24 =	simm.s32 $0x7D0;
	s25 =	simm.s32 $0xF230;
	s5 =	simm.s32 $0x5  }
.LBB2_1:
0x17: {  	s9 =	rddreg [dreg:$0x4]  }
0x18: {  	[tilespmem:s4], [sflag:$0x7] =	stream.linear.gather [hbm4b:s9+s4], $0xC350, $0x38;
	[tilespmem:$0x1ADC0] =	vst v63  }
0x19: {  	_ =	swait.ge [sflag:s18], $0xC350  }
0x1a: {  	[sflag:s18] =	ssyncset.done $0x0  }
0x1b: {  	s17 =	rddreg [dreg:$0x5];
	[sflag:s18] =	ssyncadd.s32 $0xFFFF3CB0  }
0x1c: {  	[tilespmem:s19], [sflag:$0x1] =	stream.linear.gather [hbm4b:s17+s4], $0x7D0, $0x38;
	[tilespmem:$0x1ADC0] =	vst v63  }
0x1d: {  	s10 =	rddreg [dreg:$0x6]  }
0x1e: {  	[tilespmem:s20], [sflag:$0x1] =	stream.linear.gather [hbm4b:s10+s4], $0x7D0, $0x38;
	[tilespmem:$0x1ADC0] =	vst v63  }
0x1f: {  	s11 =	rddreg [dreg:$0x7]  }
0x20: {  	[tilespmem:s21], [sflag:$0x2] =	stream.linear.gather [hbm4b:s11+s4], $0x7D0, $0x38;
	[tilespmem:$0x1ADC0] =	vst v63  }
0x21: {  	s12 =	rddreg [dreg:$0x8]  }
0x22: {  	[tilespmem:s22], [sflag:$0x2] =	stream.linear.gather [hbm4b:s12+s4], $0x7D0, $0x38;
	[tilespmem:$0x1ADC0] =	vst v63  }
0x23: {  	_ =	swait.ge [sflag:s23], $0x7D0  }
0x24: {  	[sflag:s23] =	ssyncset.done $0x0  }
0x25: {  	[sflag:s23] =	ssyncadd.s32 $0xFFFFF830  }
0x26: {  	_ =	swait.ge [sflag:s23], $0x7D0  }
0x27: {  	[sflag:s23] =	ssyncset.done $0x0  }
0x28: {  	[sflag:s23] =	ssyncadd.s32 $0xFFFFF830  }
0x29: {  	[tilespmem:s25], [sflag:$0x4] =	stream.indirect.gather [hbm4b:s6+s24], $0x8, s20, s24, $0xb8;
	[tilespmem:$0x1ADC0] =	vst v63  }
0x2a: {  	_ =	swait.ge [sflag:s26], $0x7D0  }
0x2b: {  	[sflag:s26] =	ssyncset.done $0x0  }
0x2c: {  	[sflag:s26] =	ssyncadd.s32 $0xFFFFF830  }
0x2d: {  	_ =	swait.ge [sflag:s26], $0x7D0  }
0x2e: {  	[sflag:s26] =	ssyncset.done $0x0  }
0x2f: {  	[sflag:s26] =	ssyncadd.s32 $0xFFFFF830  }
0x30: {  	[tilespmem:s28], [sflag:$0x5] =	stream.indirect.gather [hbm4b:s6+s24], $0x8, s22, s24, $0xb8;
	[tilespmem:$0x1ADC0] =	vst v63  }
0x31: {  	s16 =	rddreg [dreg:$0x9]  }
0x32: {  	[tilespmem:s29], [sflag:$0x3] =	stream.linear.gather [hbm4b:s16+s4], $0x7D0, $0x38;
	[tilespmem:$0x1ADC0] =	vst v63  }
0x33: {  	s9 =	simm.s32 $0x0;
	s17 =	rddreg [dreg:$0xa]  }
0x34: {  	v6 =	vimm.f32 $0.0e+00;
	[tilespmem:s30], [sflag:$0x3] =	stream.linear.gather [hbm4b:s17+s4], $0x7D0, $0x38;
	[tilespmem:$0x1ADC0] =	vst v63  }
.LBB2_2:
0x35: {  	_ =	swait.ge [sflag:s31], $0x7D0  }
0x36: {  	[sflag:s31] =	ssyncset.done $0x0  }
0x37: {  	[sflag:s31] =	ssyncadd.s32 $0xFFFFF830  }
0x38: {  	_ =	swait.ge [sflag:s31], $0x7D0  }
0x39: {  	[sflag:s31] =	ssyncset.done $0x0  }
0x3a: {  	[sflag:s31] =	ssyncadd.s32 $0xFFFFF830  }
0x3b: {  	[tilespmem:s0], [sflag:$0x6] =	stream.indirect.gather [hbm4b:s6+s24], $0x8, s30, s24, $0xb8;
	[tilespmem:$0x1ADC0] =	vst v63  }
0x3c: {  	_ =	swait.ge [sflag:s1], $0x3E80  }
0x3d: {  	s11 =	simm.s32 $0x10;
	[sflag:s1] =	ssyncset.done $0x0  }
0x3e: {  	s10 =	simm.s32 $0xC370;
	v10 =	vmov s11;
	[sflag:s1] =	ssyncadd.s32 $0xFFFFC180  }
0x3f: {  	v10 =	vshll.u32 v10, $0x3;
	v7 =	vld [tilespmem:s10+$0xFFFFFFF0]  }
0x40: {  	v10 =	vor.u32 v0, v10;
	v8 =	vld [tilespmem:s10+$0xFFFFFFE0]  }
0x41: {  	v9 =	vld [tilespmem:s10+$0x10]  }
0x42: {  	v11 =	vld [tilespmem:s10+$0x0]  }
0x43: {  	s12 =	simm.s32 $0x0  }
0x44: {  	v13 =	vmov s12;
	v17 =	vor.u32 $0x1, v10  }
0x45: {  	v21 =	vor.u32 $0x2, v10;
	v16 =	vld.idx.msk [tilespmem:v10+s25+$0x0], $0xffff;
	v10 =	vor.u32 $0x3, v10;
	vm1 =	vgt.s32 v7, $0xC34F  }
0x46: {  	vm0 =	vgt.s32 v8, $0xC34F;
	vm2 =	vgt.s32 v9, $0xC34F;
	v12 =	vsel vm1, $0xFFFF3CB0, v1  }
0x47: {  	vm3 =	vgt.s32 v11, $0xC34F;
	v14 =	vsel vm0, $0xFFFF3CB0, v1;
	v7 =	vadd.s32 v7, v12  }
0x48: {  	s12 =	simm.s32 $0x30;
	v15 =	vsel vm2, $0xFFFF3CB0, v1;
	v12 =	vshll.u32 v13, $0x3;
	v8 =	vadd.s32 v8, v14  }
0x49: {  	s11 =	simm.s32 $0x20;
	v17 =	vld.idx.msk [tilespmem:v17+s25+$0x0], $0xffff;
	v9 =	vadd.s32 v9, v15;
	v14 =	vmov s12;
	v15 =	vsel vm3, $0xFFFF3CB0, v1  }
0x4a: {  	v21 =	vld.idx.msk [tilespmem:v21+s25+$0x0], $0xffff;
	v13 =	vmov s11;
	v14 =	vshll.u32 v14, $0x3;
	v11 =	vadd.s32 v11, v15  }
0x4b: {  	v10 =	vld.idx.msk [tilespmem:v10+s25+$0x0], $0xffff;
	v13 =	vshll.u32 v13, $0x3;
	v14 =	vor.u32 v0, v14  }
0x4c: {  	v13 =	vor.u32 v0, v13;
	v7 =	vld.idx.msk [tilespmem:v7+s4+$0x0], $0xffff  }
0x4d: {  	v12 =	vor.u32 v0, v12;
	v8 =	vld.idx.msk [tilespmem:v8+s4+$0x0], $0xffff  }
0x4e: {  	v20 =	vor.u32 $0x1, v14;
	v9 =	vld.idx.msk [tilespmem:v9+s4+$0x0], $0xffff  }
0x4f: {  	v19 =	vor.u32 $0x1, v13;
	v11 =	vld.idx.msk [tilespmem:v11+s4+$0x0], $0xffff  }
0x50: {  	v22 =	vsel vm1, $0x10, v1;
	v27 =	vsel vm2, $0x10, v1;
	v23 =	vor.u32 $0x2, v14;
	v24 =	vld.idx.msk [tilespmem:v14+s25+$0x0], $0xffff  }
0x51: {  	v25 =	vor.u32 $0x1, v12;
	v18 =	vld.idx.msk [tilespmem:v13+s25+$0x0], $0xffff;
	v7 =	vshrl.u32 v7, v22;
	v22 =	vor.u32 $0x2, v13  }
0x52: {  	v26 =	vor.u32 $0x2, v12;
	v15 =	vld.idx.msk [tilespmem:v12+s25+$0x0], $0xffff;
	v14 =	vor.u32 $0x3, v14;
	v7 =	vshll.u32 v7, $0x10  }
0x53: {  	v9 =	vshrl.u32 v9, v27;
	v7 =	vsub.f32 v7, v16;
	v16 =	vld.idx.msk [tilespmem:v20+s25+$0x0], $0xffff;
	v20 =	vsel vm3, $0x10, v1  }
0x54: {  	v12 =	vor.u32 $0x3, v12;
	v19 =	vld.idx.msk [tilespmem:v19+s25+$0x0], $0xffff;
	v9 =	vshll.u32 v9, $0x10;
	v11 =	vshrl.u32 v11, v20  }
0x55: {  	v13 =	vor.u32 $0x3, v13;
	v9 =	vsub.f32 v9, v24;
	v20 =	vld.idx.msk [tilespmem:v23+s25+$0x0], $0xffff;
	v11 =	vshll.u32 v11, $0x10  }
0x56: {  	v23 =	vsel vm0, $0x10, v1;
	v7 =	vand.u32 $0x7FFFFFFF, v7;
	v22 =	vld.idx.msk [tilespmem:v22+s25+$0x0], $0xffff;
	v11 =	vsub.f32 v11, v18  }
0x57: {  	v24 =	vld.idx.msk [tilespmem:v25+s25+$0x0], $0xffff;
	v9 =	vand.u32 $0x7FFFFFFF, v9;
	v8 =	vshrl.u32 v8, v23;
	v7 =	vmul.f32 v7, v17  }
0x58: {  	v14 =	vld.idx.msk [tilespmem:v14+s25+$0x0], $0xffff;
	v8 =	vshll.u32 v8, $0x10;
	v9 =	vmul.f32 v9, v16;
	v11 =	vand.u32 $0x7FFFFFFF, v11  }
0x59: {  	v8 =	vsub.f32 v8, v15;
	v15 =	vld.idx.msk [tilespmem:v26+s25+$0x0], $0xffff;
	v7 =	vsub.f32 v7, v21;
	v11 =	vmul.f32 v11, v19  }
0x5a: {  	v13 =	vld.idx.msk [tilespmem:v13+s25+$0x0], $0xffff;
	v9 =	vsub.f32 v9, v20  }
0x5b: {  	v8 =	vand.u32 $0x7FFFFFFF, v8;
	v7 =	vmul.f32 v7, v7;
	v11 =	vsub.f32 v11, v22  }
0x5c: {  	v16 =	vmul.f32 v8, v24;
	v9 =	vmul.f32 v9, v9  }
0x5d: {  	v10 =	vsub.f32 v10, v7;
	v7 =	vmul.f32 v11, v11;
	v11 =	vld.idx.msk [tilespmem:v12+s25+$0x0], $0xffff  }
0x5e: {  	s16 =	simm.s32 $0xC3B0;
	v12 =	vsub.f32 v16, v15;
	v8 =	vsub.f32 v14, v9  }
0x5f: {  	v16 =	vld [tilespmem:s16+$0x10];
	v9 =	vand.u32 $0x7FFFFFFF, v10;
	v7 =	vsub.f32 v13, v7  }
0x60: {  	v14 =	vld [tilespmem:s16+$0xFFFFFFF0];
	v9 =	vsub.f32 $0.0e+00, v9;
	v12 =	vmul.f32 v12, v12;
	v13 =	vand.u32 $0x7FFFFFFF, v8  }
0x61: {  	s17 =	simm.s32 $0x40;
	v13 =	vsub.f32 $0.0e+00, v13  }
0x62: {  	s12 =	simm.s32 $0x50;
	v17 =	vmov s17;
	s17 =	simm.s32 $0x70;
	v9 =	vmul.f32 $1.442695020e+00, v9;
	v11 =	vsub.f32 v11, v12;
	v12 =	vld [tilespmem:s16+$0xFFFFFFE0]  }
0x63: {  	v18 =	vmov s12;
	v30 =	vmov s17;
	v13 =	vmul.f32 $1.442695020e+00, v13  }
0x64: {  	v30 =	vshll.u32 v30, $0x3;
	vm13 =	vgt.s32 v16, $0xC34F;
	(erf) = vpow2.f32 v9;
	v9 =	vld [tilespmem:s16+$0x0]  }
0x65: {  	vm12 =	vgt.s32 v14, $0xC34F;
	v21 =	vsel vm13, $0xFFFF3CB0, v1;
	(erf) = vpow2.f32 v13  }
0x66: {  	v19 =	vsel vm12, $0xFFFF3CB0, v1;
	v16 =	vadd.s32 v16, v21;
	v13 =	vshll.u32 v17, $0x3  }
0x67: {  	v17 =	vshll.u32 v18, $0x3;
	v14 =	vadd.s32 v14, v19;
	vm14 =	vgt.s32 v12, $0xC34F  }
0x68: {  	v15 =	vand.u32 $0x7FFFFFFF, v7;
	v17 =	vor.u32 v0, v17;
	v19 =	vsel vm14, $0xFFFF3CB0, v1  }
0x69: {  	s16 =	simm.s32 $0x60;
	v20 =	vand.u32 $0x7FFFFFFF, v11;
	vm15 =	vgt.s32 v9, $0xC34F;
	v12 =	vadd.s32 v12, v19  }
0x6a: {  	v18 =	vmov s16;
	v13 =	vor.u32 v0, v13;
	v19 =	vsel vm15, $0xFFFF3CB0, v1  }
0x6b: {  	v20 =	vsub.f32 $0.0e+00, v20;
	v18 =	vshll.u32 v18, $0x3;
	v16 =	vld.idx.msk [tilespmem:v16+s4+$0x0], $0xffff;
	v9 =	vadd.s32 v9, v19  }
0x6c: {  	v15 =	vsub.f32 $0.0e+00, v15;
	v59 =	vsel vm12, $0x10, v1;
	v18 =	vor.u32 v0, v18;
	v14 =	vld.idx.msk [tilespmem:v14+s4+$0x0], $0xffff  }
0x6d: {  	v22 =	vor.u32 $0x3, v13;
	v23 =	vor.u32 $0x1, v17;
	v20 =	vmul.f32 $1.442695020e+00, v20;
	v21 =	vld.idx.msk [tilespmem:v17+s25+$0x0], $0xffff;
	v24 =	vpop (erf)  }
0x6e: {  	v26 =	vor.u32 $0x2, v13;
	v31 =	vor.u32 $0x2, v17;
	v29 =	vadd.f32 $2.000000000e+00, v24;
	v28 =	vpop (erf);
	v12 =	vld.idx.msk [tilespmem:v12+s4+$0x0], $0xffff  }
0x6f: {  	v19 =	vor.u32 $0x1, v13;
	v25 =	vld.idx.msk [tilespmem:v13+s25+$0x0], $0xffff;
	(erf) = vpow2.f32 v20;
	v20 =	vadd.f32 $2.000000000e+00, v28  }
0x70: {  	v32 =	vsel vm14, $0x10, v1;
	v13 =	vor.u32 $0x1, v18;
	v9 =	vld.idx.msk [tilespmem:v9+s4+$0x0], $0xffff;
	(erf) = vrcp.f32 v29  }
0x71: {  	v17 =	vor.u32 $0x3, v17;
	v27 =	vld.idx.msk [tilespmem:v18+s25+$0x0], $0xffff;
	v29 =	vor.u32 v0, v30;
	(erf) = vrcp.f32 v20  }
0x72: {  	v23 =	vld.idx.msk [tilespmem:v23+s25+$0x0], $0xffff;
	v14 =	vshrl.u32 v14, v59;
	v60 =	vor.u32 $0x1, v29;
	v20 =	vor.u32 $0x2, v18  }
0x73: {  	v31 =	vld.idx.msk [tilespmem:v31+s25+$0x0], $0xffff;
	v14 =	vshll.u32 v14, $0x10;
	v33 =	vor.u32 $0x2, v29;
	v12 =	vshrl.u32 v12, v32  }
0x74: {  	v19 =	vld.idx.msk [tilespmem:v19+s25+$0x0], $0xffff;
	v14 =	vsub.f32 v14, v21;
	v21 =	vsel vm15, $0x10, v1;
	v12 =	vshll.u32 v12, $0x10  }
0x75: {  	v13 =	vld.idx.msk [tilespmem:v13+s25+$0x0], $0xffff;
	v9 =	vshrl.u32 v9, v21;
	v12 =	vsub.f32 v12, v25;
	v25 =	vsel vm13, $0x10, v1  }
0x76: {  	v18 =	vor.u32 $0x3, v18;
	v14 =	vand.u32 $0x7FFFFFFF, v14;
	v21 =	vld.idx.msk [tilespmem:v29+s25+$0x0], $0xffff;
	v9 =	vshll.u32 v9, $0x10  }
0x77: {  	v14 =	vmul.f32 v14, v23;
	v20 =	vld.idx.msk [tilespmem:v20+s25+$0x0], $0xffff;
	v9 =	vsub.f32 v9, v27  }
0x78: {  	v15 =	vmul.f32 $1.442695020e+00, v15;
	v17 =	vld.idx.msk [tilespmem:v17+s25+$0x0], $0xffff;
	v27 =	vor.u32 $0x3, v29;
	v16 =	vshrl.u32 v16, v25;
	v25 =	vpop (erf)  }
0x79: {  	v29 =	vld.idx.msk [tilespmem:v60+s25+$0x0], $0xffff;
	v14 =	vsub.f32 v14, v31;
	v9 =	vand.u32 $0x7FFFFFFF, v9;
	v23 =	vadd.f32 $2.000000000e+00, v25;
	v61 =	vpop (erf)  }
0x7a: {  	v63 =	vld.idx.msk [tilespmem:v33+s25+$0x0], $0xffff;
	v12 =	vand.u32 $0x7FFFFFFF, v12;
	v16 =	vshll.u32 v16, $0x10;
	v9 =	vmul.f32 v9, v13;
	v13 =	vpop (erf)  }
0x7b: {  	v62 =	vld.idx.msk [tilespmem:v18+s25+$0x0], $0xffff;
	v16 =	vsub.f32 v16, v21;
	v13 =	vmul.f32 v13, v28;
	(erf) = vrcp.f32 v23  }
0x7c: {  	v14 =	vmul.f32 v14, v14;
	v19 =	vmul.f32 v12, v19;
	v20 =	vsub.f32 v9, v20  }
0x7d: {  	v12 =	vand.u32 $0x7FFFFFFF, v16;
	v16 =	vld.idx.msk [tilespmem:v26+s25+$0x0], $0xffff;
	(erf) = vpow2.f32 v15;
	v18 =	vmul.f32 v13, v13  }
0x7e: {  	v9 =	vsub.f32 v17, v14;
	v17 =	vmul.f32 v12, v29;
	v15 =	vmul.f32 v20, v20  }
0x7f: {  	v14 =	vmul.f32 v61, v24;
	v12 =	vmax.f32 v10, $0.0e+00;
	v20 =	vmul.f32 $2.857142980e-01, v18  }
0x80: {  	v24 =	vld.idx.msk [tilespmem:v27+s25+$0x0], $0xffff;
	v21 =	vand.u32 $0x7FFFFFFF, v9;
	v10 =	vsub.f32 v62, v15;
	v15 =	vsub.f32 v17, v63  }
0x81: {  	v22 =	vld.idx.msk [tilespmem:v22+s25+$0x0], $0xffff;
	v17 =	vsub.f32 $0.0e+00, v21;
	v21 =	vmul.f32 v14, v14;
	v20 =	vadd.f32 $4.000000060e-01, v20  }
0x82: {  	v27 =	vmul.f32 v15, v15;
	v15 =	vmax.f32 v11, $0.0e+00;
	v11 =	vsub.f32 v19, v16  }
0x83: {  	v26 =	vand.u32 $0x7FFFFFFF, v10;
	v23 =	vmul.f32 $1.442695020e+00, v17;
	v16 =	vmax.f32 v8, $0.0e+00  }
0x84: {  	v17 =	vsub.f32 $0.0e+00, v26;
	v28 =	vmul.f32 v20, v18;
	v11 =	vmul.f32 v11, v11;
	v19 =	vpop (erf)  }
0x85: {  	v20 =	vmul.f32 $2.857142980e-01, v21;
	v8 =	vsub.f32 v24, v27;
	v19 =	vmul.f32 v19, v25  }
0x86: {  	v17 =	vmul.f32 $1.442695020e+00, v17;
	v26 =	vpop (erf);
	v24 =	vadd.f32 $6.666666860e-01, v28;
	v11 =	vsub.f32 v22, v11  }
0x87: {  	s10 =	simm.s32 $0x80;
	s11 =	simm.s32 $0xC3F0;
	v27 =	vand.u32 $0x7FFFFFFF, v8;
	v25 =	vadd.f32 $2.000000000e+00, v26;
	v22 =	vmul.f32 v19, v19  }
.LBB2_3:
0x88: {  	s12 =	sadd.s32 $0x10, s10  }
0x89: {  	v28 =	vmov s10;
	v29 =	vld [tilespmem:s11+$0xFFFFFFF0];
	p0 =	slt.u32 s10, $0x780;
	v27 =	vsub.f32 $0.0e+00, v27;
	(erf) = vpow2.f32 v23;
	s16 =	smov.u32 s10;
	s10 =	sadd.s32 $0x40, s10  }
0x8a: {  	v23 =	vshll.u32 v28, $0x3;
	v28 =	vmov s12;
	v30 =	vld [tilespmem:s11+$0x10];
	v31 =	vmul.f32 $2.857142980e-01, v22  }
0x8b: {  	v32 =	vld [tilespmem:s11+$0xFFFFFFE0];
	v33 =	vor.u32 v0, v23;
	v23 =	vshll.u32 v28, $0x3;
	v28 =	vadd.f32 $4.000000060e-01, v20  }
0x8c: {  	v34 =	vor.u32 $0x1, v33;
	v20 =	vor.u32 $0x3, v33;
	v35 =	vld [tilespmem:s11+$0x0];
	(erf) = vrcp.f32 v25  }
0x8d: {  	v27 =	vmul.f32 $1.442695020e+00, v27;
	v36 =	vor.u32 v0, v23;
	v25 =	vmul.f32 v28, v21  }
0x8e: {  	v23 =	vor.u32 $0x2, v33;
	v28 =	vor.u32 $0x1, v36;
	vm3 =	vgt.s32 v29, $0xC34F  }
0x8f: {  	v38 =	vand.u32 $0x7FFFFFFF, v11;
	v37 =	vsel vm3, $0xFFFF3CB0, v1;
	vm0 =	vgt.s32 v30, $0xC34F  }
0x90: {  	s12 =	sadd.s32 $0x20, s16;
	vm1 =	vgt.s32 v32, $0xC34F;
	v29 =	vadd.s32 v29, v37;
	v37 =	vadd.f32 $6.666666860e-01, v25  }
0x91: {  	v42 =	vmov s12;
	v31 =	vadd.f32 $4.000000060e-01, v31;
	v39 =	vsel vm1, $0xFFFF3CB0, v1  }
0x92: {  	v40 =	vshll.u32 v42, $0x3;
	v41 =	vsel vm0, $0xFFFF3CB0, v1;
	v25 =	vpop (erf);
	v21 =	vmul.f32 v37, v21  }
0x93: {  	v38 =	vsub.f32 $0.0e+00, v38;
	v30 =	vadd.s32 v30, v41;
	v37 =	vor.u32 v0, v40  }
0x94: {  	v40 =	vor.u32 $0x1, v37;
	v41 =	vor.u32 $0x2, v37;
	(erf) = vpow2.f32 v27  }
0x95: {  	v38 =	vmul.f32 $1.442695020e+00, v38;
	v42 =	vor.u32 $0x3, v37;
	v27 =	vld.idx.msk [tilespmem:v29+s4+$0x0], $0xffff;
	v29 =	vor.u32 $0x2, v36;
	v43 =	vpop (erf)  }
0x96: {  	s12 =	sadd.s32 $0x30, s16;
	v32 =	vadd.s32 v32, v39;
	v39 =	vld.idx.msk [tilespmem:v36+s25+$0x0], $0xffff;
	v36 =	vor.u32 $0x3, v36;
	v26 =	vmul.f32 v43, v26  }
0x97: {  	v18 =	vmul.f32 v24, v18;
	vm2 =	vgt.s32 v35, $0xC34F;
	v43 =	vmov s12  }
0x98: {  	v31 =	vmul.f32 v31, v22;
	v43 =	vshll.u32 v43, $0x3;
	v24 =	vld.idx.msk [tilespmem:v33+s25+$0x0], $0xffff;
	v33 =	vsel vm2, $0xFFFF3CB0, v1  }
0x99: {  	v33 =	vadd.s32 v35, v33;
	v35 =	vld.idx.msk [tilespmem:v37+s25+$0x0], $0xffff;
	v37 =	vor.u32 v0, v43;
	v43 =	vmul.f32 v26, v26  }
0x9a: {  	v44 =	vsel vm3, $0x10, v1;
	v31 =	vadd.f32 $6.666666860e-01, v31;
	v45 =	vor.u32 $0x1, v37  }
0x9b: {  	v27 =	vshrl.u32 v27, v44;
	v44 =	vor.u32 $0x2, v37;
	v32 =	vld.idx.msk [tilespmem:v32+s4+$0x0], $0xffff;
	v46 =	vmul.f32 $2.857142980e-01, v43  }
0x9c: {  	v47 =	vsel vm1, $0x10, v1;
	v22 =	vmul.f32 v31, v22;
	v27 =	vshll.u32 v27, $0x10  }
0x9d: {  	v31 =	vor.u32 $0x3, v37;
	v27 =	vsub.f32 v27, v39;
	v39 =	vpop (erf);
	v46 =	vadd.f32 $4.000000060e-01, v46  }
0x9e: {  	v18 =	vadd.f32 $2.000000000e+00, v18;
	v48 =	vadd.f32 $2.000000000e+00, v25;
	v33 =	vld.idx.msk [tilespmem:v33+s4+$0x0], $0xffff;
	(erf) = vpow2.f32 v38  }
0x9f: {  	v27 =	vand.u32 $0x7FFFFFFF, v27;
	v38 =	vadd.f32 $2.000000000e+00, v39;
	v46 =	vmul.f32 v46, v43  }
0xa0: {  	v13 =	vmul.f32 v18, v13;
	v22 =	vadd.f32 $2.000000000e+00, v22;
	v30 =	vld.idx.msk [tilespmem:v30+s4+$0x0], $0xffff;
	(erf) = vrcp.f32 v48  }
0xa1: {  	v21 =	vadd.f32 $2.000000000e+00, v21;
	v18 =	vld.idx.msk [tilespmem:v28+s25+$0x0], $0xffff;
	(erf) = vrcp.f32 v38;
	v28 =	vadd.f32 $6.666666860e-01, v46  }
0xa2: {  	v16 =	vadd.f32 v13, v16;
	v19 =	vmul.f32 v22, v19;
	v32 =	vshrl.u32 v32, v47;
	v34 =	vld.idx.msk [tilespmem:v34+s25+$0x0], $0xffff  }
0xa3: {  	v13 =	vsel vm2, $0x10, v1;
	v14 =	vmul.f32 v21, v14;
	v22 =	vld.idx.msk [tilespmem:v40+s25+$0x0], $0xffff;
	v21 =	vmul.f32 v28, v43  }
0xa4: {  	v15 =	vadd.f32 v19, v15;
	v28 =	vshll.u32 v32, $0x10;
	v13 =	vshrl.u32 v33, v13;
	v29 =	vld.idx.msk [tilespmem:v29+s25+$0x0], $0xffff  }
0xa5: {  	v19 =	vsub.f32 v28, v24;
	v13 =	vshll.u32 v13, $0x10;
	v24 =	vld.idx.msk [tilespmem:v41+s25+$0x0], $0xffff;
	v21 =	vadd.f32 $2.000000000e+00, v21  }
0xa6: {  	v6 =	vadd.f32 v15, v6;
	v28 =	vsel vm0, $0x10, v1;
	v13 =	vsub.f32 v13, v35;
	v32 =	vld.idx.msk [tilespmem:v37+s25+$0x0], $0xffff  }
0xa7: {  	v12 =	vadd.f32 v14, v12;
	v14 =	vmax.f32 v7, $0.0e+00;
	v28 =	vshrl.u32 v30, v28;
	v15 =	vld.idx.msk [tilespmem:v36+s25+$0x0], $0xffff;
	v30 =	vpop (erf)  }
0xa8: {  	v7 =	vmovc v10;
	v36 =	vand.u32 $0x7FFFFFFF, v13;
	v21 =	vmul.f32 v21, v26;
	v33 =	vld.idx.msk [tilespmem:v42+s25+$0x0], $0xffff;
	v35 =	vadd.f32 $2.000000000e+00, v30  }
0xa9: {  	v10 =	vand.u32 $0x7FFFFFFF, v19;
	v18 =	vmul.f32 v27, v18;
	v19 =	vshll.u32 v28, $0x10;
	v26 =	vld.idx.msk [tilespmem:v45+s25+$0x0], $0xffff;
	v27 =	vpop (erf)  }
0xaa: {  	v6 =	vadd.f32 v12, v6;
	v22 =	vmul.f32 v36, v22;
	v12 =	vadd.f32 v21, v14;
	v13 =	vpop (erf)  }
0xab: {  	v28 =	vmul.f32 v10, v34;
	v10 =	vsub.f32 v18, v29;
	v21 =	vld.idx.msk [tilespmem:v44+s25+$0x0], $0xffff;
	v13 =	vmul.f32 v13, v39  }
0xac: {  	v14 =	vsub.f32 v19, v32;
	v6 =	vadd.f32 v12, v6;
	(erf) = vrcp.f32 v35  }
0xad: {  	v10 =	vmul.f32 v10, v10;
	v12 =	vsub.f32 v22, v24;
	(erf) = vpow2.f32 v17  }
0xae: {  	v14 =	vand.u32 $0x7FFFFFFF, v14;
	v18 =	vmul.f32 v13, v13;
	v6 =	vadd.f32 v16, v6;
	v17 =	vld.idx.msk [tilespmem:v23+s25+$0x0], $0xffff  }
0xaf: {  	v15 =	vsub.f32 v15, v10;
	v10 =	vmul.f32 v12, v12;
	v16 =	vmul.f32 v14, v26  }
0xb0: {  	v12 =	vmax.f32 v9, $0.0e+00;
	v14 =	vmul.f32 v27, v25;
	v22 =	vmul.f32 $2.857142980e-01, v18;
	v19 =	vld.idx.msk [tilespmem:v31+s25+$0x0], $0xffff  }
0xb1: {  	v23 =	vand.u32 $0x7FFFFFFF, v15;
	v10 =	vsub.f32 v33, v10;
	v9 =	vmovc v15;
	v16 =	vsub.f32 v16, v21  }
0xb2: {  	v21 =	vmul.f32 v14, v14;
	v22 =	vadd.f32 $4.000000060e-01, v22;
	v27 =	vld.idx.msk [tilespmem:v20+s25+$0x0], $0xffff;
	v20 =	vsub.f32 $0.0e+00, v23  }
0xb3: {  	v15 =	vmax.f32 v11, $0.0e+00;
	v26 =	vand.u32 $0x7FFFFFFF, v10;
	v25 =	vmul.f32 v16, v16  }
.Ltmp0:
0xb4: {  	v11 =	vsub.f32 v28, v17;
	v22 =	vmul.f32 v22, v18;
	v23 =	vmul.f32 $1.442695020e+00, v20;
	(pc) =	sbr.rel @p0 .LBB2_3-.Ltmp0, $4  }
0xb5: {  	v16 =	vmax.f32 v8, $0.0e+00;
	v17 =	vsub.f32 $0.0e+00, v26;
	v20 =	vmul.f32 $2.857142980e-01, v21;
	v24 =	vpop (erf)  }
0xb6: {  	v11 =	vmul.f32 v11, v11;
	v8 =	vsub.f32 v19, v25;
	v19 =	vmul.f32 v24, v30;
	v26 =	vpop (erf)  }
0xb7: {  	v17 =	vmul.f32 $1.442695020e+00, v17;
	v24 =	vadd.f32 $6.666666860e-01, v22;
	v25 =	vadd.f32 $2.000000000e+00, v26  }
0xb8: {  	s11 =	sadd.s32 $0x40, s11;
	v11 =	vsub.f32 v27, v11;
	v27 =	vand.u32 $0x7FFFFFFF, v8;
	v22 =	vmul.f32 v19, v19  }
0xb9: {  	v28 =	vld [tilespmem:$0xCB10];
	_ =	sdelay $0x3  }
0xba: {  	v27 =	vsub.f32 $0.0e+00, v27;
	v29 =	vand.u32 $0x7FFFFFFF, v11  }
0xbb: {  	v29 =	vsub.f32 $0.0e+00, v29;
	vm0 =	vgt.s32 v28, $0xC34F  }
0xbc: {  	(erf) = vpow2.f32 v23;
	v23 =	vmul.f32 $1.442695020e+00, v27;
	v27 =	vsel vm0, $0xFFFF3CB0, v1  }
0xbd: {  	(erf) = vrcp.f32 v25;
	v25 =	vmul.f32 $1.442695020e+00, v29;
	v27 =	vadd.s32 v28, v27  }
0xbe: {  	(erf) = vpow2.f32 v23  }
0xbf: {  	(erf) = vpow2.f32 v25;
	_ =	sdelay $0x1  }
0xc0: {  	s11 =	simm.s32 $0x0  }
0xc1: {  	v23 =	vld.idx.msk [tilespmem:v27+s11+$0x0], $0xffff;
	_ =	sdelay $0x1  }
0xc2: {  	v25 =	vld.idx.msk [tilespmem:v2+s25+$0x0], $0xffff  }
0xc3: {  	v27 =	vpop (erf)  }
0xc4: {  	v29 =	vsel vm0, $0x10, v1;
	v28 =	vpop (erf)  }
0xc5: {  	v31 =	vadd.f32 $2.000000000e+00, v27;
	v30 =	vpop (erf);
	v23 =	vshrl.u32 v23, v29;
	v29 =	vld.idx.msk [tilespmem:v3+s25+$0x0], $0xffff  }
0xc6: {  	v32 =	vadd.f32 $2.000000000e+00, v30;
	v33 =	vpop (erf);
	v23 =	vshll.u32 v23, $0x10  }
0xc7: {  	v34 =	vld.idx.msk [tilespmem:v4+s25+$0x0], $0xffff;
	(erf) = vrcp.f32 v31;
	v46 =	vadd.f32 $2.000000000e+00, v33;
	v23 =	vsub.f32 v23, v25  }
0xc8: {  	(erf) = vrcp.f32 v32  }
0xc9: {  	(erf) = vrcp.f32 v46;
	v23 =	vand.u32 $0x7FFFFFFF, v23  }
0xca: {  	(erf) = vpow2.f32 v17;
	v17 =	vmul.f32 v23, v29  }
0xcb: {  	v23 =	vld.idx.msk [tilespmem:v5+s25+$0x0], $0xffff  }
0xcc: {  	v17 =	vsub.f32 v17, v34;
	_ =	sdelay $0x1  }
0xcd: {  	v17 =	vmul.f32 v17, v17;
	_ =	sdelay $0x1  }
0xce: {  	v25 =	vpop (erf);
	v17 =	vsub.f32 v23, v17  }
0xcf: {  	v23 =	vpop (erf)  }
0xd0: {  	v29 =	vpop (erf);
	v47 =	vand.u32 $0x7FFFFFFF, v17  }
0xd1: {  	v48 =	vpop (erf);
	v31 =	vsub.f32 $0.0e+00, v47  }
0xd2: {  	v49 =	vadd.f32 $2.000000000e+00, v48  }
0xd3: {  	v31 =	vmul.f32 $1.442695020e+00, v31  }
0xd4: {  	(erf) = vrcp.f32 v49  }
0xd5: {  	v20 =	vadd.f32 $4.000000060e-01, v20;
	(erf) = vpow2.f32 v31  }
0xd6: {  	v50 =	vmul.f32 $2.857142980e-01, v22  }
0xd7: {  	v20 =	vmul.f32 v20, v21  }
0xd8: {  	v26 =	vmul.f32 v28, v26;
	v31 =	vadd.f32 $4.000000060e-01, v50  }
0xd9: {  	v20 =	vadd.f32 $6.666666860e-01, v20  }
0xda: {  	v35 =	vmul.f32 v26, v26;
	v31 =	vmul.f32 v31, v22  }
0xdb: {  	v18 =	vmul.f32 v24, v18;
	v20 =	vmul.f32 v20, v21  }
0xdc: {  	v52 =	vmul.f32 $2.857142980e-01, v35;
	v31 =	vadd.f32 $6.666666860e-01, v31  }
0xdd: {  	v18 =	vadd.f32 $2.000000000e+00, v18;
	v20 =	vadd.f32 $2.000000000e+00, v20;
	v28 =	vpop (erf)  }
0xde: {  	v21 =	vmul.f32 v31, v22;
	v22 =	vadd.f32 $4.000000060e-01, v52;
	v51 =	vpop (erf)  }
0xdf: {  	v13 =	vmul.f32 v18, v13;
	v14 =	vmul.f32 v20, v14;
	v36 =	vadd.f32 $2.000000000e+00, v51  }
0xe0: {  	v18 =	vmul.f32 v29, v33;
	v22 =	vmul.f32 v22, v35;
	v21 =	vadd.f32 $2.000000000e+00, v21  }
0xe1: {  	v20 =	vmul.f32 v23, v30;
	(erf) = vrcp.f32 v36  }
0xe2: {  	s10 =	smul.u32 $0x1770, s9;
	v22 =	vadd.f32 $6.666666860e-01, v22;
	v19 =	vmul.f32 v21, v19;
	v21 =	vmul.f32 v18, v18  }
0xe3: {  	v13 =	vadd.f32 v13, v16;
	v23 =	vmul.f32 v25, v27;
	v16 =	vmul.f32 v20, v20  }
0xe4: {  	s12 =	sadd.s32 s10, s13;
	v22 =	vmul.f32 v22, v35;
	v24 =	vmul.f32 $2.857142980e-01, v21  }
0xe5: {  	s12 =	sshrl.u32 s12, $0x3;
	v27 =	vmul.f32 $2.857142980e-01, v16;
	v28 =	vmul.f32 v28, v48;
	v15 =	vadd.f32 v19, v15  }
0xe6: {  	s16 =	sadd.s32 s2, s12;
	v19 =	vadd.f32 $2.000000000e+00, v22;
	v22 =	vmul.f32 v23, v23;
	v24 =	vadd.f32 $4.000000060e-01, v24  }
0xe7: {  	[tilespmem:s19], [sflag:$0x1] =	stream.linear.gather [hbm4b:s16+s11], $0x7D0, $0x38;
	v6 =	vadd.f32 v15, v6;
	v15 =	vadd.f32 $4.000000060e-01, v27;
	v27 =	vmul.f32 v28, v28;
	[tilespmem:$0x1ADC0] =	vst v63  }
0xe8: {  	s12 =	sadd.s32 s3, s12;
	v12 =	vadd.f32 v14, v12;
	v14 =	vmul.f32 $2.857142980e-01, v22;
	v24 =	vmul.f32 v24, v21  }
0xe9: {  	v7 =	vmax.f32 v7, $0.0e+00;
	[tilespmem:s20], [sflag:$0x1] =	stream.linear.gather [hbm4b:s12+s11], $0x7D0, $0x38;
	v19 =	vmul.f32 v19, v26;
	v15 =	vmul.f32 v15, v16;
	[tilespmem:$0x1ADC0] =	vst v63  }
0xea: {  	v26 =	vmul.f32 $2.857142980e-01, v27;
	v6 =	vadd.f32 v12, v6;
	v14 =	vadd.f32 $4.000000060e-01, v14;
	v25 =	vpop (erf)  }
0xeb: {  	v24 =	vadd.f32 $6.666666860e-01, v24;
	v7 =	vadd.f32 v19, v7;
	_ =	swait.ge [sflag:s23], $0x7D0  }
0xec: {  	v19 =	vadd.f32 $4.000000060e-01, v26;
	v12 =	vmul.f32 v14, v22;
	v14 =	vadd.f32 $6.666666860e-01, v15;
	[sflag:s23] =	ssyncset.done $0x0  }
0xed: {  	v15 =	vmul.f32 v24, v21;
	v6 =	vadd.f32 v7, v6;
	[sflag:s23] =	ssyncadd.s32 $0xFFFFF830  }
0xee: {  	v7 =	vadd.f32 $6.666666860e-01, v12;
	v12 =	vmul.f32 v14, v16;
	v14 =	vmul.f32 v19, v27;
	_ =	swait.ge [sflag:s23], $0x7D0  }
0xef: {  	[sflag:s23] =	ssyncset.done $0x0  }
0xf0: {  	v15 =	vadd.f32 $2.000000000e+00, v15;
	v7 =	vmul.f32 v7, v22;
	v14 =	vadd.f32 $6.666666860e-01, v14;
	[sflag:s23] =	ssyncadd.s32 $0xFFFFF830  }
0xf1: {  	[tilespmem:s25], [sflag:$0x4] =	stream.indirect.gather [hbm4b:s6+s24], $0x8, s20, s24, $0xb8;
	[tilespmem:$0x1ADC0] =	vst v63  }
0xf2: {  	v15 =	vmul.f32 v15, v18;
	v7 =	vadd.f32 $2.000000000e+00, v7;
	v14 =	vmul.f32 v14, v27;
	_ =	swait.ge [sflag:s5], $0x3E80  }
0xf3: {  	v11 =	vmax.f32 v11, $0.0e+00;
	v6 =	vadd.f32 v13, v6;
	[sflag:s5] =	ssyncset.done $0x0  }
0xf4: {  	s12 =	simm.s32 $0xCB40;
	v11 =	vadd.f32 v15, v11;
	v7 =	vmul.f32 v7, v23;
	v14 =	vadd.f32 $2.000000000e+00, v14;
	[sflag:s5] =	ssyncadd.s32 $0xFFFFC180  }
0xf5: {  	v9 =	vmax.f32 v9, $0.0e+00;
	v16 =	vmul.f32 v25, v51;
	v12 =	vadd.f32 $2.000000000e+00, v12;
	v13 =	vld [tilespmem:s12+$0xFFFFFFF0]  }
0xf6: {  	v6 =	vadd.f32 v11, v6;
	v7 =	vadd.f32 v7, v9;
	v9 =	vmul.f32 v14, v28;
	v18 =	vld [tilespmem:s12+$0xFFFFFFE0]  }
0xf7: {  	s17 =	simm.s32 $0x10;
	v10 =	vmax.f32 v10, $0.0e+00;
	v12 =	vmul.f32 v12, v20;
	v15 =	vmul.f32 v16, v16;
	v11 =	vld [tilespmem:s12+$0x10]  }
0xf8: {  	v20 =	vmov s17;
	v6 =	vadd.f32 v7, v6;
	v7 =	vadd.f32 v9, v10  }
0xf9: {  	v20 =	vshll.u32 v20, $0x3;
	v19 =	vmul.f32 $2.857142980e-01, v15;
	v23 =	vmov s11;
	v21 =	vld [tilespmem:s12+$0x0]  }
0xfa: {  	v20 =	vor.u32 v0, v20;
	v6 =	vadd.f32 v7, v6;
	vm1 =	vgt.s32 v13, $0xC34F  }
0xfb: {  	v7 =	vor.u32 $0x2, v20;
	vm11 =	vgt.s32 v18, $0xC34F;
	v22 =	vsel vm1, $0xFFFF3CB0, v1  }
0xfc: {  	vm2 =	vgt.s32 v11, $0xC34F;
	v24 =	vsel vm11, $0xFFFF3CB0, v1;
	v13 =	vadd.s32 v13, v22  }
0xfd: {  	v19 =	vadd.f32 $4.000000060e-01, v19;
	v25 =	vsel vm2, $0xFFFF3CB0, v1;
	v18 =	vadd.s32 v18, v24  }
0xfe: {  	s12 =	simm.s32 $0x30;
	vm3 =	vgt.s32 v21, $0xC34F;
	v22 =	vshll.u32 v23, $0x3;
	v11 =	vadd.s32 v11, v25  }
0xff: {  	s17 =	simm.s32 $0x20;
	v26 =	vld.idx.msk [tilespmem:v20+s28+$0x0], $0xffff;
	v24 =	vmov s12;
	v25 =	vsel vm3, $0xFFFF3CB0, v1;
	v22 =	vor.u32 v0, v22  }
0x100: {  	v23 =	vmov s17;
	v7 =	vld.idx.msk [tilespmem:v7+s28+$0x0], $0xffff;
	v24 =	vshll.u32 v24, $0x3;
	v21 =	vadd.s32 v21, v25  }
0x101: {  	v23 =	vshll.u32 v23, $0x3;
	v24 =	vor.u32 v0, v24;
	v13 =	vld.idx.msk [tilespmem:v13+s4+$0x0], $0xffff  }
0x102: {  	v19 =	vmul.f32 v19, v15;
	v23 =	vor.u32 v0, v23;
	v10 =	vld.idx.msk [tilespmem:v18+s4+$0x0], $0xffff  }
0x103: {  	v25 =	vor.u32 $0x1, v20;
	v11 =	vld.idx.msk [tilespmem:v11+s4+$0x0], $0xffff  }
0x104: {  	v8 =	vmax.f32 v8, $0.0e+00;
	v18 =	vadd.f32 $6.666666860e-01, v19;
	v19 =	vor.u32 $0x1, v24;
	v14 =	vld.idx.msk [tilespmem:v22+s28+$0x0], $0xffff  }
0x105: {  	v8 =	vadd.f32 v12, v8;
	v9 =	vor.u32 $0x1, v23;
	v12 =	vld.idx.msk [tilespmem:v21+s4+$0x0], $0xffff  }
0x106: {  	v54 =	vsel vm2, $0x10, v1;
	v20 =	vor.u32 $0x3, v20;
	v21 =	vor.u32 $0x2, v24;
	v28 =	vld.idx.msk [tilespmem:v24+s28+$0x0], $0xffff  }
0x107: {  	v29 =	vor.u32 $0x1, v22;
	v27 =	vld.idx.msk [tilespmem:v23+s28+$0x0], $0xffff;
	v15 =	vmul.f32 v18, v15;
	v18 =	vsel vm1, $0x10, v1  }
0x108: {  	v53 =	vor.u32 $0x2, v22;
	v13 =	vshrl.u32 v13, v18;
	v18 =	vld.idx.msk [tilespmem:v25+s28+$0x0], $0xffff;
	v25 =	vor.u32 $0x2, v23  }
0x109: {  	v24 =	vor.u32 $0x3, v24;
	v11 =	vshrl.u32 v11, v54;
	v19 =	vld.idx.msk [tilespmem:v19+s28+$0x0], $0xffff;
	v13 =	vshll.u32 v13, $0x10  }
0x10a: {  	v9 =	vld.idx.msk [tilespmem:v9+s28+$0x0], $0xffff;
	v11 =	vshll.u32 v11, $0x10;
	v13 =	vsub.f32 v13, v26;
	v26 =	vsel vm3, $0x10, v1  }
0x10b: {  	v23 =	vor.u32 $0x3, v23;
	v21 =	vld.idx.msk [tilespmem:v21+s28+$0x0], $0xffff;
	v11 =	vsub.f32 v11, v28;
	v12 =	vshrl.u32 v12, v26  }
0x10c: {  	v20 =	vld.idx.msk [tilespmem:v20+s28+$0x0], $0xffff;
	v26 =	vsel vm11, $0x10, v1;
	v13 =	vand.u32 $0x7FFFFFFF, v13;
	v12 =	vshll.u32 v12, $0x10  }
0x10d: {  	v11 =	vand.u32 $0x7FFFFFFF, v11;
	v25 =	vld.idx.msk [tilespmem:v25+s28+$0x0], $0xffff;
	v12 =	vsub.f32 v12, v27;
	v13 =	vmul.f32 v13, v18  }
0x10e: {  	v28 =	vld.idx.msk [tilespmem:v29+s28+$0x0], $0xffff;
	v10 =	vshrl.u32 v10, v26;
	v18 =	vor.u32 $0x3, v22;
	v11 =	vmul.f32 v11, v19  }
0x10f: {  	v10 =	vshll.u32 v10, $0x10;
	v12 =	vand.u32 $0x7FFFFFFF, v12;
	v7 =	vsub.f32 v13, v7;
	v13 =	vld.idx.msk [tilespmem:v24+s28+$0x0], $0xffff  }
0x110: {  	v10 =	vsub.f32 v10, v14;
	v11 =	vsub.f32 v11, v21;
	v9 =	vmul.f32 v12, v9;
	v12 =	vld.idx.msk [tilespmem:v53+s28+$0x0], $0xffff  }
0x111: {  	v14 =	vadd.f32 v8, v6;
	v6 =	vadd.f32 $2.000000000e+00, v15;
	v15 =	vld.idx.msk [tilespmem:v23+s28+$0x0], $0xffff;
	v7 =	vmul.f32 v7, v7  }
0x112: {  	v8 =	vand.u32 $0x7FFFFFFF, v10;
	v11 =	vmul.f32 v11, v11;
	v9 =	vsub.f32 v9, v25  }
0x113: {  	v6 =	vmul.f32 v6, v16;
	v16 =	vmul.f32 v8, v28;
	v10 =	vsub.f32 v20, v7  }
0x114: {  	s11 =	simm.s32 $0xCB80;
	v7 =	vmax.f32 v17, $0.0e+00;
	v17 =	vld.idx.msk [tilespmem:v18+s28+$0x0], $0xffff;
	v9 =	vmul.f32 v9, v9;
	v8 =	vsub.f32 v13, v11  }
0x115: {  	v7 =	vadd.f32 v6, v7;
	v13 =	vld [tilespmem:s11+$0xFFFFFFF0];
	v11 =	vand.u32 $0x7FFFFFFF, v10;
	v12 =	vsub.f32 v16, v12  }
0x116: {  	v6 =	vsub.f32 v15, v9;
	v9 =	vsub.f32 $0.0e+00, v11;
	v11 =	vand.u32 $0x7FFFFFFF, v8  }
0x117: {  	v12 =	vmul.f32 v12, v12;
	v11 =	vsub.f32 $0.0e+00, v11  }
0x118: {  	v9 =	vmul.f32 $1.442695020e+00, v9  }
0x119: {  	s17 =	simm.s32 $0x50;
	v16 =	vsub.f32 v17, v12;
	v12 =	vld [tilespmem:s11+$0xFFFFFFE0];
	v11 =	vmul.f32 $1.442695020e+00, v11  }
0x11a: {  	s16 =	simm.s32 $0x40;
	v18 =	vmov s17;
	v15 =	vld [tilespmem:s11+$0x10];
	vm12 =	vgt.s32 v13, $0xC34F;
	(erf) = vpow2.f32 v9  }
0x11b: {  	v17 =	vmov s16;
	v9 =	vld [tilespmem:s11+$0x0];
	v19 =	vsel vm12, $0xFFFF3CB0, v1;
	(erf) = vpow2.f32 v11  }
0x11c: {  	s17 =	simm.s32 $0x70;
	s16 =	simm.s32 $0x60;
	v11 =	vshll.u32 v17, $0x3;
	v17 =	vshll.u32 v18, $0x3;
	v13 =	vadd.s32 v13, v19  }
0x11d: {  	v55 =	vmov s17;
	v18 =	vmov s16;
	v17 =	vor.u32 v0, v17  }
0x11e: {  	v11 =	vor.u32 v0, v11;
	v18 =	vshll.u32 v18, $0x3;
	vm14 =	vgt.s32 v12, $0xC34F  }
0x11f: {  	vm13 =	vgt.s32 v15, $0xC34F;
	v18 =	vor.u32 v0, v18;
	v19 =	vsel vm14, $0xFFFF3CB0, v1  }
0x120: {  	v21 =	vsel vm13, $0xFFFF3CB0, v1;
	vm15 =	vgt.s32 v9, $0xC34F;
	v12 =	vadd.s32 v12, v19  }
0x121: {  	v20 =	vand.u32 $0x7FFFFFFF, v16;
	v15 =	vadd.s32 v15, v21;
	v19 =	vsel vm15, $0xFFFF3CB0, v1;
	v13 =	vld.idx.msk [tilespmem:v13+s4+$0x0], $0xffff  }
0x122: {  	v30 =	vshll.u32 v55, $0x3;
	v20 =	vsub.f32 $0.0e+00, v20;
	v9 =	vadd.s32 v9, v19;
	v21 =	vld.idx.msk [tilespmem:v17+s28+$0x0], $0xffff  }
0x123: {  	v7 =	vadd.f32 v7, v14;
	v14 =	vand.u32 $0x7FFFFFFF, v6;
	v23 =	vor.u32 $0x1, v17;
	v25 =	vld.idx.msk [tilespmem:v11+s28+$0x0], $0xffff  }
0x124: {  	v14 =	vsub.f32 $0.0e+00, v14;
	v56 =	vor.u32 $0x2, v17;
	v20 =	vmul.f32 $1.442695020e+00, v20;
	v27 =	vld.idx.msk [tilespmem:v18+s28+$0x0], $0xffff  }
0x125: {  	v57 =	vsel vm12, $0x10, v1;
	v22 =	vor.u32 $0x3, v11;
	v26 =	vor.u32 $0x1, v18;
	v24 =	vpop (erf);
	v12 =	vld.idx.msk [tilespmem:v12+s4+$0x0], $0xffff  }
0x126: {  	v59 =	vsel vm14, $0x10, v1;
	(erf) = vpow2.f32 v20;
	v15 =	vld.idx.msk [tilespmem:v15+s4+$0x0], $0xffff;
	v28 =	vpop (erf);
	v29 =	vadd.f32 $2.000000000e+00, v24  }
0x127: {  	v19 =	vor.u32 $0x1, v11;
	v11 =	vor.u32 $0x2, v11;
	v20 =	vadd.f32 $2.000000000e+00, v28;
	v9 =	vld.idx.msk [tilespmem:v9+s4+$0x0], $0xffff  }
0x128: {  	v23 =	vld.idx.msk [tilespmem:v23+s28+$0x0], $0xffff;
	v13 =	vshrl.u32 v13, v57;
	(erf) = vrcp.f32 v29;
	v29 =	vor.u32 v0, v30  }
0x129: {  	v17 =	vor.u32 $0x3, v17;
	v31 =	vld.idx.msk [tilespmem:v56+s28+$0x0], $0xffff;
	v13 =	vshll.u32 v13, $0x10;
	(erf) = vrcp.f32 v20  }
0x12a: {  	v22 =	vld.idx.msk [tilespmem:v22+s28+$0x0], $0xffff;
	v20 =	vor.u32 $0x2, v18;
	v58 =	vor.u32 $0x1, v29;
	v12 =	vshrl.u32 v12, v59  }
0x12b: {  	v26 =	vld.idx.msk [tilespmem:v26+s28+$0x0], $0xffff;
	v13 =	vsub.f32 v13, v21;
	v21 =	vsel vm15, $0x10, v1;
	v12 =	vshll.u32 v12, $0x10  }
0x12c: {  	v19 =	vld.idx.msk [tilespmem:v19+s28+$0x0], $0xffff;
	v9 =	vshrl.u32 v9, v21;
	v12 =	vsub.f32 v12, v25;
	v25 =	vsel vm13, $0x10, v1  }
0x12d: {  	v18 =	vor.u32 $0x3, v18;
	v13 =	vand.u32 $0x7FFFFFFF, v13;
	v21 =	vld.idx.msk [tilespmem:v29+s28+$0x0], $0xffff;
	v9 =	vshll.u32 v9, $0x10  }
0x12e: {  	v11 =	vld.idx.msk [tilespmem:v11+s28+$0x0], $0xffff;
	v60 =	vor.u32 $0x2, v29;
	v13 =	vmul.f32 v13, v23;
	v9 =	vsub.f32 v9, v27  }
0x12f: {  	v20 =	vld.idx.msk [tilespmem:v20+s28+$0x0], $0xffff;
	v27 =	vor.u32 $0x3, v29;
	v15 =	vshrl.u32 v15, v25;
	v12 =	vand.u32 $0x7FFFFFFF, v12;
	v25 =	vpop (erf)  }
0x130: {  	v17 =	vld.idx.msk [tilespmem:v17+s28+$0x0], $0xffff;
	v15 =	vshll.u32 v15, $0x10;
	v9 =	vand.u32 $0x7FFFFFFF, v9;
	v23 =	vadd.f32 $2.000000000e+00, v25  }
0x131: {  	v29 =	vld.idx.msk [tilespmem:v58+s28+$0x0], $0xffff;
	v19 =	vmul.f32 v12, v19;
	v61 =	vpop (erf);
	v9 =	vmul.f32 v9, v26;
	v26 =	vsub.f32 v13, v31  }
0x132: {  	v14 =	vmul.f32 $1.442695020e+00, v14;
	v62 =	vld.idx.msk [tilespmem:v18+s28+$0x0], $0xffff;
	v15 =	vsub.f32 v15, v21;
	v18 =	vpop (erf);
	(erf) = vrcp.f32 v23  }
0x133: {  	v63 =	vld.idx.msk [tilespmem:v60+s28+$0x0], $0xffff;
	v11 =	vsub.f32 v19, v11;
	v13 =	vmul.f32 v18, v28;
	v21 =	vmul.f32 v26, v26  }
0x134: {  	v20 =	vsub.f32 v9, v20;
	(erf) = vpow2.f32 v14;
	v14 =	vmul.f32 v61, v24  }
0x135: {  	v12 =	vand.u32 $0x7FFFFFFF, v15;
	v11 =	vmul.f32 v11, v11;
	v18 =	vmul.f32 v13, v13  }
0x136: {  	v9 =	vsub.f32 v17, v21;
	v15 =	vmul.f32 v20, v20;
	v17 =	vmul.f32 v12, v29  }
0x137: {  	v24 =	vld.idx.msk [tilespmem:v27+s28+$0x0], $0xffff;
	v12 =	vmax.f32 v10, $0.0e+00;
	v11 =	vsub.f32 v22, v11;
	v20 =	vmul.f32 $2.857142980e-01, v18  }
0x138: {  	v21 =	vand.u32 $0x7FFFFFFF, v9;
	v10 =	vsub.f32 v62, v15;
	v15 =	vsub.f32 v17, v63  }
0x139: {  	v17 =	vsub.f32 $0.0e+00, v21;
	v21 =	vmul.f32 v14, v14;
	v20 =	vadd.f32 $4.000000060e-01, v20  }
0x13a: {  	v26 =	vand.u32 $0x7FFFFFFF, v10;
	v27 =	vmul.f32 v15, v15;
	v15 =	vmax.f32 v16, $0.0e+00  }
0x13b: {  	v23 =	vmul.f32 $1.442695020e+00, v17;
	v17 =	vsub.f32 $0.0e+00, v26;
	v28 =	vmul.f32 v20, v18;
	v19 =	vpop (erf)  }
0x13c: {  	v16 =	vmax.f32 v8, $0.0e+00;
	v8 =	vsub.f32 v24, v27;
	v19 =	vmul.f32 v19, v25  }
0x13d: {  	v20 =	vmul.f32 $2.857142980e-01, v21;
	v17 =	vmul.f32 $1.442695020e+00, v17;
	v26 =	vpop (erf);
	v24 =	vadd.f32 $6.666666860e-01, v28  }
0x13e: {  	s12 =	simm.s32 $0xCBC0;
	s11 =	simm.s32 $0x80;
	v27 =	vand.u32 $0x7FFFFFFF, v8;
	v25 =	vadd.f32 $2.000000000e+00, v26;
	v22 =	vmul.f32 v19, v19  }
.LBB2_5:
0x13f: {  	s16 =	sadd.s32 $0x10, s11  }
0x140: {  	v28 =	vmov s11;
	v29 =	vld [tilespmem:s12+$0xFFFFFFF0];
	p0 =	slt.u32 s11, $0x780;
	v27 =	vsub.f32 $0.0e+00, v27;
	(erf) = vpow2.f32 v23;
	s17 =	smov.u32 s11;
	s11 =	sadd.s32 $0x40, s11  }
0x141: {  	v23 =	vshll.u32 v28, $0x3;
	v28 =	vmov s16;
	v30 =	vld [tilespmem:s12+$0x10];
	v31 =	vmul.f32 $2.857142980e-01, v22  }
0x142: {  	v32 =	vld [tilespmem:s12+$0xFFFFFFE0];
	v33 =	vor.u32 v0, v23;
	v23 =	vshll.u32 v28, $0x3;
	v28 =	vadd.f32 $4.000000060e-01, v20  }
0x143: {  	v34 =	vor.u32 $0x1, v33;
	v20 =	vor.u32 $0x3, v33;
	v35 =	vld [tilespmem:s12+$0x0];
	(erf) = vrcp.f32 v25  }
0x144: {  	v27 =	vmul.f32 $1.442695020e+00, v27;
	v36 =	vor.u32 v0, v23;
	v25 =	vmul.f32 v28, v21  }
0x145: {  	v23 =	vor.u32 $0x2, v33;
	v28 =	vor.u32 $0x1, v36;
	vm3 =	vgt.s32 v29, $0xC34F  }
0x146: {  	v38 =	vand.u32 $0x7FFFFFFF, v11;
	v37 =	vsel vm3, $0xFFFF3CB0, v1;
	vm0 =	vgt.s32 v30, $0xC34F  }
0x147: {  	s16 =	sadd.s32 $0x20, s17;
	vm1 =	vgt.s32 v32, $0xC34F;
	v29 =	vadd.s32 v29, v37;
	v37 =	vadd.f32 $6.666666860e-01, v25  }
0x148: {  	v42 =	vmov s16;
	v31 =	vadd.f32 $4.000000060e-01, v31;
	v39 =	vsel vm1, $0xFFFF3CB0, v1  }
0x149: {  	v40 =	vshll.u32 v42, $0x3;
	v41 =	vsel vm0, $0xFFFF3CB0, v1;
	v25 =	vpop (erf);
	v21 =	vmul.f32 v37, v21  }
0x14a: {  	v38 =	vsub.f32 $0.0e+00, v38;
	v30 =	vadd.s32 v30, v41;
	v37 =	vor.u32 v0, v40  }
0x14b: {  	v40 =	vor.u32 $0x1, v37;
	v41 =	vor.u32 $0x2, v37;
	(erf) = vpow2.f32 v27  }
0x14c: {  	v38 =	vmul.f32 $1.442695020e+00, v38;
	v42 =	vor.u32 $0x3, v37;
	v27 =	vld.idx.msk [tilespmem:v29+s4+$0x0], $0xffff;
	v29 =	vor.u32 $0x2, v36;
	v43 =	vpop (erf)  }
0x14d: {  	s16 =	sadd.s32 $0x30, s17;
	v32 =	vadd.s32 v32, v39;
	v39 =	vld.idx.msk [tilespmem:v36+s28+$0x0], $0xffff;
	v36 =	vor.u32 $0x3, v36;
	v26 =	vmul.f32 v43, v26  }
0x14e: {  	v18 =	vmul.f32 v24, v18;
	vm2 =	vgt.s32 v35, $0xC34F;
	v43 =	vmov s16  }
0x14f: {  	v31 =	vmul.f32 v31, v22;
	v43 =	vshll.u32 v43, $0x3;
	v24 =	vld.idx.msk [tilespmem:v33+s28+$0x0], $0xffff;
	v33 =	vsel vm2, $0xFFFF3CB0, v1  }
0x150: {  	v33 =	vadd.s32 v35, v33;
	v35 =	vld.idx.msk [tilespmem:v37+s28+$0x0], $0xffff;
	v37 =	vor.u32 v0, v43;
	v43 =	vmul.f32 v26, v26  }
0x151: {  	v44 =	vsel vm3, $0x10, v1;
	v31 =	vadd.f32 $6.666666860e-01, v31;
	v45 =	vor.u32 $0x1, v37  }
0x152: {  	v27 =	vshrl.u32 v27, v44;
	v44 =	vor.u32 $0x2, v37;
	v32 =	vld.idx.msk [tilespmem:v32+s4+$0x0], $0xffff;
	v46 =	vmul.f32 $2.857142980e-01, v43  }
0x153: {  	v47 =	vsel vm1, $0x10, v1;
	v22 =	vmul.f32 v31, v22;
	v27 =	vshll.u32 v27, $0x10  }
0x154: {  	v31 =	vor.u32 $0x3, v37;
	v27 =	vsub.f32 v27, v39;
	v39 =	vpop (erf);
	v46 =	vadd.f32 $4.000000060e-01, v46  }
0x155: {  	v18 =	vadd.f32 $2.000000000e+00, v18;
	v48 =	vadd.f32 $2.000000000e+00, v25;
	v33 =	vld.idx.msk [tilespmem:v33+s4+$0x0], $0xffff;
	(erf) = vpow2.f32 v38  }
0x156: {  	v27 =	vand.u32 $0x7FFFFFFF, v27;
	v38 =	vadd.f32 $2.000000000e+00, v39;
	v46 =	vmul.f32 v46, v43  }
0x157: {  	v13 =	vmul.f32 v18, v13;
	v22 =	vadd.f32 $2.000000000e+00, v22;
	v30 =	vld.idx.msk [tilespmem:v30+s4+$0x0], $0xffff;
	(erf) = vrcp.f32 v48  }
0x158: {  	v21 =	vadd.f32 $2.000000000e+00, v21;
	v18 =	vld.idx.msk [tilespmem:v28+s28+$0x0], $0xffff;
	(erf) = vrcp.f32 v38;
	v28 =	vadd.f32 $6.666666860e-01, v46  }
0x159: {  	v16 =	vadd.f32 v13, v16;
	v19 =	vmul.f32 v22, v19;
	v32 =	vshrl.u32 v32, v47;
	v34 =	vld.idx.msk [tilespmem:v34+s28+$0x0], $0xffff  }
0x15a: {  	v13 =	vsel vm2, $0x10, v1;
	v14 =	vmul.f32 v21, v14;
	v22 =	vld.idx.msk [tilespmem:v40+s28+$0x0], $0xffff;
	v21 =	vmul.f32 v28, v43  }
0x15b: {  	v15 =	vadd.f32 v19, v15;
	v28 =	vshll.u32 v32, $0x10;
	v13 =	vshrl.u32 v33, v13;
	v29 =	vld.idx.msk [tilespmem:v29+s28+$0x0], $0xffff  }
0x15c: {  	v19 =	vsub.f32 v28, v24;
	v13 =	vshll.u32 v13, $0x10;
	v24 =	vld.idx.msk [tilespmem:v41+s28+$0x0], $0xffff;
	v21 =	vadd.f32 $2.000000000e+00, v21  }
0x15d: {  	v7 =	vadd.f32 v15, v7;
	v28 =	vsel vm0, $0x10, v1;
	v13 =	vsub.f32 v13, v35;
	v32 =	vld.idx.msk [tilespmem:v37+s28+$0x0], $0xffff  }
0x15e: {  	v12 =	vadd.f32 v14, v12;
	v14 =	vmax.f32 v6, $0.0e+00;
	v28 =	vshrl.u32 v30, v28;
	v15 =	vld.idx.msk [tilespmem:v36+s28+$0x0], $0xffff;
	v30 =	vpop (erf)  }
0x15f: {  	v6 =	vmovc v10;
	v36 =	vand.u32 $0x7FFFFFFF, v13;
	v21 =	vmul.f32 v21, v26;
	v33 =	vld.idx.msk [tilespmem:v42+s28+$0x0], $0xffff;
	v35 =	vadd.f32 $2.000000000e+00, v30  }
0x160: {  	v10 =	vand.u32 $0x7FFFFFFF, v19;
	v18 =	vmul.f32 v27, v18;
	v19 =	vshll.u32 v28, $0x10;
	v26 =	vld.idx.msk [tilespmem:v45+s28+$0x0], $0xffff;
	v27 =	vpop (erf)  }
0x161: {  	v7 =	vadd.f32 v12, v7;
	v22 =	vmul.f32 v36, v22;
	v12 =	vadd.f32 v21, v14;
	v13 =	vpop (erf)  }
0x162: {  	v28 =	vmul.f32 v10, v34;
	v10 =	vsub.f32 v18, v29;
	v21 =	vld.idx.msk [tilespmem:v44+s28+$0x0], $0xffff;
	v13 =	vmul.f32 v13, v39  }
0x163: {  	v14 =	vsub.f32 v19, v32;
	v7 =	vadd.f32 v12, v7;
	(erf) = vrcp.f32 v35  }
0x164: {  	v10 =	vmul.f32 v10, v10;
	v12 =	vsub.f32 v22, v24;
	(erf) = vpow2.f32 v17  }
0x165: {  	v14 =	vand.u32 $0x7FFFFFFF, v14;
	v18 =	vmul.f32 v13, v13;
	v7 =	vadd.f32 v16, v7;
	v17 =	vld.idx.msk [tilespmem:v23+s28+$0x0], $0xffff  }
0x166: {  	v15 =	vsub.f32 v15, v10;
	v10 =	vmul.f32 v12, v12;
	v16 =	vmul.f32 v14, v26  }
0x167: {  	v12 =	vmax.f32 v9, $0.0e+00;
	v14 =	vmul.f32 v27, v25;
	v22 =	vmul.f32 $2.857142980e-01, v18;
	v19 =	vld.idx.msk [tilespmem:v31+s28+$0x0], $0xffff  }
0x168: {  	v23 =	vand.u32 $0x7FFFFFFF, v15;
	v10 =	vsub.f32 v33, v10;
	v9 =	vmovc v15;
	v16 =	vsub.f32 v16, v21  }
0x169: {  	v21 =	vmul.f32 v14, v14;
	v22 =	vadd.f32 $4.000000060e-01, v22;
	v27 =	vld.idx.msk [tilespmem:v20+s28+$0x0], $0xffff;
	v20 =	vsub.f32 $0.0e+00, v23  }
0x16a: {  	v15 =	vmax.f32 v11, $0.0e+00;
	v26 =	vand.u32 $0x7FFFFFFF, v10;
	v25 =	vmul.f32 v16, v16  }
.Ltmp1:
0x16b: {  	v11 =	vsub.f32 v28, v17;
	v22 =	vmul.f32 v22, v18;
	v23 =	vmul.f32 $1.442695020e+00, v20;
	(pc) =	sbr.rel @p0 .LBB2_5-.Ltmp1, $4  }
0x16c: {  	v16 =	vmax.f32 v8, $0.0e+00;
	v17 =	vsub.f32 $0.0e+00, v26;
	v20 =	vmul.f32 $2.857142980e-01, v21;
	v24 =	vpop (erf)  }
0x16d: {  	v11 =	vmul.f32 v11, v11;
	v8 =	vsub.f32 v19, v25;
	v19 =	vmul.f32 v24, v30;
	v26 =	vpop (erf)  }
0x16e: {  	v17 =	vmul.f32 $1.442695020e+00, v17;
	v24 =	vadd.f32 $6.666666860e-01, v22;
	v25 =	vadd.f32 $2.000000000e+00, v26  }
0x16f: {  	s12 =	sadd.s32 $0x40, s12;
	v11 =	vsub.f32 v27, v11;
	v27 =	vand.u32 $0x7FFFFFFF, v8;
	v22 =	vmul.f32 v19, v19  }
0x170: {  	v28 =	vld [tilespmem:$0xD2E0];
	_ =	sdelay $0x3  }
0x171: {  	v27 =	vsub.f32 $0.0e+00, v27;
	v29 =	vand.u32 $0x7FFFFFFF, v11  }
0x172: {  	v29 =	vsub.f32 $0.0e+00, v29;
	vm0 =	vgt.s32 v28, $0xC34F  }
0x173: {  	(erf) = vpow2.f32 v23;
	v23 =	vmul.f32 $1.442695020e+00, v27;
	v27 =	vsel vm0, $0xFFFF3CB0, v1  }
0x174: {  	(erf) = vrcp.f32 v25;
	v25 =	vmul.f32 $1.442695020e+00, v29;
	v27 =	vadd.s32 v28, v27  }
0x175: {  	(erf) = vpow2.f32 v23  }
0x176: {  	(erf) = vpow2.f32 v25;
	_ =	sdelay $0x1  }
0x177: {  	s11 =	simm.s32 $0x0  }
0x178: {  	v23 =	vld.idx.msk [tilespmem:v27+s11+$0x0], $0xffff;
	_ =	sdelay $0x1  }
0x179: {  	v25 =	vld.idx.msk [tilespmem:v2+s28+$0x0], $0xffff  }
0x17a: {  	v27 =	vpop (erf)  }
0x17b: {  	v29 =	vsel vm0, $0x10, v1;
	v28 =	vpop (erf)  }
0x17c: {  	v31 =	vadd.f32 $2.000000000e+00, v27;
	v30 =	vpop (erf);
	v23 =	vshrl.u32 v23, v29;
	v29 =	vld.idx.msk [tilespmem:v3+s28+$0x0], $0xffff  }
0x17d: {  	v32 =	vadd.f32 $2.000000000e+00, v30;
	v33 =	vpop (erf);
	v23 =	vshll.u32 v23, $0x10  }
0x17e: {  	v34 =	vld.idx.msk [tilespmem:v4+s28+$0x0], $0xffff;
	(erf) = vrcp.f32 v31;
	v46 =	vadd.f32 $2.000000000e+00, v33;
	v23 =	vsub.f32 v23, v25  }
0x17f: {  	(erf) = vrcp.f32 v32  }
0x180: {  	(erf) = vrcp.f32 v46;
	v23 =	vand.u32 $0x7FFFFFFF, v23  }
0x181: {  	(erf) = vpow2.f32 v17;
	v17 =	vmul.f32 v23, v29  }
0x182: {  	v23 =	vld.idx.msk [tilespmem:v5+s28+$0x0], $0xffff  }
0x183: {  	v17 =	vsub.f32 v17, v34;
	_ =	sdelay $0x1  }
0x184: {  	v17 =	vmul.f32 v17, v17;
	_ =	sdelay $0x1  }
0x185: {  	v25 =	vpop (erf);
	v17 =	vsub.f32 v23, v17  }
0x186: {  	v23 =	vpop (erf)  }
0x187: {  	v29 =	vpop (erf);
	v47 =	vand.u32 $0x7FFFFFFF, v17  }
0x188: {  	v48 =	vpop (erf);
	v31 =	vsub.f32 $0.0e+00, v47  }
0x189: {  	v49 =	vadd.f32 $2.000000000e+00, v48  }
0x18a: {  	v31 =	vmul.f32 $1.442695020e+00, v31  }
0x18b: {  	(erf) = vrcp.f32 v49  }
0x18c: {  	v20 =	vadd.f32 $4.000000060e-01, v20;
	(erf) = vpow2.f32 v31  }
0x18d: {  	v50 =	vmul.f32 $2.857142980e-01, v22  }
0x18e: {  	v20 =	vmul.f32 v20, v21  }
0x18f: {  	v26 =	vmul.f32 v28, v26;
	v31 =	vadd.f32 $4.000000060e-01, v50  }
0x190: {  	v20 =	vadd.f32 $6.666666860e-01, v20  }
0x191: {  	v35 =	vmul.f32 v26, v26;
	v31 =	vmul.f32 v31, v22  }
0x192: {  	v18 =	vmul.f32 v24, v18;
	v20 =	vmul.f32 v20, v21  }
0x193: {  	v52 =	vmul.f32 $2.857142980e-01, v35;
	v31 =	vadd.f32 $6.666666860e-01, v31  }
0x194: {  	v18 =	vadd.f32 $2.000000000e+00, v18;
	v20 =	vadd.f32 $2.000000000e+00, v20;
	v28 =	vpop (erf)  }
0x195: {  	v21 =	vmul.f32 v31, v22;
	v22 =	vadd.f32 $4.000000060e-01, v52;
	v51 =	vpop (erf)  }
0x196: {  	v13 =	vmul.f32 v18, v13;
	v14 =	vmul.f32 v20, v14;
	v36 =	vadd.f32 $2.000000000e+00, v51  }
0x197: {  	v18 =	vmul.f32 v29, v33;
	v22 =	vmul.f32 v22, v35;
	v21 =	vadd.f32 $2.000000000e+00, v21  }
0x198: {  	v20 =	vmul.f32 v23, v30;
	(erf) = vrcp.f32 v36  }
0x199: {  	v22 =	vadd.f32 $6.666666860e-01, v22;
	v19 =	vmul.f32 v21, v19;
	v21 =	vmul.f32 v18, v18  }
0x19a: {  	v13 =	vadd.f32 v13, v16;
	v23 =	vmul.f32 v25, v27;
	v16 =	vmul.f32 v20, v20  }
0x19b: {  	s12 =	sadd.s32 s10, s14;
	v22 =	vmul.f32 v22, v35;
	v24 =	vmul.f32 $2.857142980e-01, v21  }
0x19c: {  	s12 =	sshrl.u32 s12, $0x3;
	v27 =	vmul.f32 $2.857142980e-01, v16;
	v28 =	vmul.f32 v28, v48;
	v15 =	vadd.f32 v19, v15  }
0x19d: {  	s16 =	sadd.s32 s2, s12;
	v19 =	vadd.f32 $2.000000000e+00, v22;
	v22 =	vmul.f32 v23, v23;
	v24 =	vadd.f32 $4.000000060e-01, v24  }
0x19e: {  	[tilespmem:s21], [sflag:$0x2] =	stream.linear.gather [hbm4b:s16+s11], $0x7D0, $0x38;
	v7 =	vadd.f32 v15, v7;
	v15 =	vadd.f32 $4.000000060e-01, v27;
	v27 =	vmul.f32 v28, v28;
	[tilespmem:$0x1ADC0] =	vst v63  }
0x19f: {  	s12 =	sadd.s32 s3, s12;
	v12 =	vadd.f32 v14, v12;
	v14 =	vmul.f32 $2.857142980e-01, v22;
	v24 =	vmul.f32 v24, v21  }
0x1a0: {  	v6 =	vmax.f32 v6, $0.0e+00;
	[tilespmem:s22], [sflag:$0x2] =	stream.linear.gather [hbm4b:s12+s11], $0x7D0, $0x38;
	v19 =	vmul.f32 v19, v26;
	v15 =	vmul.f32 v15, v16;
	[tilespmem:$0x1ADC0] =	vst v63  }
0x1a1: {  	v26 =	vmul.f32 $2.857142980e-01, v27;
	v7 =	vadd.f32 v12, v7;
	v14 =	vadd.f32 $4.000000060e-01, v14;
	v25 =	vpop (erf)  }
0x1a2: {  	v24 =	vadd.f32 $6.666666860e-01, v24;
	v6 =	vadd.f32 v19, v6;
	_ =	swait.ge [sflag:s26], $0x7D0  }
0x1a3: {  	v19 =	vadd.f32 $4.000000060e-01, v26;
	v12 =	vmul.f32 v14, v22;
	v14 =	vadd.f32 $6.666666860e-01, v15;
	[sflag:s26] =	ssyncset.done $0x0  }
0x1a4: {  	v15 =	vmul.f32 v24, v21;
	v6 =	vadd.f32 v6, v7;
	[sflag:s26] =	ssyncadd.s32 $0xFFFFF830  }
0x1a5: {  	v7 =	vadd.f32 $6.666666860e-01, v12;
	v12 =	vmul.f32 v14, v16;
	v14 =	vmul.f32 v19, v27;
	_ =	swait.ge [sflag:s26], $0x7D0  }
0x1a6: {  	[sflag:s26] =	ssyncset.done $0x0  }
0x1a7: {  	v15 =	vadd.f32 $2.000000000e+00, v15;
	v7 =	vmul.f32 v7, v22;
	v14 =	vadd.f32 $6.666666860e-01, v14;
	[sflag:s26] =	ssyncadd.s32 $0xFFFFF830  }
0x1a8: {  	[tilespmem:s28], [sflag:$0x5] =	stream.indirect.gather [hbm4b:s6+s24], $0x8, s22, s24, $0xb8;
	[tilespmem:$0x1ADC0] =	vst v63  }
0x1a9: {  	v15 =	vmul.f32 v15, v18;
	v7 =	vadd.f32 $2.000000000e+00, v7;
	v14 =	vmul.f32 v14, v27;
	_ =	swait.ge [sflag:s7], $0x3E80  }
0x1aa: {  	v11 =	vmax.f32 v11, $0.0e+00;
	v6 =	vadd.f32 v13, v6;
	[sflag:s7] =	ssyncset.done $0x0  }
0x1ab: {  	s12 =	simm.s32 $0xD310;
	v11 =	vadd.f32 v15, v11;
	v7 =	vmul.f32 v7, v23;
	v14 =	vadd.f32 $2.000000000e+00, v14;
	[sflag:s7] =	ssyncadd.s32 $0xFFFFC180  }
0x1ac: {  	v9 =	vmax.f32 v9, $0.0e+00;
	v16 =	vmul.f32 v25, v51;
	v12 =	vadd.f32 $2.000000000e+00, v12;
	v13 =	vld [tilespmem:s12+$0xFFFFFFF0]  }
0x1ad: {  	v6 =	vadd.f32 v11, v6;
	v7 =	vadd.f32 v7, v9;
	v9 =	vmul.f32 v14, v28;
	v18 =	vld [tilespmem:s12+$0xFFFFFFE0]  }
0x1ae: {  	s17 =	simm.s32 $0x10;
	v10 =	vmax.f32 v10, $0.0e+00;
	v12 =	vmul.f32 v12, v20;
	v15 =	vmul.f32 v16, v16;
	v11 =	vld [tilespmem:s12+$0x10]  }
0x1af: {  	v20 =	vmov s17;
	v6 =	vadd.f32 v7, v6;
	v7 =	vadd.f32 v9, v10  }
0x1b0: {  	v20 =	vshll.u32 v20, $0x3;
	v19 =	vmul.f32 $2.857142980e-01, v15;
	v23 =	vmov s11;
	v21 =	vld [tilespmem:s12+$0x0]  }
0x1b1: {  	v20 =	vor.u32 v0, v20;
	v6 =	vadd.f32 v7, v6;
	vm1 =	vgt.s32 v13, $0xC34F  }
0x1b2: {  	v7 =	vor.u32 $0x2, v20;
	vm11 =	vgt.s32 v18, $0xC34F;
	v22 =	vsel vm1, $0xFFFF3CB0, v1  }
0x1b3: {  	vm2 =	vgt.s32 v11, $0xC34F;
	v24 =	vsel vm11, $0xFFFF3CB0, v1;
	v13 =	vadd.s32 v13, v22  }
0x1b4: {  	v19 =	vadd.f32 $4.000000060e-01, v19;
	v25 =	vsel vm2, $0xFFFF3CB0, v1;
	v18 =	vadd.s32 v18, v24  }
0x1b5: {  	s12 =	simm.s32 $0x30;
	vm3 =	vgt.s32 v21, $0xC34F;
	v22 =	vshll.u32 v23, $0x3;
	v11 =	vadd.s32 v11, v25  }
0x1b6: {  	s17 =	simm.s32 $0x20;
	v26 =	vld.idx.msk [tilespmem:v20+s0+$0x0], $0xffff;
	v24 =	vmov s12;
	v25 =	vsel vm3, $0xFFFF3CB0, v1;
	v22 =	vor.u32 v0, v22  }
0x1b7: {  	v23 =	vmov s17;
	v7 =	vld.idx.msk [tilespmem:v7+s0+$0x0], $0xffff;
	v24 =	vshll.u32 v24, $0x3;
	v21 =	vadd.s32 v21, v25  }
0x1b8: {  	v23 =	vshll.u32 v23, $0x3;
	v24 =	vor.u32 v0, v24;
	v13 =	vld.idx.msk [tilespmem:v13+s4+$0x0], $0xffff  }
0x1b9: {  	v19 =	vmul.f32 v19, v15;
	v23 =	vor.u32 v0, v23;
	v10 =	vld.idx.msk [tilespmem:v18+s4+$0x0], $0xffff  }
0x1ba: {  	v25 =	vor.u32 $0x1, v20;
	v11 =	vld.idx.msk [tilespmem:v11+s4+$0x0], $0xffff  }
0x1bb: {  	v8 =	vmax.f32 v8, $0.0e+00;
	v18 =	vadd.f32 $6.666666860e-01, v19;
	v19 =	vor.u32 $0x1, v24;
	v14 =	vld.idx.msk [tilespmem:v22+s0+$0x0], $0xffff  }
0x1bc: {  	v8 =	vadd.f32 v12, v8;
	v9 =	vor.u32 $0x1, v23;
	v12 =	vld.idx.msk [tilespmem:v21+s4+$0x0], $0xffff  }
0x1bd: {  	v54 =	vsel vm2, $0x10, v1;
	v20 =	vor.u32 $0x3, v20;
	v21 =	vor.u32 $0x2, v24;
	v28 =	vld.idx.msk [tilespmem:v24+s0+$0x0], $0xffff  }
0x1be: {  	v29 =	vor.u32 $0x1, v22;
	v27 =	vld.idx.msk [tilespmem:v23+s0+$0x0], $0xffff;
	v15 =	vmul.f32 v18, v15;
	v18 =	vsel vm1, $0x10, v1  }
0x1bf: {  	v53 =	vor.u32 $0x2, v22;
	v13 =	vshrl.u32 v13, v18;
	v18 =	vld.idx.msk [tilespmem:v25+s0+$0x0], $0xffff;
	v25 =	vor.u32 $0x2, v23  }
0x1c0: {  	v24 =	vor.u32 $0x3, v24;
	v11 =	vshrl.u32 v11, v54;
	v19 =	vld.idx.msk [tilespmem:v19+s0+$0x0], $0xffff;
	v13 =	vshll.u32 v13, $0x10  }
0x1c1: {  	v9 =	vld.idx.msk [tilespmem:v9+s0+$0x0], $0xffff;
	v11 =	vshll.u32 v11, $0x10;
	v13 =	vsub.f32 v13, v26;
	v26 =	vsel vm3, $0x10, v1  }
0x1c2: {  	v23 =	vor.u32 $0x3, v23;
	v21 =	vld.idx.msk [tilespmem:v21+s0+$0x0], $0xffff;
	v11 =	vsub.f32 v11, v28;
	v12 =	vshrl.u32 v12, v26  }
0x1c3: {  	v20 =	vld.idx.msk [tilespmem:v20+s0+$0x0], $0xffff;
	v26 =	vsel vm11, $0x10, v1;
	v13 =	vand.u32 $0x7FFFFFFF, v13;
	v12 =	vshll.u32 v12, $0x10  }
0x1c4: {  	v11 =	vand.u32 $0x7FFFFFFF, v11;
	v25 =	vld.idx.msk [tilespmem:v25+s0+$0x0], $0xffff;
	v12 =	vsub.f32 v12, v27;
	v13 =	vmul.f32 v13, v18  }
0x1c5: {  	v28 =	vld.idx.msk [tilespmem:v29+s0+$0x0], $0xffff;
	v10 =	vshrl.u32 v10, v26;
	v18 =	vor.u32 $0x3, v22;
	v11 =	vmul.f32 v11, v19  }
0x1c6: {  	v10 =	vshll.u32 v10, $0x10;
	v12 =	vand.u32 $0x7FFFFFFF, v12;
	v7 =	vsub.f32 v13, v7;
	v13 =	vld.idx.msk [tilespmem:v24+s0+$0x0], $0xffff  }
0x1c7: {  	v10 =	vsub.f32 v10, v14;
	v11 =	vsub.f32 v11, v21;
	v9 =	vmul.f32 v12, v9;
	v12 =	vld.idx.msk [tilespmem:v53+s0+$0x0], $0xffff  }
0x1c8: {  	v8 =	vadd.f32 v8, v6;
	v6 =	vadd.f32 $2.000000000e+00, v15;
	v14 =	vld.idx.msk [tilespmem:v23+s0+$0x0], $0xffff;
	v7 =	vmul.f32 v7, v7  }
0x1c9: {  	v10 =	vand.u32 $0x7FFFFFFF, v10;
	v11 =	vmul.f32 v11, v11;
	v9 =	vsub.f32 v9, v25  }
0x1ca: {  	v6 =	vmul.f32 v6, v16;
	v15 =	vmul.f32 v10, v28;
	v10 =	vsub.f32 v20, v7  }
0x1cb: {  	s11 =	simm.s32 $0xD350;
	v7 =	vmax.f32 v17, $0.0e+00;
	v17 =	vld.idx.msk [tilespmem:v18+s0+$0x0], $0xffff;
	v16 =	vmul.f32 v9, v9;
	v9 =	vsub.f32 v13, v11  }
0x1cc: {  	v7 =	vadd.f32 v6, v7;
	v13 =	vld [tilespmem:s11+$0xFFFFFFF0];
	v11 =	vand.u32 $0x7FFFFFFF, v10;
	v12 =	vsub.f32 v15, v12  }
0x1cd: {  	v6 =	vsub.f32 v14, v16;
	v11 =	vsub.f32 $0.0e+00, v11;
	v14 =	vand.u32 $0x7FFFFFFF, v9  }
0x1ce: {  	v12 =	vmul.f32 v12, v12;
	v14 =	vsub.f32 $0.0e+00, v14  }
0x1cf: {  	s17 =	simm.s32 $0x50;
	v15 =	vld [tilespmem:s11+$0x10];
	v11 =	vmul.f32 $1.442695020e+00, v11  }
0x1d0: {  	v18 =	vmov s17;
	s17 =	simm.s32 $0x70;
	v16 =	vsub.f32 v17, v12;
	v12 =	vld [tilespmem:s11+$0xFFFFFFE0];
	v14 =	vmul.f32 $1.442695020e+00, v14  }
0x1d1: {  	s16 =	simm.s32 $0x40;
	v55 =	vmov s17;
	vm12 =	vgt.s32 v13, $0xC34F;
	(erf) = vpow2.f32 v11;
	v11 =	vld [tilespmem:s11+$0x0]  }
0x1d2: {  	v17 =	vmov s16;
	v19 =	vsel vm12, $0xFFFF3CB0, v1;
	(erf) = vpow2.f32 v14  }
0x1d3: {  	v14 =	vshll.u32 v17, $0x3;
	v17 =	vshll.u32 v18, $0x3;
	v13 =	vadd.s32 v13, v19  }
0x1d4: {  	v7 =	vadd.f32 v7, v8;
	vm13 =	vgt.s32 v15, $0xC34F;
	v17 =	vor.u32 v0, v17  }
0x1d5: {  	v21 =	vsel vm13, $0xFFFF3CB0, v1;
	v14 =	vor.u32 v0, v14;
	vm14 =	vgt.s32 v12, $0xC34F  }
0x1d6: {  	s16 =	simm.s32 $0x60;
	v15 =	vadd.s32 v15, v21;
	v19 =	vsel vm14, $0xFFFF3CB0, v1;
	vm15 =	vgt.s32 v11, $0xC34F  }
0x1d7: {  	v18 =	vmov s16;
	v12 =	vadd.s32 v12, v19;
	v19 =	vsel vm15, $0xFFFF3CB0, v1  }
0x1d8: {  	v20 =	vand.u32 $0x7FFFFFFF, v16;
	v18 =	vshll.u32 v18, $0x3;
	v13 =	vld.idx.msk [tilespmem:v13+s4+$0x0], $0xffff;
	v11 =	vadd.s32 v11, v19  }
0x1d9: {  	v8 =	vand.u32 $0x7FFFFFFF, v6;
	v20 =	vsub.f32 $0.0e+00, v20;
	v18 =	vor.u32 v0, v18;
	v21 =	vld.idx.msk [tilespmem:v17+s0+$0x0], $0xffff  }
0x1da: {  	v30 =	vshll.u32 v55, $0x3;
	v8 =	vsub.f32 $0.0e+00, v8;
	v23 =	vor.u32 $0x1, v17;
	v25 =	vld.idx.msk [tilespmem:v14+s0+$0x0], $0xffff  }
0x1db: {  	v57 =	vsel vm12, $0x10, v1;
	v56 =	vor.u32 $0x2, v17;
	v20 =	vmul.f32 $1.442695020e+00, v20;
	v15 =	vld.idx.msk [tilespmem:v15+s4+$0x0], $0xffff;
	v24 =	vpop (erf)  }
0x1dc: {  	v8 =	vmul.f32 $1.442695020e+00, v8;
	v26 =	vor.u32 $0x1, v18;
	v28 =	vpop (erf);
	v29 =	vadd.f32 $2.000000000e+00, v24;
	v12 =	vld.idx.msk [tilespmem:v12+s4+$0x0], $0xffff  }
0x1dd: {  	(erf) = vpow2.f32 v20;
	v19 =	vor.u32 $0x1, v14;
	v20 =	vadd.f32 $2.000000000e+00, v28;
	v11 =	vld.idx.msk [tilespmem:v11+s4+$0x0], $0xffff  }
0x1de: {  	v59 =	vsel vm14, $0x10, v1;
	v27 =	vld.idx.msk [tilespmem:v18+s0+$0x0], $0xffff;
	(erf) = vrcp.f32 v29;
	v29 =	vor.u32 v0, v30  }
0x1df: {  	v23 =	vld.idx.msk [tilespmem:v23+s0+$0x0], $0xffff;
	v13 =	vshrl.u32 v13, v57;
	(erf) = vrcp.f32 v20;
	v20 =	vor.u32 $0x2, v18  }
0x1e0: {  	v17 =	vor.u32 $0x3, v17;
	v31 =	vld.idx.msk [tilespmem:v56+s0+$0x0], $0xffff;
	v13 =	vshll.u32 v13, $0x10;
	v18 =	vor.u32 $0x3, v18  }
0x1e1: {  	v26 =	vld.idx.msk [tilespmem:v26+s0+$0x0], $0xffff;
	v13 =	vsub.f32 v13, v21;
	v21 =	vsel vm15, $0x10, v1;
	v12 =	vshrl.u32 v12, v59  }
0x1e2: {  	v19 =	vld.idx.msk [tilespmem:v19+s0+$0x0], $0xffff;
	v58 =	vor.u32 $0x1, v29;
	v11 =	vshrl.u32 v11, v21;
	v12 =	vshll.u32 v12, $0x10  }
0x1e3: {  	v21 =	vld.idx.msk [tilespmem:v29+s0+$0x0], $0xffff;
	v11 =	vshll.u32 v11, $0x10;
	v12 =	vsub.f32 v12, v25;
	v25 =	vsel vm13, $0x10, v1  }
0x1e4: {  	v60 =	vor.u32 $0x2, v29;
	v13 =	vand.u32 $0x7FFFFFFF, v13;
	v20 =	vld.idx.msk [tilespmem:v20+s0+$0x0], $0xffff;
	v11 =	vsub.f32 v11, v27  }
0x1e5: {  	v22 =	vor.u32 $0x3, v14;
	v14 =	vor.u32 $0x2, v14;
	v13 =	vmul.f32 v13, v23  }
0x1e6: {  	v17 =	vld.idx.msk [tilespmem:v17+s0+$0x0], $0xffff;
	v27 =	vor.u32 $0x3, v29;
	v15 =	vshrl.u32 v15, v25;
	v25 =	vpop (erf);
	v11 =	vand.u32 $0x7FFFFFFF, v11  }
0x1e7: {  	v29 =	vld.idx.msk [tilespmem:v58+s0+$0x0], $0xffff;
	v12 =	vand.u32 $0x7FFFFFFF, v12;
	v23 =	vadd.f32 $2.000000000e+00, v25;
	v11 =	vmul.f32 v11, v26  }
0x1e8: {  	v62 =	vld.idx.msk [tilespmem:v18+s0+$0x0], $0xffff;
	v15 =	vshll.u32 v15, $0x10;
	v19 =	vmul.f32 v12, v19;
	v61 =	vpop (erf);
	v26 =	vsub.f32 v13, v31  }
0x1e9: {  	v63 =	vld.idx.msk [tilespmem:v60+s0+$0x0], $0xffff;
	v15 =	vsub.f32 v15, v21;
	v18 =	vpop (erf);
	(erf) = vrcp.f32 v23;
	v11 =	vsub.f32 v11, v20  }
0x1ea: {  	v13 =	vmul.f32 v18, v28;
	v21 =	vmul.f32 v26, v26  }
0x1eb: {  	v12 =	vand.u32 $0x7FFFFFFF, v15;
	v20 =	vld.idx.msk [tilespmem:v14+s0+$0x0], $0xffff;
	(erf) = vpow2.f32 v8;
	v11 =	vmul.f32 v11, v11  }
0x1ec: {  	v15 =	vmul.f32 v12, v29;
	v18 =	vmul.f32 v13, v13;
	v8 =	vsub.f32 v17, v21  }
0x1ed: {  	v14 =	vmul.f32 v61, v24;
	v12 =	vmax.f32 v10, $0.0e+00;
	v10 =	vsub.f32 v62, v11  }
0x1ee: {  	v24 =	vld.idx.msk [tilespmem:v27+s0+$0x0], $0xffff;
	v17 =	vmul.f32 $2.857142980e-01, v18;
	v21 =	vand.u32 $0x7FFFFFFF, v8;
	v11 =	vsub.f32 v15, v63  }
0x1ef: {  	v22 =	vld.idx.msk [tilespmem:v22+s0+$0x0], $0xffff;
	v15 =	vmax.f32 v16, $0.0e+00;
	v23 =	vsub.f32 $0.0e+00, v21;
	v26 =	vand.u32 $0x7FFFFFFF, v10  }
0x1f0: {  	v21 =	vmul.f32 v14, v14;
	v19 =	vsub.f32 v19, v20;
	v17 =	vadd.f32 $4.000000060e-01, v17  }
0x1f1: {  	v16 =	vmax.f32 v9, $0.0e+00;
	v11 =	vmul.f32 v11, v11;
	v23 =	vmul.f32 $1.442695020e+00, v23  }
0x1f2: {  	v28 =	vmul.f32 v19, v19;
	v27 =	vmul.f32 v17, v18;
	v17 =	vsub.f32 $0.0e+00, v26;
	v26 =	vpop (erf)  }
0x1f3: {  	v20 =	vmul.f32 $2.857142980e-01, v21;
	v9 =	vsub.f32 v24, v11;
	v19 =	vmul.f32 v26, v25  }
0x1f4: {  	v11 =	vsub.f32 v22, v28;
	v26 =	vpop (erf);
	v17 =	vmul.f32 $1.442695020e+00, v17;
	v24 =	vadd.f32 $6.666666860e-01, v27  }
0x1f5: {  	s12 =	simm.s32 $0xD390;
	s11 =	simm.s32 $0x80;
	v27 =	vand.u32 $0x7FFFFFFF, v9;
	v25 =	vadd.f32 $2.000000000e+00, v26;
	v22 =	vmul.f32 v19, v19  }
.LBB2_7:
0x1f6: {  	s16 =	sadd.s32 $0x10, s11  }
0x1f7: {  	v28 =	vmov s11;
	v29 =	vld [tilespmem:s12+$0xFFFFFFF0];
	p0 =	slt.u32 s11, $0x780;
	v27 =	vsub.f32 $0.0e+00, v27;
	(erf) = vpow2.f32 v23;
	s17 =	smov.u32 s11;
	s11 =	sadd.s32 $0x40, s11  }
0x1f8: {  	v23 =	vshll.u32 v28, $0x3;
	v28 =	vmov s16;
	v30 =	vld [tilespmem:s12+$0x10];
	v31 =	vmul.f32 $2.857142980e-01, v22  }
0x1f9: {  	v32 =	vld [tilespmem:s12+$0xFFFFFFE0];
	v33 =	vor.u32 v0, v23;
	v23 =	vshll.u32 v28, $0x3;
	v28 =	vadd.f32 $4.000000060e-01, v20  }
0x1fa: {  	v34 =	vor.u32 $0x1, v33;
	v20 =	vor.u32 $0x3, v33;
	v35 =	vld [tilespmem:s12+$0x0];
	(erf) = vrcp.f32 v25  }
0x1fb: {  	v27 =	vmul.f32 $1.442695020e+00, v27;
	v36 =	vor.u32 v0, v23;
	v25 =	vmul.f32 v28, v21  }
0x1fc: {  	v23 =	vor.u32 $0x2, v33;
	v28 =	vor.u32 $0x1, v36;
	vm3 =	vgt.s32 v29, $0xC34F  }
0x1fd: {  	v38 =	vand.u32 $0x7FFFFFFF, v11;
	v37 =	vsel vm3, $0xFFFF3CB0, v1;
	vm0 =	vgt.s32 v30, $0xC34F  }
0x1fe: {  	s16 =	sadd.s32 $0x20, s17;
	vm1 =	vgt.s32 v32, $0xC34F;
	v29 =	vadd.s32 v29, v37;
	v37 =	vadd.f32 $6.666666860e-01, v25  }
0x1ff: {  	v42 =	vmov s16;
	v31 =	vadd.f32 $4.000000060e-01, v31;
	v39 =	vsel vm1, $0xFFFF3CB0, v1  }
0x200: {  	v40 =	vshll.u32 v42, $0x3;
	v41 =	vsel vm0, $0xFFFF3CB0, v1;
	v25 =	vpop (erf);
	v21 =	vmul.f32 v37, v21  }
0x201: {  	v38 =	vsub.f32 $0.0e+00, v38;
	v30 =	vadd.s32 v30, v41;
	v37 =	vor.u32 v0, v40  }
0x202: {  	v40 =	vor.u32 $0x1, v37;
	v41 =	vor.u32 $0x2, v37;
	(erf) = vpow2.f32 v27  }
0x203: {  	v38 =	vmul.f32 $1.442695020e+00, v38;
	v42 =	vor.u32 $0x3, v37;
	v27 =	vld.idx.msk [tilespmem:v29+s4+$0x0], $0xffff;
	v29 =	vor.u32 $0x2, v36;
	v43 =	vpop (erf)  }
0x204: {  	s16 =	sadd.s32 $0x30, s17;
	v32 =	vadd.s32 v32, v39;
	v39 =	vld.idx.msk [tilespmem:v36+s0+$0x0], $0xffff;
	v36 =	vor.u32 $0x3, v36;
	v26 =	vmul.f32 v43, v26  }
0x205: {  	v18 =	vmul.f32 v24, v18;
	vm2 =	vgt.s32 v35, $0xC34F;
	v43 =	vmov s16  }
0x206: {  	v31 =	vmul.f32 v31, v22;
	v43 =	vshll.u32 v43, $0x3;
	v24 =	vld.idx.msk [tilespmem:v33+s0+$0x0], $0xffff;
	v33 =	vsel vm2, $0xFFFF3CB0, v1  }
0x207: {  	v33 =	vadd.s32 v35, v33;
	v35 =	vld.idx.msk [tilespmem:v37+s0+$0x0], $0xffff;
	v37 =	vor.u32 v0, v43;
	v43 =	vmul.f32 v26, v26  }
0x208: {  	v44 =	vsel vm3, $0x10, v1;
	v31 =	vadd.f32 $6.666666860e-01, v31;
	v45 =	vor.u32 $0x1, v37  }
0x209: {  	v27 =	vshrl.u32 v27, v44;
	v44 =	vor.u32 $0x2, v37;
	v32 =	vld.idx.msk [tilespmem:v32+s4+$0x0], $0xffff;
	v46 =	vmul.f32 $2.857142980e-01, v43  }
0x20a: {  	v47 =	vsel vm1, $0x10, v1;
	v22 =	vmul.f32 v31, v22;
	v27 =	vshll.u32 v27, $0x10  }
0x20b: {  	v31 =	vor.u32 $0x3, v37;
	v27 =	vsub.f32 v27, v39;
	v39 =	vpop (erf);
	v46 =	vadd.f32 $4.000000060e-01, v46  }
0x20c: {  	v18 =	vadd.f32 $2.000000000e+00, v18;
	v48 =	vadd.f32 $2.000000000e+00, v25;
	v33 =	vld.idx.msk [tilespmem:v33+s4+$0x0], $0xffff;
	(erf) = vpow2.f32 v38  }
0x20d: {  	v27 =	vand.u32 $0x7FFFFFFF, v27;
	v38 =	vadd.f32 $2.000000000e+00, v39;
	v46 =	vmul.f32 v46, v43  }
0x20e: {  	v13 =	vmul.f32 v18, v13;
	v22 =	vadd.f32 $2.000000000e+00, v22;
	v30 =	vld.idx.msk [tilespmem:v30+s4+$0x0], $0xffff;
	(erf) = vrcp.f32 v48  }
0x20f: {  	v21 =	vadd.f32 $2.000000000e+00, v21;
	v18 =	vld.idx.msk [tilespmem:v28+s0+$0x0], $0xffff;
	(erf) = vrcp.f32 v38;
	v28 =	vadd.f32 $6.666666860e-01, v46  }
0x210: {  	v16 =	vadd.f32 v13, v16;
	v19 =	vmul.f32 v22, v19;
	v32 =	vshrl.u32 v32, v47;
	v34 =	vld.idx.msk [tilespmem:v34+s0+$0x0], $0xffff  }
0x211: {  	v13 =	vsel vm2, $0x10, v1;
	v14 =	vmul.f32 v21, v14;
	v22 =	vld.idx.msk [tilespmem:v40+s0+$0x0], $0xffff;
	v21 =	vmul.f32 v28, v43  }
0x212: {  	v15 =	vadd.f32 v19, v15;
	v28 =	vshll.u32 v32, $0x10;
	v13 =	vshrl.u32 v33, v13;
	v29 =	vld.idx.msk [tilespmem:v29+s0+$0x0], $0xffff  }
0x213: {  	v19 =	vsub.f32 v28, v24;
	v13 =	vshll.u32 v13, $0x10;
	v24 =	vld.idx.msk [tilespmem:v41+s0+$0x0], $0xffff;
	v21 =	vadd.f32 $2.000000000e+00, v21  }
0x214: {  	v7 =	vadd.f32 v15, v7;
	v28 =	vsel vm0, $0x10, v1;
	v13 =	vsub.f32 v13, v35;
	v32 =	vld.idx.msk [tilespmem:v37+s0+$0x0], $0xffff  }
0x215: {  	v12 =	vadd.f32 v14, v12;
	v14 =	vmax.f32 v6, $0.0e+00;
	v28 =	vshrl.u32 v30, v28;
	v15 =	vld.idx.msk [tilespmem:v36+s0+$0x0], $0xffff;
	v30 =	vpop (erf)  }
0x216: {  	v6 =	vmovc v10;
	v36 =	vand.u32 $0x7FFFFFFF, v13;
	v21 =	vmul.f32 v21, v26;
	v33 =	vld.idx.msk [tilespmem:v42+s0+$0x0], $0xffff;
	v35 =	vadd.f32 $2.000000000e+00, v30  }
0x217: {  	v10 =	vand.u32 $0x7FFFFFFF, v19;
	v18 =	vmul.f32 v27, v18;
	v19 =	vshll.u32 v28, $0x10;
	v26 =	vld.idx.msk [tilespmem:v45+s0+$0x0], $0xffff;
	v27 =	vpop (erf)  }
0x218: {  	v7 =	vadd.f32 v12, v7;
	v22 =	vmul.f32 v36, v22;
	v12 =	vadd.f32 v21, v14;
	v13 =	vpop (erf)  }
0x219: {  	v28 =	vmul.f32 v10, v34;
	v10 =	vsub.f32 v18, v29;
	v21 =	vld.idx.msk [tilespmem:v44+s0+$0x0], $0xffff;
	v13 =	vmul.f32 v13, v39  }
0x21a: {  	v14 =	vsub.f32 v19, v32;
	v7 =	vadd.f32 v12, v7;
	(erf) = vrcp.f32 v35  }
0x21b: {  	v10 =	vmul.f32 v10, v10;
	v12 =	vsub.f32 v22, v24;
	(erf) = vpow2.f32 v17  }
0x21c: {  	v14 =	vand.u32 $0x7FFFFFFF, v14;
	v18 =	vmul.f32 v13, v13;
	v7 =	vadd.f32 v16, v7;
	v17 =	vld.idx.msk [tilespmem:v23+s0+$0x0], $0xffff  }
0x21d: {  	v15 =	vsub.f32 v15, v10;
	v10 =	vmul.f32 v12, v12;
	v16 =	vmul.f32 v14, v26  }
0x21e: {  	v12 =	vmax.f32 v8, $0.0e+00;
	v14 =	vmul.f32 v27, v25;
	v22 =	vmul.f32 $2.857142980e-01, v18;
	v19 =	vld.idx.msk [tilespmem:v31+s0+$0x0], $0xffff  }
0x21f: {  	v23 =	vand.u32 $0x7FFFFFFF, v15;
	v10 =	vsub.f32 v33, v10;
	v8 =	vmovc v15;
	v16 =	vsub.f32 v16, v21  }
0x220: {  	v21 =	vmul.f32 v14, v14;
	v22 =	vadd.f32 $4.000000060e-01, v22;
	v27 =	vld.idx.msk [tilespmem:v20+s0+$0x0], $0xffff;
	v20 =	vsub.f32 $0.0e+00, v23  }
0x221: {  	v15 =	vmax.f32 v11, $0.0e+00;
	v26 =	vand.u32 $0x7FFFFFFF, v10;
	v25 =	vmul.f32 v16, v16  }
.Ltmp2:
0x222: {  	v11 =	vsub.f32 v28, v17;
	v22 =	vmul.f32 v22, v18;
	v23 =	vmul.f32 $1.442695020e+00, v20;
	(pc) =	sbr.rel @p0 .LBB2_7-.Ltmp2, $4  }
0x223: {  	v16 =	vmax.f32 v9, $0.0e+00;
	v17 =	vsub.f32 $0.0e+00, v26;
	v20 =	vmul.f32 $2.857142980e-01, v21;
	v24 =	vpop (erf)  }
0x224: {  	v11 =	vmul.f32 v11, v11;
	v9 =	vsub.f32 v19, v25;
	v19 =	vmul.f32 v24, v30;
	v26 =	vpop (erf)  }
0x225: {  	v17 =	vmul.f32 $1.442695020e+00, v17;
	v24 =	vadd.f32 $6.666666860e-01, v22;
	v25 =	vadd.f32 $2.000000000e+00, v26  }
0x226: {  	s12 =	sadd.s32 $0x40, s12;
	v11 =	vsub.f32 v27, v11;
	v27 =	vand.u32 $0x7FFFFFFF, v9;
	v22 =	vmul.f32 v19, v19  }
0x227: {  	v28 =	vld [tilespmem:$0xDAB0];
	_ =	sdelay $0x3  }
0x228: {  	v27 =	vsub.f32 $0.0e+00, v27;
	v29 =	vand.u32 $0x7FFFFFFF, v11  }
0x229: {  	v29 =	vsub.f32 $0.0e+00, v29;
	vm0 =	vgt.s32 v28, $0xC34F  }
0x22a: {  	(erf) = vpow2.f32 v23;
	v37 =	vmul.f32 $1.442695020e+00, v27;
	v38 =	vsel vm0, $0xFFFF3CB0, v1  }
0x22b: {  	(erf) = vrcp.f32 v25;
	v39 =	vmul.f32 $1.442695020e+00, v29;
	v27 =	vadd.s32 v28, v38  }
0x22c: {  	(erf) = vpow2.f32 v37  }
0x22d: {  	(erf) = vpow2.f32 v39;
	_ =	sdelay $0x2  }
0x22e: {  	v40 =	vld.idx.msk [tilespmem:v27+s4+$0x0], $0xffff;
	_ =	sdelay $0x1  }
0x22f: {  	v41 =	vld.idx.msk [tilespmem:v2+s0+$0x0], $0xffff  }
0x230: {  	v42 =	vpop (erf)  }
0x231: {  	v44 =	vsel vm0, $0x10, v1;
	v43 =	vpop (erf)  }
0x232: {  	v45 =	vld.idx.msk [tilespmem:v3+s0+$0x0], $0xffff;
	v31 =	vadd.f32 $2.000000000e+00, v42;
	v30 =	vpop (erf);
	v23 =	vshrl.u32 v40, v44  }
0x233: {  	v32 =	vadd.f32 $2.000000000e+00, v30;
	v33 =	vpop (erf);
	v23 =	vshll.u32 v23, $0x10  }
0x234: {  	v34 =	vld.idx.msk [tilespmem:v4+s0+$0x0], $0xffff;
	(erf) = vrcp.f32 v31;
	v46 =	vadd.f32 $2.000000000e+00, v33;
	v23 =	vsub.f32 v23, v41  }
0x235: {  	(erf) = vrcp.f32 v32  }
0x236: {  	(erf) = vrcp.f32 v46;
	v23 =	vand.u32 $0x7FFFFFFF, v23  }
0x237: {  	(erf) = vpow2.f32 v17;
	v47 =	vmul.f32 v23, v45  }
0x238: {  	v48 =	vld.idx.msk [tilespmem:v5+s0+$0x0], $0xffff  }
0x239: {  	v17 =	vsub.f32 v47, v34;
	_ =	sdelay $0x1  }
0x23a: {  	v17 =	vmul.f32 v17, v17;
	_ =	sdelay $0x1  }
0x23b: {  	v49 =	vpop (erf);
	v17 =	vsub.f32 v48, v17  }
0x23c: {  	v50 =	vpop (erf)  }
0x23d: {  	v51 =	vpop (erf);
	v52 =	vand.u32 $0x7FFFFFFF, v17  }
0x23e: {  	v53 =	vpop (erf);
	v31 =	vsub.f32 $0.0e+00, v52  }
0x23f: {  	v54 =	vadd.f32 $2.000000000e+00, v53  }
0x240: {  	v31 =	vmul.f32 $1.442695020e+00, v31  }
0x241: {  	(erf) = vrcp.f32 v54  }
0x242: {  	(erf) = vpow2.f32 v31;
	_ =	sdelay $0x3  }
0x243: {  	v55 =	vmul.f32 $2.857142980e-01, v22  }
0x244: {  	v20 =	vadd.f32 $4.000000060e-01, v20;
	v26 =	vmul.f32 v43, v26  }
0x245: {  	v56 =	vadd.f32 $4.000000060e-01, v55  }
0x246: {  	v20 =	vmul.f32 v20, v21;
	v57 =	vmul.f32 v26, v26  }
0x247: {  	v28 =	vmul.f32 v56, v22;
	v35 =	vpop (erf)  }
0x248: {  	v20 =	vadd.f32 $6.666666860e-01, v20;
	v58 =	vmul.f32 $2.857142980e-01, v57;
	v59 =	vpop (erf)  }
0x249: {  	v18 =	vmul.f32 v24, v18;
	v28 =	vadd.f32 $6.666666860e-01, v28;
	v62 =	vadd.f32 $2.000000000e+00, v59  }
0x24a: {  	v6 =	vmax.f32 v6, $0.0e+00;
	v20 =	vmul.f32 v20, v21;
	v34 =	vadd.f32 $4.000000060e-01, v58  }
0x24b: {  	v18 =	vadd.f32 $2.000000000e+00, v18;
	v60 =	vmul.f32 v28, v22;
	(erf) = vrcp.f32 v62  }
0x24c: {  	v20 =	vadd.f32 $2.000000000e+00, v20;
	v61 =	vmul.f32 v34, v57;
	v33 =	vmul.f32 v51, v33  }
0x24d: {  	v13 =	vmul.f32 v18, v13;
	v63 =	vadd.f32 $2.000000000e+00, v60;
	v36 =	vmul.f32 v49, v42  }
0x24e: {  	v14 =	vmul.f32 v20, v14;
	v28 =	vadd.f32 $6.666666860e-01, v61;
	v37 =	vmul.f32 v33, v33  }
0x24f: {  	v13 =	vadd.f32 v13, v16;
	v19 =	vmul.f32 v63, v19;
	v39 =	vmul.f32 v36, v36  }
0x250: {  	v12 =	vadd.f32 v14, v12;
	v34 =	vmul.f32 v28, v57;
	v40 =	vmul.f32 $2.857142980e-01, v37  }
0x251: {  	v15 =	vadd.f32 v19, v15;
	v42 =	vmul.f32 v50, v30;
	v41 =	vmul.f32 v35, v53  }
0x252: {  	v43 =	vmul.f32 $2.857142980e-01, v39;
	v38 =	vadd.f32 $2.000000000e+00, v34;
	v20 =	vadd.f32 $4.000000060e-01, v40  }
0x253: {  	v7 =	vadd.f32 v15, v7;
	v45 =	vmul.f32 v42, v42;
	v44 =	vmul.f32 v41, v41  }
0x254: {  	v21 =	vadd.f32 $4.000000060e-01, v43;
	v16 =	vmul.f32 v38, v26;
	v20 =	vmul.f32 v20, v37;
	v46 =	vpop (erf)  }
0x255: {  	v7 =	vadd.f32 v12, v7;
	v47 =	vmul.f32 $2.857142980e-01, v44;
	v24 =	vmul.f32 v46, v59  }
0x256: {  	v48 =	vmul.f32 v21, v39;
	v6 =	vadd.f32 v16, v6;
	v20 =	vadd.f32 $6.666666860e-01, v20  }
0x257: {  	v49 =	vmul.f32 $2.857142980e-01, v45;
	v12 =	vadd.f32 $4.000000060e-01, v47;
	v27 =	vmul.f32 v24, v24  }
0x258: {  	v6 =	vadd.f32 v6, v7;
	v7 =	vadd.f32 $6.666666860e-01, v48;
	v50 =	vmul.f32 v20, v37  }
0x259: {  	v51 =	vadd.f32 $4.000000060e-01, v49;
	v12 =	vmul.f32 v12, v44;
	v52 =	vmul.f32 $2.857142980e-01, v27  }
0x25a: {  	v56 =	vmax.f32 v11, $0.0e+00;
	v7 =	vmul.f32 v7, v39;
	v53 =	vadd.f32 $2.000000000e+00, v50  }
0x25b: {  	v54 =	vmul.f32 v51, v45;
	v12 =	vadd.f32 $6.666666860e-01, v12;
	v55 =	vadd.f32 $4.000000060e-01, v52  }
0x25c: {  	v6 =	vadd.f32 v13, v6;
	v7 =	vadd.f32 $2.000000000e+00, v7;
	v13 =	vmul.f32 v53, v33  }
0x25d: {  	v16 =	vadd.f32 $6.666666860e-01, v54;
	v12 =	vmul.f32 v12, v44;
	v57 =	vmul.f32 v55, v27  }
0x25e: {  	v8 =	vmax.f32 v8, $0.0e+00;
	v7 =	vmul.f32 v7, v36;
	v11 =	vadd.f32 v13, v56  }
0x25f: {  	v58 =	vmul.f32 v16, v45;
	v12 =	vadd.f32 $2.000000000e+00, v12;
	v59 =	vadd.f32 $6.666666860e-01, v57  }
0x260: {  	v7 =	vadd.f32 v7, v8;
	v6 =	vadd.f32 v11, v6  }
0x261: {  	v8 =	vadd.f32 $2.000000000e+00, v58;
	v60 =	vmul.f32 v12, v41;
	v61 =	vmul.f32 v59, v27  }
0x262: {  	v10 =	vmax.f32 v10, $0.0e+00;
	v6 =	vadd.f32 v7, v6  }
0x263: {  	v7 =	vmul.f32 v8, v42;
	v8 =	vadd.f32 v60, v10;
	v62 =	vadd.f32 $2.000000000e+00, v61  }
0x264: {  	v9 =	vmax.f32 v9, $0.0e+00;
	p0 =	seq.s32 s9, $0xF  }
.Ltmp3:
0x265: {  	v7 =	vadd.f32 v7, v9;
	v6 =	vadd.f32 v8, v6;
	v8 =	vmul.f32 v62, v24;
	(pc) =	sbr.rel @p0 .LBB2_10-.Ltmp3, $3  }
0x266: {  	v63 =	vmax.f32 v17, $0.0e+00  }
0x267: {  	v6 =	vadd.f32 v7, v6;
	v7 =	vadd.f32 v8, v63;
	_ =	sdelay $0x1  }
0x268: {  	v6 =	vadd.f32 v7, v6  }
0x269: {  	s10 =	sadd.s32 s10, s15  }
.Ltmp4:
0x26a: {  	s10 =	sshrl.u32 s10, $0x3;
	(pc) =	sbr.rel .LBB2_2-.Ltmp4, $4  }
0x26b: {  	s11 =	sadd.s32 s2, s10  }
0x26c: {  	[tilespmem:s29], [sflag:$0x3] =	stream.linear.gather [hbm4b:s11+s4], $0x7D0, $0x38;
	[tilespmem:$0x1ADC0] =	vst v63  }
0x26d: {  	s9 =	sadd.s32 $0x1, s9;
	s10 =	sadd.s32 s3, s10  }
0x26e: {  	[tilespmem:s30], [sflag:$0x3] =	stream.linear.gather [hbm4b:s10+s4], $0x7D0, $0x38;
	[tilespmem:$0x1ADC0] =	vst v63  }
.LBB2_10:
0x26f: {  	_ =	swait.ge [sflag:s1], $0x3E80  }
0x270: {  	[sflag:s1] =	ssyncset.done $0x0  }
0x271: {  	s9 =	simm.s32 $0xC370;
	s10 =	simm.s32 $0x10;
	[sflag:s1] =	ssyncadd.s32 $0xFFFFC180  }
0x272: {  	v10 =	vmov s10;
	v7 =	vld [tilespmem:s9+$0xFFFFFFF0]  }
0x273: {  	v10 =	vshll.u32 v10, $0x3;
	v8 =	vld [tilespmem:s9+$0xFFFFFFE0]  }
0x274: {  	v9 =	vld [tilespmem:s9+$0x10];
	v10 =	vor.u32 v0, v10  }
0x275: {  	v11 =	vld [tilespmem:s9+$0x0]  }
0x276: {  	s11 =	simm.s32 $0x0  }
0x277: {  	v13 =	vmov s11;
	v17 =	vor.u32 $0x1, v10  }
0x278: {  	v21 =	vor.u32 $0x2, v10;
	vm1 =	vgt.s32 v7, $0xC34F;
	vm0 =	vgt.s32 v8, $0xC34F  }
0x279: {  	vm2 =	vgt.s32 v9, $0xC34F;
	v16 =	vld.idx.msk [tilespmem:v10+s25+$0x0], $0xffff;
	v10 =	vor.u32 $0x3, v10;
	v12 =	vsel vm1, $0xFFFF3CB0, v1  }
0x27a: {  	vm3 =	vgt.s32 v11, $0xC34F;
	v14 =	vsel vm0, $0xFFFF3CB0, v1;
	v7 =	vadd.s32 v7, v12  }
0x27b: {  	s16 =	simm.s32 $0x30;
	v15 =	vsel vm2, $0xFFFF3CB0, v1;
	v12 =	vshll.u32 v13, $0x3;
	v8 =	vadd.s32 v8, v14  }
0x27c: {  	s12 =	simm.s32 $0x20;
	v17 =	vld.idx.msk [tilespmem:v17+s25+$0x0], $0xffff;
	v9 =	vadd.s32 v9, v15;
	v14 =	vmov s16;
	v15 =	vsel vm3, $0xFFFF3CB0, v1  }
0x27d: {  	v21 =	vld.idx.msk [tilespmem:v21+s25+$0x0], $0xffff;
	v13 =	vmov s12;
	v14 =	vshll.u32 v14, $0x3;
	v11 =	vadd.s32 v11, v15  }
0x27e: {  	v13 =	vshll.u32 v13, $0x3;
	v14 =	vor.u32 v0, v14;
	v10 =	vld.idx.msk [tilespmem:v10+s25+$0x0], $0xffff  }
0x27f: {  	v13 =	vor.u32 v0, v13;
	v7 =	vld.idx.msk [tilespmem:v7+s4+$0x0], $0xffff  }
0x280: {  	v12 =	vor.u32 v0, v12;
	v8 =	vld.idx.msk [tilespmem:v8+s4+$0x0], $0xffff  }
0x281: {  	v20 =	vor.u32 $0x1, v14;
	v9 =	vld.idx.msk [tilespmem:v9+s4+$0x0], $0xffff  }
0x282: {  	v19 =	vor.u32 $0x1, v13;
	v11 =	vld.idx.msk [tilespmem:v11+s4+$0x0], $0xffff  }
0x283: {  	v22 =	vsel vm1, $0x10, v1;
	v27 =	vsel vm2, $0x10, v1;
	v23 =	vor.u32 $0x2, v14;
	v24 =	vld.idx.msk [tilespmem:v14+s25+$0x0], $0xffff  }
0x284: {  	v25 =	vor.u32 $0x1, v12;
	v18 =	vld.idx.msk [tilespmem:v13+s25+$0x0], $0xffff;
	v7 =	vshrl.u32 v7, v22;
	v22 =	vor.u32 $0x2, v13  }
0x285: {  	v26 =	vor.u32 $0x2, v12;
	v15 =	vld.idx.msk [tilespmem:v12+s25+$0x0], $0xffff;
	v14 =	vor.u32 $0x3, v14;
	v7 =	vshll.u32 v7, $0x10  }
0x286: {  	v9 =	vshrl.u32 v9, v27;
	v7 =	vsub.f32 v7, v16;
	v16 =	vld.idx.msk [tilespmem:v20+s25+$0x0], $0xffff;
	v20 =	vsel vm3, $0x10, v1  }
0x287: {  	v12 =	vor.u32 $0x3, v12;
	v19 =	vld.idx.msk [tilespmem:v19+s25+$0x0], $0xffff;
	v9 =	vshll.u32 v9, $0x10;
	v11 =	vshrl.u32 v11, v20  }
0x288: {  	v13 =	vor.u32 $0x3, v13;
	v9 =	vsub.f32 v9, v24;
	v20 =	vld.idx.msk [tilespmem:v23+s25+$0x0], $0xffff;
	v11 =	vshll.u32 v11, $0x10  }
0x289: {  	v23 =	vsel vm0, $0x10, v1;
	v7 =	vand.u32 $0x7FFFFFFF, v7;
	v22 =	vld.idx.msk [tilespmem:v22+s25+$0x0], $0xffff;
	v11 =	vsub.f32 v11, v18  }
0x28a: {  	v24 =	vld.idx.msk [tilespmem:v25+s25+$0x0], $0xffff;
	v9 =	vand.u32 $0x7FFFFFFF, v9;
	v8 =	vshrl.u32 v8, v23;
	v7 =	vmul.f32 v7, v17  }
0x28b: {  	v14 =	vld.idx.msk [tilespmem:v14+s25+$0x0], $0xffff;
	v8 =	vshll.u32 v8, $0x10;
	v9 =	vmul.f32 v9, v16;
	v11 =	vand.u32 $0x7FFFFFFF, v11  }
0x28c: {  	v8 =	vsub.f32 v8, v15;
	v15 =	vld.idx.msk [tilespmem:v26+s25+$0x0], $0xffff;
	v7 =	vsub.f32 v7, v21;
	v11 =	vmul.f32 v11, v19  }
0x28d: {  	v13 =	vld.idx.msk [tilespmem:v13+s25+$0x0], $0xffff;
	v9 =	vsub.f32 v9, v20  }
0x28e: {  	v8 =	vand.u32 $0x7FFFFFFF, v8;
	v7 =	vmul.f32 v7, v7;
	v11 =	vsub.f32 v11, v22  }
0x28f: {  	v16 =	vmul.f32 v8, v24;
	v9 =	vmul.f32 v9, v9  }
0x290: {  	v10 =	vsub.f32 v10, v7;
	v7 =	vmul.f32 v11, v11;
	v11 =	vld.idx.msk [tilespmem:v12+s25+$0x0], $0xffff  }
0x291: {  	s17 =	simm.s32 $0xC3B0;
	v12 =	vsub.f32 v16, v15;
	v8 =	vsub.f32 v14, v9  }
0x292: {  	v16 =	vld [tilespmem:s17+$0x10];
	v9 =	vand.u32 $0x7FFFFFFF, v10;
	v7 =	vsub.f32 v13, v7  }
0x293: {  	v14 =	vld [tilespmem:s17+$0xFFFFFFF0];
	v9 =	vsub.f32 $0.0e+00, v9;
	v12 =	vmul.f32 v12, v12;
	v13 =	vand.u32 $0x7FFFFFFF, v8  }
0x294: {  	s11 =	simm.s32 $0x40;
	v13 =	vsub.f32 $0.0e+00, v13  }
0x295: {  	s12 =	simm.s32 $0x50;
	v17 =	vmov s11;
	v9 =	vmul.f32 $1.442695020e+00, v9;
	v11 =	vsub.f32 v11, v12;
	v12 =	vld [tilespmem:s17+$0xFFFFFFE0]  }
0x296: {  	v18 =	vmov s12;
	v15 =	vand.u32 $0x7FFFFFFF, v7;
	v13 =	vmul.f32 $1.442695020e+00, v13  }
0x297: {  	v15 =	vsub.f32 $0.0e+00, v15;
	vm13 =	vgt.s32 v16, $0xC34F;
	(erf) = vpow2.f32 v9;
	v9 =	vld [tilespmem:s17+$0x0]  }
0x298: {  	vm12 =	vgt.s32 v14, $0xC34F;
	v21 =	vsel vm13, $0xFFFF3CB0, v1;
	(erf) = vpow2.f32 v13  }
0x299: {  	v19 =	vsel vm12, $0xFFFF3CB0, v1;
	v16 =	vadd.s32 v16, v21;
	v13 =	vshll.u32 v17, $0x3  }
0x29a: {  	v17 =	vshll.u32 v18, $0x3;
	v14 =	vadd.s32 v14, v19;
	vm14 =	vgt.s32 v12, $0xC34F  }
0x29b: {  	s17 =	simm.s32 $0x70;
	v20 =	vand.u32 $0x7FFFFFFF, v11;
	v17 =	vor.u32 v0, v17;
	v19 =	vsel vm14, $0xFFFF3CB0, v1  }
0x29c: {  	s16 =	simm.s32 $0x60;
	v30 =	vmov s17;
	vm15 =	vgt.s32 v9, $0xC34F;
	v12 =	vadd.s32 v12, v19  }
0x29d: {  	v18 =	vmov s16;
	v13 =	vor.u32 v0, v13;
	v19 =	vsel vm15, $0xFFFF3CB0, v1  }
0x29e: {  	v20 =	vsub.f32 $0.0e+00, v20;
	v18 =	vshll.u32 v18, $0x3;
	v16 =	vld.idx.msk [tilespmem:v16+s4+$0x0], $0xffff;
	v9 =	vadd.s32 v9, v19  }
0x29f: {  	v59 =	vsel vm12, $0x10, v1;
	v30 =	vshll.u32 v30, $0x3;
	v18 =	vor.u32 v0, v18;
	v14 =	vld.idx.msk [tilespmem:v14+s4+$0x0], $0xffff  }
0x2a0: {  	v22 =	vor.u32 $0x3, v13;
	v23 =	vor.u32 $0x1, v17;
	v20 =	vmul.f32 $1.442695020e+00, v20;
	v21 =	vld.idx.msk [tilespmem:v17+s25+$0x0], $0xffff;
	v24 =	vpop (erf)  }
0x2a1: {  	v26 =	vor.u32 $0x2, v13;
	v31 =	vor.u32 $0x2, v17;
	v29 =	vadd.f32 $2.000000000e+00, v24;
	v28 =	vpop (erf);
	v12 =	vld.idx.msk [tilespmem:v12+s4+$0x0], $0xffff  }
0x2a2: {  	v19 =	vor.u32 $0x1, v13;
	v25 =	vld.idx.msk [tilespmem:v13+s25+$0x0], $0xffff;
	(erf) = vpow2.f32 v20;
	v20 =	vadd.f32 $2.000000000e+00, v28  }
0x2a3: {  	v32 =	vsel vm14, $0x10, v1;
	v13 =	vor.u32 $0x1, v18;
	v9 =	vld.idx.msk [tilespmem:v9+s4+$0x0], $0xffff;
	(erf) = vrcp.f32 v29  }
0x2a4: {  	v17 =	vor.u32 $0x3, v17;
	v27 =	vld.idx.msk [tilespmem:v18+s25+$0x0], $0xffff;
	v29 =	vor.u32 v0, v30;
	(erf) = vrcp.f32 v20  }
0x2a5: {  	v23 =	vld.idx.msk [tilespmem:v23+s25+$0x0], $0xffff;
	v14 =	vshrl.u32 v14, v59;
	v60 =	vor.u32 $0x1, v29;
	v20 =	vor.u32 $0x2, v18  }
0x2a6: {  	v31 =	vld.idx.msk [tilespmem:v31+s25+$0x0], $0xffff;
	v14 =	vshll.u32 v14, $0x10;
	v33 =	vor.u32 $0x2, v29;
	v12 =	vshrl.u32 v12, v32  }
0x2a7: {  	v19 =	vld.idx.msk [tilespmem:v19+s25+$0x0], $0xffff;
	v14 =	vsub.f32 v14, v21;
	v21 =	vsel vm15, $0x10, v1;
	v12 =	vshll.u32 v12, $0x10  }
0x2a8: {  	v13 =	vld.idx.msk [tilespmem:v13+s25+$0x0], $0xffff;
	v9 =	vshrl.u32 v9, v21;
	v12 =	vsub.f32 v12, v25;
	v25 =	vsel vm13, $0x10, v1  }
0x2a9: {  	v18 =	vor.u32 $0x3, v18;
	v14 =	vand.u32 $0x7FFFFFFF, v14;
	v21 =	vld.idx.msk [tilespmem:v29+s25+$0x0], $0xffff;
	v9 =	vshll.u32 v9, $0x10  }
0x2aa: {  	v14 =	vmul.f32 v14, v23;
	v20 =	vld.idx.msk [tilespmem:v20+s25+$0x0], $0xffff;
	v9 =	vsub.f32 v9, v27  }
0x2ab: {  	v15 =	vmul.f32 $1.442695020e+00, v15;
	v17 =	vld.idx.msk [tilespmem:v17+s25+$0x0], $0xffff;
	v27 =	vor.u32 $0x3, v29;
	v16 =	vshrl.u32 v16, v25;
	v25 =	vpop (erf)  }
0x2ac: {  	v29 =	vld.idx.msk [tilespmem:v60+s25+$0x0], $0xffff;
	v14 =	vsub.f32 v14, v31;
	v9 =	vand.u32 $0x7FFFFFFF, v9;
	v23 =	vadd.f32 $2.000000000e+00, v25;
	v61 =	vpop (erf)  }
0x2ad: {  	v63 =	vld.idx.msk [tilespmem:v33+s25+$0x0], $0xffff;
	v12 =	vand.u32 $0x7FFFFFFF, v12;
	v16 =	vshll.u32 v16, $0x10;
	v9 =	vmul.f32 v9, v13;
	v13 =	vpop (erf)  }
0x2ae: {  	v62 =	vld.idx.msk [tilespmem:v18+s25+$0x0], $0xffff;
	v16 =	vsub.f32 v16, v21;
	v13 =	vmul.f32 v13, v28;
	(erf) = vrcp.f32 v23  }
0x2af: {  	v14 =	vmul.f32 v14, v14;
	v19 =	vmul.f32 v12, v19;
	v20 =	vsub.f32 v9, v20  }
0x2b0: {  	v12 =	vand.u32 $0x7FFFFFFF, v16;
	v16 =	vld.idx.msk [tilespmem:v26+s25+$0x0], $0xffff;
	(erf) = vpow2.f32 v15;
	v18 =	vmul.f32 v13, v13  }
0x2b1: {  	v9 =	vsub.f32 v17, v14;
	v17 =	vmul.f32 v12, v29;
	v15 =	vmul.f32 v20, v20  }
0x2b2: {  	v14 =	vmul.f32 v61, v24;
	v12 =	vmax.f32 v10, $0.0e+00;
	v20 =	vmul.f32 $2.857142980e-01, v18  }
0x2b3: {  	v24 =	vld.idx.msk [tilespmem:v27+s25+$0x0], $0xffff;
	v21 =	vand.u32 $0x7FFFFFFF, v9;
	v10 =	vsub.f32 v62, v15;
	v15 =	vsub.f32 v17, v63  }
0x2b4: {  	v22 =	vld.idx.msk [tilespmem:v22+s25+$0x0], $0xffff;
	v17 =	vsub.f32 $0.0e+00, v21;
	v21 =	vmul.f32 v14, v14;
	v20 =	vadd.f32 $4.000000060e-01, v20  }
0x2b5: {  	v27 =	vmul.f32 v15, v15;
	v15 =	vmax.f32 v11, $0.0e+00;
	v11 =	vsub.f32 v19, v16  }
0x2b6: {  	v26 =	vand.u32 $0x7FFFFFFF, v10;
	v23 =	vmul.f32 $1.442695020e+00, v17;
	v16 =	vmax.f32 v8, $0.0e+00  }
0x2b7: {  	v17 =	vsub.f32 $0.0e+00, v26;
	v28 =	vmul.f32 v20, v18;
	v11 =	vmul.f32 v11, v11;
	v19 =	vpop (erf)  }
0x2b8: {  	v20 =	vmul.f32 $2.857142980e-01, v21;
	v8 =	vsub.f32 v24, v27;
	v19 =	vmul.f32 v19, v25  }
0x2b9: {  	v17 =	vmul.f32 $1.442695020e+00, v17;
	v26 =	vpop (erf);
	v24 =	vadd.f32 $6.666666860e-01, v28;
	v11 =	vsub.f32 v22, v11  }
0x2ba: {  	s10 =	simm.s32 $0xC3F0;
	s9 =	simm.s32 $0x80;
	v27 =	vand.u32 $0x7FFFFFFF, v8;
	v25 =	vadd.f32 $2.000000000e+00, v26;
	v22 =	vmul.f32 v19, v19  }
.LBB2_11:
0x2bb: {  	s11 =	sadd.s32 $0x10, s9  }
0x2bc: {  	v28 =	vmov s9;
	v29 =	vld [tilespmem:s10+$0xFFFFFFF0];
	p0 =	slt.u32 s9, $0x780;
	v27 =	vsub.f32 $0.0e+00, v27;
	(erf) = vpow2.f32 v23;
	s12 =	smov.u32 s9;
	s9 =	sadd.s32 $0x40, s9  }
0x2bd: {  	v23 =	vshll.u32 v28, $0x3;
	v28 =	vmov s11;
	v30 =	vld [tilespmem:s10+$0x10];
	v31 =	vmul.f32 $2.857142980e-01, v22  }
0x2be: {  	v32 =	vld [tilespmem:s10+$0xFFFFFFE0];
	v33 =	vor.u32 v0, v23;
	v23 =	vshll.u32 v28, $0x3;
	v28 =	vadd.f32 $4.000000060e-01, v20  }
0x2bf: {  	v34 =	vor.u32 $0x1, v33;
	v20 =	vor.u32 $0x3, v33;
	v35 =	vld [tilespmem:s10+$0x0];
	(erf) = vrcp.f32 v25  }
0x2c0: {  	v27 =	vmul.f32 $1.442695020e+00, v27;
	v36 =	vor.u32 v0, v23;
	v25 =	vmul.f32 v28, v21  }
0x2c1: {  	v23 =	vor.u32 $0x2, v33;
	v28 =	vor.u32 $0x1, v36;
	vm3 =	vgt.s32 v29, $0xC34F  }
0x2c2: {  	v38 =	vand.u32 $0x7FFFFFFF, v11;
	v37 =	vsel vm3, $0xFFFF3CB0, v1;
	vm0 =	vgt.s32 v30, $0xC34F  }
0x2c3: {  	s11 =	sadd.s32 $0x20, s12;
	vm1 =	vgt.s32 v32, $0xC34F;
	v29 =	vadd.s32 v29, v37;
	v37 =	vadd.f32 $6.666666860e-01, v25  }
0x2c4: {  	v42 =	vmov s11;
	v31 =	vadd.f32 $4.000000060e-01, v31;
	v39 =	vsel vm1, $0xFFFF3CB0, v1  }
0x2c5: {  	v40 =	vshll.u32 v42, $0x3;
	v41 =	vsel vm0, $0xFFFF3CB0, v1;
	v25 =	vpop (erf);
	v21 =	vmul.f32 v37, v21  }
0x2c6: {  	v38 =	vsub.f32 $0.0e+00, v38;
	v30 =	vadd.s32 v30, v41;
	v37 =	vor.u32 v0, v40  }
0x2c7: {  	v40 =	vor.u32 $0x1, v37;
	v41 =	vor.u32 $0x2, v37;
	(erf) = vpow2.f32 v27  }
0x2c8: {  	v38 =	vmul.f32 $1.442695020e+00, v38;
	v42 =	vor.u32 $0x3, v37;
	v27 =	vld.idx.msk [tilespmem:v29+s4+$0x0], $0xffff;
	v29 =	vor.u32 $0x2, v36;
	v43 =	vpop (erf)  }
0x2c9: {  	s11 =	sadd.s32 $0x30, s12;
	v32 =	vadd.s32 v32, v39;
	v39 =	vld.idx.msk [tilespmem:v36+s25+$0x0], $0xffff;
	v36 =	vor.u32 $0x3, v36;
	v26 =	vmul.f32 v43, v26  }
0x2ca: {  	v18 =	vmul.f32 v24, v18;
	vm2 =	vgt.s32 v35, $0xC34F;
	v43 =	vmov s11  }
0x2cb: {  	v31 =	vmul.f32 v31, v22;
	v43 =	vshll.u32 v43, $0x3;
	v24 =	vld.idx.msk [tilespmem:v33+s25+$0x0], $0xffff;
	v33 =	vsel vm2, $0xFFFF3CB0, v1  }
0x2cc: {  	v33 =	vadd.s32 v35, v33;
	v35 =	vld.idx.msk [tilespmem:v37+s25+$0x0], $0xffff;
	v37 =	vor.u32 v0, v43;
	v43 =	vmul.f32 v26, v26  }
0x2cd: {  	v44 =	vsel vm3, $0x10, v1;
	v31 =	vadd.f32 $6.666666860e-01, v31;
	v45 =	vor.u32 $0x1, v37  }
0x2ce: {  	v27 =	vshrl.u32 v27, v44;
	v44 =	vor.u32 $0x2, v37;
	v32 =	vld.idx.msk [tilespmem:v32+s4+$0x0], $0xffff;
	v46 =	vmul.f32 $2.857142980e-01, v43  }
0x2cf: {  	v47 =	vsel vm1, $0x10, v1;
	v22 =	vmul.f32 v31, v22;
	v27 =	vshll.u32 v27, $0x10  }
0x2d0: {  	v31 =	vor.u32 $0x3, v37;
	v27 =	vsub.f32 v27, v39;
	v39 =	vpop (erf);
	v46 =	vadd.f32 $4.000000060e-01, v46  }
0x2d1: {  	v18 =	vadd.f32 $2.000000000e+00, v18;
	v48 =	vadd.f32 $2.000000000e+00, v25;
	v33 =	vld.idx.msk [tilespmem:v33+s4+$0x0], $0xffff;
	(erf) = vpow2.f32 v38  }
0x2d2: {  	v27 =	vand.u32 $0x7FFFFFFF, v27;
	v38 =	vadd.f32 $2.000000000e+00, v39;
	v46 =	vmul.f32 v46, v43  }
0x2d3: {  	v13 =	vmul.f32 v18, v13;
	v22 =	vadd.f32 $2.000000000e+00, v22;
	v30 =	vld.idx.msk [tilespmem:v30+s4+$0x0], $0xffff;
	(erf) = vrcp.f32 v48  }
0x2d4: {  	v21 =	vadd.f32 $2.000000000e+00, v21;
	v18 =	vld.idx.msk [tilespmem:v28+s25+$0x0], $0xffff;
	(erf) = vrcp.f32 v38;
	v28 =	vadd.f32 $6.666666860e-01, v46  }
0x2d5: {  	v16 =	vadd.f32 v13, v16;
	v19 =	vmul.f32 v22, v19;
	v32 =	vshrl.u32 v32, v47;
	v34 =	vld.idx.msk [tilespmem:v34+s25+$0x0], $0xffff  }
0x2d6: {  	v13 =	vsel vm2, $0x10, v1;
	v14 =	vmul.f32 v21, v14;
	v22 =	vld.idx.msk [tilespmem:v40+s25+$0x0], $0xffff;
	v21 =	vmul.f32 v28, v43  }
0x2d7: {  	v15 =	vadd.f32 v19, v15;
	v28 =	vshll.u32 v32, $0x10;
	v13 =	vshrl.u32 v33, v13;
	v29 =	vld.idx.msk [tilespmem:v29+s25+$0x0], $0xffff  }
0x2d8: {  	v19 =	vsub.f32 v28, v24;
	v13 =	vshll.u32 v13, $0x10;
	v24 =	vld.idx.msk [tilespmem:v41+s25+$0x0], $0xffff;
	v21 =	vadd.f32 $2.000000000e+00, v21  }
0x2d9: {  	v6 =	vadd.f32 v15, v6;
	v28 =	vsel vm0, $0x10, v1;
	v13 =	vsub.f32 v13, v35;
	v32 =	vld.idx.msk [tilespmem:v37+s25+$0x0], $0xffff  }
0x2da: {  	v12 =	vadd.f32 v14, v12;
	v14 =	vmax.f32 v7, $0.0e+00;
	v28 =	vshrl.u32 v30, v28;
	v15 =	vld.idx.msk [tilespmem:v36+s25+$0x0], $0xffff;
	v30 =	vpop (erf)  }
0x2db: {  	v7 =	vmovc v10;
	v36 =	vand.u32 $0x7FFFFFFF, v13;
	v21 =	vmul.f32 v21, v26;
	v33 =	vld.idx.msk [tilespmem:v42+s25+$0x0], $0xffff;
	v35 =	vadd.f32 $2.000000000e+00, v30  }
0x2dc: {  	v10 =	vand.u32 $0x7FFFFFFF, v19;
	v18 =	vmul.f32 v27, v18;
	v19 =	vshll.u32 v28, $0x10;
	v26 =	vld.idx.msk [tilespmem:v45+s25+$0x0], $0xffff;
	v27 =	vpop (erf)  }
0x2dd: {  	v6 =	vadd.f32 v12, v6;
	v22 =	vmul.f32 v36, v22;
	v12 =	vadd.f32 v21, v14;
	v13 =	vpop (erf)  }
0x2de: {  	v28 =	vmul.f32 v10, v34;
	v10 =	vsub.f32 v18, v29;
	v21 =	vld.idx.msk [tilespmem:v44+s25+$0x0], $0xffff;
	v13 =	vmul.f32 v13, v39  }
0x2df: {  	v14 =	vsub.f32 v19, v32;
	v6 =	vadd.f32 v12, v6;
	(erf) = vrcp.f32 v35  }
0x2e0: {  	v10 =	vmul.f32 v10, v10;
	v12 =	vsub.f32 v22, v24;
	(erf) = vpow2.f32 v17  }
0x2e1: {  	v14 =	vand.u32 $0x7FFFFFFF, v14;
	v18 =	vmul.f32 v13, v13;
	v6 =	vadd.f32 v16, v6;
	v17 =	vld.idx.msk [tilespmem:v23+s25+$0x0], $0xffff  }
0x2e2: {  	v15 =	vsub.f32 v15, v10;
	v10 =	vmul.f32 v12, v12;
	v16 =	vmul.f32 v14, v26  }
0x2e3: {  	v12 =	vmax.f32 v9, $0.0e+00;
	v14 =	vmul.f32 v27, v25;
	v22 =	vmul.f32 $2.857142980e-01, v18;
	v19 =	vld.idx.msk [tilespmem:v31+s25+$0x0], $0xffff  }
0x2e4: {  	v23 =	vand.u32 $0x7FFFFFFF, v15;
	v10 =	vsub.f32 v33, v10;
	v9 =	vmovc v15;
	v16 =	vsub.f32 v16, v21  }
0x2e5: {  	v21 =	vmul.f32 v14, v14;
	v22 =	vadd.f32 $4.000000060e-01, v22;
	v27 =	vld.idx.msk [tilespmem:v20+s25+$0x0], $0xffff;
	v20 =	vsub.f32 $0.0e+00, v23  }
0x2e6: {  	v15 =	vmax.f32 v11, $0.0e+00;
	v26 =	vand.u32 $0x7FFFFFFF, v10;
	v25 =	vmul.f32 v16, v16  }
.Ltmp5:
0x2e7: {  	v11 =	vsub.f32 v28, v17;
	v22 =	vmul.f32 v22, v18;
	v23 =	vmul.f32 $1.442695020e+00, v20;
	(pc) =	sbr.rel @p0 .LBB2_11-.Ltmp5, $4  }
0x2e8: {  	v16 =	vmax.f32 v8, $0.0e+00;
	v17 =	vsub.f32 $0.0e+00, v26;
	v20 =	vmul.f32 $2.857142980e-01, v21;
	v24 =	vpop (erf)  }
0x2e9: {  	v11 =	vmul.f32 v11, v11;
	v8 =	vsub.f32 v19, v25;
	v19 =	vmul.f32 v24, v30;
	v26 =	vpop (erf)  }
0x2ea: {  	v17 =	vmul.f32 $1.442695020e+00, v17;
	v24 =	vadd.f32 $6.666666860e-01, v22;
	v25 =	vadd.f32 $2.000000000e+00, v26  }
0x2eb: {  	s10 =	sadd.s32 $0x40, s10;
	v11 =	vsub.f32 v27, v11;
	v27 =	vand.u32 $0x7FFFFFFF, v8;
	v22 =	vmul.f32 v19, v19  }
0x2ec: {  	v28 =	vld [tilespmem:$0xCB10];
	_ =	sdelay $0x3  }
0x2ed: {  	v27 =	vsub.f32 $0.0e+00, v27;
	v29 =	vand.u32 $0x7FFFFFFF, v11  }
0x2ee: {  	v29 =	vsub.f32 $0.0e+00, v29;
	vm0 =	vgt.s32 v28, $0xC34F  }
0x2ef: {  	(erf) = vpow2.f32 v23;
	v23 =	vmul.f32 $1.442695020e+00, v27;
	v27 =	vsel vm0, $0xFFFF3CB0, v1  }
0x2f0: {  	(erf) = vrcp.f32 v25;
	v25 =	vmul.f32 $1.442695020e+00, v29;
	v27 =	vadd.s32 v28, v27  }
0x2f1: {  	(erf) = vpow2.f32 v23  }
0x2f2: {  	(erf) = vpow2.f32 v25;
	_ =	sdelay $0x1  }
0x2f3: {  	s9 =	simm.s32 $0x0  }
0x2f4: {  	v23 =	vld.idx.msk [tilespmem:v27+s9+$0x0], $0xffff;
	_ =	sdelay $0x1  }
0x2f5: {  	v25 =	vld.idx.msk [tilespmem:v2+s25+$0x0], $0xffff  }
0x2f6: {  	v27 =	vpop (erf)  }
0x2f7: {  	v29 =	vsel vm0, $0x10, v1;
	v28 =	vpop (erf)  }
0x2f8: {  	v31 =	vadd.f32 $2.000000000e+00, v27;
	v30 =	vpop (erf);
	v23 =	vshrl.u32 v23, v29;
	v29 =	vld.idx.msk [tilespmem:v3+s25+$0x0], $0xffff  }
0x2f9: {  	v32 =	vadd.f32 $2.000000000e+00, v30;
	v33 =	vpop (erf);
	v23 =	vshll.u32 v23, $0x10  }
0x2fa: {  	v34 =	vld.idx.msk [tilespmem:v4+s25+$0x0], $0xffff;
	(erf) = vrcp.f32 v31;
	v47 =	vadd.f32 $2.000000000e+00, v33;
	v23 =	vsub.f32 v23, v25  }
0x2fb: {  	(erf) = vrcp.f32 v32  }
0x2fc: {  	(erf) = vrcp.f32 v47;
	v23 =	vand.u32 $0x7FFFFFFF, v23  }
0x2fd: {  	(erf) = vpow2.f32 v17;
	v17 =	vmul.f32 v23, v29  }
0x2fe: {  	v23 =	vld.idx.msk [tilespmem:v5+s25+$0x0], $0xffff  }
0x2ff: {  	v17 =	vsub.f32 v17, v34;
	_ =	sdelay $0x1  }
0x300: {  	v17 =	vmul.f32 v17, v17;
	_ =	sdelay $0x1  }
0x301: {  	v25 =	vpop (erf);
	v17 =	vsub.f32 v23, v17  }
0x302: {  	v23 =	vpop (erf)  }
0x303: {  	v29 =	vpop (erf);
	v48 =	vand.u32 $0x7FFFFFFF, v17  }
0x304: {  	v35 =	vmul.f32 $2.857142980e-01, v22;
	v49 =	vpop (erf);
	v31 =	vsub.f32 $0.0e+00, v48  }
0x305: {  	v50 =	vadd.f32 $2.000000000e+00, v49  }
0x306: {  	v51 =	vadd.f32 $4.000000060e-01, v35;
	v31 =	vmul.f32 $1.442695020e+00, v31  }
0x307: {  	v20 =	vadd.f32 $4.000000060e-01, v20;
	v26 =	vmul.f32 v28, v26;
	(erf) = vrcp.f32 v50  }
0x308: {  	v28 =	vmul.f32 v51, v22;
	(erf) = vpow2.f32 v31  }
0x309: {  	v20 =	vmul.f32 v20, v21;
	v52 =	vmul.f32 v26, v26  }
0x30a: {  	v28 =	vadd.f32 $6.666666860e-01, v28  }
0x30b: {  	v18 =	vmul.f32 v24, v18;
	v20 =	vadd.f32 $6.666666860e-01, v20;
	v24 =	vmul.f32 $2.857142980e-01, v52  }
0x30c: {  	v22 =	vmul.f32 v28, v22  }
0x30d: {  	v18 =	vadd.f32 $2.000000000e+00, v18;
	v20 =	vmul.f32 v20, v21;
	v21 =	vadd.f32 $4.000000060e-01, v24  }
0x30e: {  	v22 =	vadd.f32 $2.000000000e+00, v22  }
0x30f: {  	v13 =	vmul.f32 v18, v13;
	v18 =	vadd.f32 $2.000000000e+00, v20;
	v21 =	vmul.f32 v21, v52  }
0x310: {  	v19 =	vmul.f32 v22, v19;
	v22 =	vmul.f32 v29, v33;
	v24 =	vpop (erf)  }
0x311: {  	v14 =	vmul.f32 v18, v14;
	v21 =	vadd.f32 $6.666666860e-01, v21;
	v18 =	vmul.f32 v23, v30;
	v20 =	vpop (erf)  }
0x312: {  	v25 =	vmul.f32 v25, v27;
	v23 =	vmul.f32 v22, v22;
	v28 =	vadd.f32 $2.000000000e+00, v20  }
0x313: {  	v13 =	vadd.f32 v13, v16;
	v21 =	vmul.f32 v21, v52;
	v16 =	vmul.f32 v18, v18  }
0x314: {  	v27 =	vmul.f32 $2.857142980e-01, v23;
	(erf) = vrcp.f32 v28  }
0x315: {  	v15 =	vadd.f32 v19, v15;
	v19 =	vadd.f32 $2.000000000e+00, v21;
	v21 =	vmul.f32 v25, v25  }
0x316: {  	v27 =	vadd.f32 $4.000000060e-01, v27;
	v24 =	vmul.f32 v24, v49;
	v28 =	vmul.f32 $2.857142980e-01, v16  }
0x317: {  	v12 =	vadd.f32 v14, v12;
	v6 =	vadd.f32 v15, v6;
	v14 =	vmul.f32 $2.857142980e-01, v21  }
0x318: {  	v27 =	vmul.f32 v27, v23;
	v15 =	vadd.f32 $4.000000060e-01, v28;
	v28 =	vmul.f32 v24, v24  }
0x319: {  	v7 =	vmax.f32 v7, $0.0e+00;
	v19 =	vmul.f32 v19, v26;
	v14 =	vadd.f32 $4.000000060e-01, v14  }
0x31a: {  	v26 =	vadd.f32 $6.666666860e-01, v27;
	v15 =	vmul.f32 v15, v16;
	v27 =	vmul.f32 $2.857142980e-01, v28  }
0x31b: {  	v6 =	vadd.f32 v12, v6;
	v7 =	vadd.f32 v19, v7;
	v12 =	vmul.f32 v14, v21  }
0x31c: {  	v19 =	vmul.f32 v26, v23;
	v15 =	vadd.f32 $6.666666860e-01, v15;
	v23 =	vadd.f32 $4.000000060e-01, v27  }
0x31d: {  	v9 =	vmax.f32 v9, $0.0e+00;
	v6 =	vadd.f32 v7, v6;
	v7 =	vadd.f32 $6.666666860e-01, v12;
	v14 =	vpop (erf)  }
0x31e: {  	v12 =	vmul.f32 v15, v16;
	v15 =	vmul.f32 v23, v28;
	v16 =	vadd.f32 $2.000000000e+00, v19;
	_ =	swait.ge [sflag:s5], $0x3E80  }
0x31f: {  	v11 =	vmax.f32 v11, $0.0e+00;
	v6 =	vadd.f32 v13, v6;
	v7 =	vmul.f32 v7, v21;
	[sflag:s5] =	ssyncset.done $0x0  }
0x320: {  	s10 =	simm.s32 $0xCB40;
	s11 =	simm.s32 $0x10;
	v12 =	vadd.f32 $2.000000000e+00, v12;
	v15 =	vadd.f32 $6.666666860e-01, v15;
	v16 =	vmul.f32 v16, v22;
	[sflag:s5] =	ssyncadd.s32 $0xFFFFC180  }
0x321: {  	v7 =	vadd.f32 $2.000000000e+00, v7;
	v14 =	vmul.f32 v14, v20;
	v20 =	vmov s11;
	v13 =	vld [tilespmem:s10+$0xFFFFFFF0]  }
0x322: {  	v12 =	vmul.f32 v12, v18;
	v15 =	vmul.f32 v15, v28;
	v11 =	vadd.f32 v16, v11;
	v18 =	vld [tilespmem:s10+$0xFFFFFFE0]  }
0x323: {  	v10 =	vmax.f32 v10, $0.0e+00;
	v7 =	vmul.f32 v7, v25;
	v20 =	vshll.u32 v20, $0x3  }
0x324: {  	v16 =	vmul.f32 v14, v14;
	v15 =	vadd.f32 $2.000000000e+00, v15;
	v6 =	vadd.f32 v11, v6;
	v11 =	vld [tilespmem:s10+$0x10]  }
0x325: {  	v7 =	vadd.f32 v7, v9;
	v23 =	vmov s9;
	v20 =	vor.u32 v0, v20  }
0x326: {  	v21 =	vld [tilespmem:s10+$0x0];
	v19 =	vmul.f32 $2.857142980e-01, v16;
	v9 =	vmul.f32 v15, v24;
	vm1 =	vgt.s32 v13, $0xC34F  }
0x327: {  	v6 =	vadd.f32 v7, v6;
	vm11 =	vgt.s32 v18, $0xC34F;
	v22 =	vsel vm1, $0xFFFF3CB0, v1  }
0x328: {  	v7 =	vadd.f32 v9, v10;
	v25 =	vsel vm11, $0xFFFF3CB0, v1;
	v13 =	vadd.s32 v13, v22  }
0x329: {  	v19 =	vadd.f32 $4.000000060e-01, v19;
	vm2 =	vgt.s32 v11, $0xC34F;
	v18 =	vadd.s32 v18, v25  }
0x32a: {  	v22 =	vshll.u32 v23, $0x3;
	v6 =	vadd.f32 v7, v6;
	v7 =	vor.u32 $0x2, v20  }
0x32b: {  	s16 =	simm.s32 $0x30;
	vm3 =	vgt.s32 v21, $0xC34F;
	v26 =	vsel vm2, $0xFFFF3CB0, v1;
	v22 =	vor.u32 v0, v22  }
0x32c: {  	s12 =	simm.s32 $0x20;
	v27 =	vld.idx.msk [tilespmem:v20+s28+$0x0], $0xffff;
	v25 =	vmov s16;
	v11 =	vadd.s32 v11, v26;
	v26 =	vsel vm3, $0xFFFF3CB0, v1  }
0x32d: {  	v23 =	vmov s12;
	v25 =	vshll.u32 v25, $0x3;
	v21 =	vadd.s32 v21, v26;
	v13 =	vld.idx.msk [tilespmem:v13+s4+$0x0], $0xffff  }
0x32e: {  	v23 =	vshll.u32 v23, $0x3;
	v24 =	vor.u32 v0, v25;
	v10 =	vld.idx.msk [tilespmem:v18+s4+$0x0], $0xffff  }
0x32f: {  	v19 =	vmul.f32 v19, v16;
	v23 =	vor.u32 v0, v23;
	v7 =	vld.idx.msk [tilespmem:v7+s28+$0x0], $0xffff  }
0x330: {  	v25 =	vor.u32 $0x1, v20;
	v15 =	vld.idx.msk [tilespmem:v22+s28+$0x0], $0xffff  }
0x331: {  	v8 =	vmax.f32 v8, $0.0e+00;
	v18 =	vadd.f32 $6.666666860e-01, v19;
	v19 =	vor.u32 $0x1, v24;
	v11 =	vld.idx.msk [tilespmem:v11+s4+$0x0], $0xffff  }
0x332: {  	v8 =	vadd.f32 v12, v8;
	v9 =	vor.u32 $0x1, v23;
	v12 =	vld.idx.msk [tilespmem:v21+s4+$0x0], $0xffff  }
0x333: {  	v54 =	vsel vm2, $0x10, v1;
	v29 =	vor.u32 $0x1, v22;
	v21 =	vor.u32 $0x2, v24;
	v28 =	vld.idx.msk [tilespmem:v24+s28+$0x0], $0xffff  }
0x334: {  	v20 =	vor.u32 $0x3, v20;
	v26 =	vld.idx.msk [tilespmem:v23+s28+$0x0], $0xffff;
	v16 =	vmul.f32 v18, v16;
	v18 =	vsel vm1, $0x10, v1  }
0x335: {  	v53 =	vor.u32 $0x2, v22;
	v13 =	vshrl.u32 v13, v18;
	v18 =	vld.idx.msk [tilespmem:v25+s28+$0x0], $0xffff;
	v25 =	vor.u32 $0x2, v23  }
0x336: {  	v24 =	vor.u32 $0x3, v24;
	v19 =	vld.idx.msk [tilespmem:v19+s28+$0x0], $0xffff;
	v13 =	vshll.u32 v13, $0x10;
	v11 =	vshrl.u32 v11, v54  }
0x337: {  	v9 =	vld.idx.msk [tilespmem:v9+s28+$0x0], $0xffff;
	v13 =	vsub.f32 v13, v27;
	v27 =	vsel vm3, $0x10, v1;
	v11 =	vshll.u32 v11, $0x10  }
0x338: {  	v23 =	vor.u32 $0x3, v23;
	v21 =	vld.idx.msk [tilespmem:v21+s28+$0x0], $0xffff;
	v12 =	vshrl.u32 v12, v27;
	v11 =	vsub.f32 v11, v28  }
0x339: {  	v20 =	vld.idx.msk [tilespmem:v20+s28+$0x0], $0xffff;
	v27 =	vsel vm11, $0x10, v1;
	v13 =	vand.u32 $0x7FFFFFFF, v13;
	v12 =	vshll.u32 v12, $0x10  }
0x33a: {  	v25 =	vld.idx.msk [tilespmem:v25+s28+$0x0], $0xffff;
	v12 =	vsub.f32 v12, v26;
	v13 =	vmul.f32 v13, v18;
	v11 =	vand.u32 $0x7FFFFFFF, v11  }
0x33b: {  	v28 =	vld.idx.msk [tilespmem:v29+s28+$0x0], $0xffff;
	v10 =	vshrl.u32 v10, v27;
	v18 =	vor.u32 $0x3, v22;
	v11 =	vmul.f32 v11, v19  }
0x33c: {  	v10 =	vshll.u32 v10, $0x10;
	v12 =	vand.u32 $0x7FFFFFFF, v12;
	v7 =	vsub.f32 v13, v7;
	v13 =	vld.idx.msk [tilespmem:v24+s28+$0x0], $0xffff  }
0x33d: {  	v10 =	vsub.f32 v10, v15;
	v9 =	vmul.f32 v12, v9;
	v12 =	vld.idx.msk [tilespmem:v53+s28+$0x0], $0xffff;
	v11 =	vsub.f32 v11, v21  }
0x33e: {  	v8 =	vadd.f32 v8, v6;
	v6 =	vadd.f32 $2.000000000e+00, v16;
	v7 =	vmul.f32 v7, v7  }
0x33f: {  	v10 =	vand.u32 $0x7FFFFFFF, v10;
	v9 =	vsub.f32 v9, v25;
	v11 =	vmul.f32 v11, v11  }
0x340: {  	v6 =	vmul.f32 v6, v14;
	v15 =	vld.idx.msk [tilespmem:v23+s28+$0x0], $0xffff;
	v14 =	vmul.f32 v10, v28;
	v10 =	vsub.f32 v20, v7  }
0x341: {  	s17 =	simm.s32 $0xCB80;
	v7 =	vmax.f32 v17, $0.0e+00;
	v17 =	vld.idx.msk [tilespmem:v18+s28+$0x0], $0xffff;
	v16 =	vmul.f32 v9, v9;
	v9 =	vsub.f32 v13, v11  }
0x342: {  	v13 =	vld [tilespmem:s17+$0xFFFFFFF0];
	v11 =	vand.u32 $0x7FFFFFFF, v10;
	v12 =	vsub.f32 v14, v12  }
0x343: {  	v11 =	vsub.f32 $0.0e+00, v11;
	v14 =	vand.u32 $0x7FFFFFFF, v9  }
0x344: {  	s12 =	simm.s32 $0x50;
	v7 =	vadd.f32 v6, v7;
	v12 =	vmul.f32 v12, v12;
	v14 =	vsub.f32 $0.0e+00, v14  }
0x345: {  	v18 =	vmov s12;
	v6 =	vsub.f32 v15, v16;
	v11 =	vmul.f32 $1.442695020e+00, v11  }
0x346: {  	v7 =	vadd.f32 v7, v8;
	v16 =	vsub.f32 v17, v12;
	v12 =	vld [tilespmem:s17+$0xFFFFFFE0];
	v14 =	vmul.f32 $1.442695020e+00, v14  }
0x347: {  	s11 =	simm.s32 $0x40;
	v8 =	vand.u32 $0x7FFFFFFF, v6;
	vm12 =	vgt.s32 v13, $0xC34F;
	(erf) = vpow2.f32 v11;
	v11 =	vld [tilespmem:s17+$0x0]  }
0x348: {  	v15 =	vld [tilespmem:s17+$0x10];
	v17 =	vmov s11;
	v19 =	vsel vm12, $0xFFFF3CB0, v1;
	(erf) = vpow2.f32 v14  }
0x349: {  	s16 =	simm.s32 $0x60;
	v14 =	vshll.u32 v17, $0x3;
	v17 =	vshll.u32 v18, $0x3;
	v13 =	vadd.s32 v13, v19  }
0x34a: {  	v8 =	vsub.f32 $0.0e+00, v8;
	v18 =	vmov s16;
	v17 =	vor.u32 v0, v17  }
0x34b: {  	v14 =	vor.u32 v0, v14;
	v18 =	vshll.u32 v18, $0x3;
	vm14 =	vgt.s32 v12, $0xC34F  }
0x34c: {  	v18 =	vor.u32 v0, v18;
	v19 =	vsel vm14, $0xFFFF3CB0, v1;
	vm15 =	vgt.s32 v11, $0xC34F  }
0x34d: {  	vm13 =	vgt.s32 v15, $0xC34F;
	v12 =	vadd.s32 v12, v19;
	v19 =	vsel vm15, $0xFFFF3CB0, v1  }
0x34e: {  	v20 =	vand.u32 $0x7FFFFFFF, v16;
	v21 =	vsel vm13, $0xFFFF3CB0, v1;
	v13 =	vld.idx.msk [tilespmem:v13+s4+$0x0], $0xffff;
	v11 =	vadd.s32 v11, v19  }
0x34f: {  	v20 =	vsub.f32 $0.0e+00, v20;
	v15 =	vadd.s32 v15, v21;
	v21 =	vld.idx.msk [tilespmem:v17+s28+$0x0], $0xffff  }
0x350: {  	s17 =	simm.s32 $0x70;
	v57 =	vsel vm12, $0x10, v1;
	v8 =	vmul.f32 $1.442695020e+00, v8;
	v23 =	vor.u32 $0x1, v17;
	v25 =	vld.idx.msk [tilespmem:v14+s28+$0x0], $0xffff  }
0x351: {  	v55 =	vmov s17;
	v56 =	vor.u32 $0x2, v17;
	v20 =	vmul.f32 $1.442695020e+00, v20;
	v27 =	vld.idx.msk [tilespmem:v18+s28+$0x0], $0xffff;
	v24 =	vpop (erf)  }
0x352: {  	v30 =	vshll.u32 v55, $0x3;
	v26 =	vor.u32 $0x1, v18;
	v28 =	vpop (erf);
	v29 =	vadd.f32 $2.000000000e+00, v24;
	v12 =	vld.idx.msk [tilespmem:v12+s4+$0x0], $0xffff  }
0x353: {  	(erf) = vpow2.f32 v20;
	v19 =	vor.u32 $0x1, v14;
	v20 =	vadd.f32 $2.000000000e+00, v28;
	v11 =	vld.idx.msk [tilespmem:v11+s4+$0x0], $0xffff  }
0x354: {  	v59 =	vsel vm14, $0x10, v1;
	v15 =	vld.idx.msk [tilespmem:v15+s4+$0x0], $0xffff;
	(erf) = vrcp.f32 v29;
	v29 =	vor.u32 v0, v30  }
0x355: {  	v23 =	vld.idx.msk [tilespmem:v23+s28+$0x0], $0xffff;
	v13 =	vshrl.u32 v13, v57;
	(erf) = vrcp.f32 v20;
	v20 =	vor.u32 $0x2, v18  }
0x356: {  	v17 =	vor.u32 $0x3, v17;
	v31 =	vld.idx.msk [tilespmem:v56+s28+$0x0], $0xffff;
	v13 =	vshll.u32 v13, $0x10;
	v18 =	vor.u32 $0x3, v18  }
0x357: {  	v26 =	vld.idx.msk [tilespmem:v26+s28+$0x0], $0xffff;
	v13 =	vsub.f32 v13, v21;
	v21 =	vsel vm15, $0x10, v1;
	v12 =	vshrl.u32 v12, v59  }
0x358: {  	v19 =	vld.idx.msk [tilespmem:v19+s28+$0x0], $0xffff;
	v58 =	vor.u32 $0x1, v29;
	v11 =	vshrl.u32 v11, v21;
	v12 =	vshll.u32 v12, $0x10  }
0x359: {  	v21 =	vld.idx.msk [tilespmem:v29+s28+$0x0], $0xffff;
	v11 =	vshll.u32 v11, $0x10;
	v12 =	vsub.f32 v12, v25;
	v25 =	vsel vm13, $0x10, v1  }
0x35a: {  	v60 =	vor.u32 $0x2, v29;
	v13 =	vand.u32 $0x7FFFFFFF, v13;
	v20 =	vld.idx.msk [tilespmem:v20+s28+$0x0], $0xffff;
	v11 =	vsub.f32 v11, v27  }
0x35b: {  	v22 =	vor.u32 $0x3, v14;
	v14 =	vor.u32 $0x2, v14;
	v13 =	vmul.f32 v13, v23  }
0x35c: {  	v17 =	vld.idx.msk [tilespmem:v17+s28+$0x0], $0xffff;
	v27 =	vor.u32 $0x3, v29;
	v15 =	vshrl.u32 v15, v25;
	v25 =	vpop (erf);
	v11 =	vand.u32 $0x7FFFFFFF, v11  }
0x35d: {  	v29 =	vld.idx.msk [tilespmem:v58+s28+$0x0], $0xffff;
	v12 =	vand.u32 $0x7FFFFFFF, v12;
	v23 =	vadd.f32 $2.000000000e+00, v25;
	v11 =	vmul.f32 v11, v26  }
0x35e: {  	v62 =	vld.idx.msk [tilespmem:v18+s28+$0x0], $0xffff;
	v15 =	vshll.u32 v15, $0x10;
	v19 =	vmul.f32 v12, v19;
	v61 =	vpop (erf);
	v26 =	vsub.f32 v13, v31  }
0x35f: {  	v63 =	vld.idx.msk [tilespmem:v60+s28+$0x0], $0xffff;
	v15 =	vsub.f32 v15, v21;
	v18 =	vpop (erf);
	(erf) = vrcp.f32 v23;
	v11 =	vsub.f32 v11, v20  }
0x360: {  	v13 =	vmul.f32 v18, v28;
	v21 =	vmul.f32 v26, v26  }
0x361: {  	v12 =	vand.u32 $0x7FFFFFFF, v15;
	v20 =	vld.idx.msk [tilespmem:v14+s28+$0x0], $0xffff;
	(erf) = vpow2.f32 v8;
	v11 =	vmul.f32 v11, v11  }
0x362: {  	v15 =	vmul.f32 v12, v29;
	v18 =	vmul.f32 v13, v13;
	v8 =	vsub.f32 v17, v21  }
0x363: {  	v14 =	vmul.f32 v61, v24;
	v12 =	vmax.f32 v10, $0.0e+00;
	v10 =	vsub.f32 v62, v11  }
0x364: {  	v24 =	vld.idx.msk [tilespmem:v27+s28+$0x0], $0xffff;
	v17 =	vmul.f32 $2.857142980e-01, v18;
	v21 =	vand.u32 $0x7FFFFFFF, v8;
	v11 =	vsub.f32 v15, v63  }
0x365: {  	v22 =	vld.idx.msk [tilespmem:v22+s28+$0x0], $0xffff;
	v15 =	vmax.f32 v16, $0.0e+00;
	v23 =	vsub.f32 $0.0e+00, v21;
	v26 =	vand.u32 $0x7FFFFFFF, v10  }
0x366: {  	v21 =	vmul.f32 v14, v14;
	v19 =	vsub.f32 v19, v20;
	v17 =	vadd.f32 $4.000000060e-01, v17  }
0x367: {  	v16 =	vmax.f32 v9, $0.0e+00;
	v11 =	vmul.f32 v11, v11;
	v23 =	vmul.f32 $1.442695020e+00, v23  }
0x368: {  	v28 =	vmul.f32 v19, v19;
	v27 =	vmul.f32 v17, v18;
	v17 =	vsub.f32 $0.0e+00, v26;
	v26 =	vpop (erf)  }
0x369: {  	v20 =	vmul.f32 $2.857142980e-01, v21;
	v9 =	vsub.f32 v24, v11;
	v19 =	vmul.f32 v26, v25  }
0x36a: {  	v11 =	vsub.f32 v22, v28;
	v26 =	vpop (erf);
	v17 =	vmul.f32 $1.442695020e+00, v17;
	v24 =	vadd.f32 $6.666666860e-01, v27  }
0x36b: {  	s9 =	simm.s32 $0x80;
	s10 =	simm.s32 $0xCBC0;
	v27 =	vand.u32 $0x7FFFFFFF, v9;
	v25 =	vadd.f32 $2.000000000e+00, v26;
	v22 =	vmul.f32 v19, v19  }
.LBB2_13:
0x36c: {  	s11 =	sadd.s32 $0x10, s9  }
0x36d: {  	v28 =	vmov s9;
	v29 =	vld [tilespmem:s10+$0xFFFFFFF0];
	p0 =	slt.u32 s9, $0x780;
	v27 =	vsub.f32 $0.0e+00, v27;
	(erf) = vpow2.f32 v23;
	s12 =	smov.u32 s9;
	s9 =	sadd.s32 $0x40, s9  }
0x36e: {  	v23 =	vshll.u32 v28, $0x3;
	v28 =	vmov s11;
	v30 =	vld [tilespmem:s10+$0x10];
	v31 =	vmul.f32 $2.857142980e-01, v22  }
0x36f: {  	v32 =	vld [tilespmem:s10+$0xFFFFFFE0];
	v33 =	vor.u32 v0, v23;
	v23 =	vshll.u32 v28, $0x3;
	v28 =	vadd.f32 $4.000000060e-01, v20  }
0x370: {  	v34 =	vor.u32 $0x1, v33;
	v20 =	vor.u32 $0x3, v33;
	v35 =	vld [tilespmem:s10+$0x0];
	(erf) = vrcp.f32 v25  }
0x371: {  	v27 =	vmul.f32 $1.442695020e+00, v27;
	v36 =	vor.u32 v0, v23;
	v25 =	vmul.f32 v28, v21  }
0x372: {  	v23 =	vor.u32 $0x2, v33;
	v28 =	vor.u32 $0x1, v36;
	vm3 =	vgt.s32 v29, $0xC34F  }
0x373: {  	v38 =	vand.u32 $0x7FFFFFFF, v11;
	v37 =	vsel vm3, $0xFFFF3CB0, v1;
	vm0 =	vgt.s32 v30, $0xC34F  }
0x374: {  	s11 =	sadd.s32 $0x20, s12;
	vm1 =	vgt.s32 v32, $0xC34F;
	v29 =	vadd.s32 v29, v37;
	v37 =	vadd.f32 $6.666666860e-01, v25  }
0x375: {  	v42 =	vmov s11;
	v31 =	vadd.f32 $4.000000060e-01, v31;
	v39 =	vsel vm1, $0xFFFF3CB0, v1  }
0x376: {  	v40 =	vshll.u32 v42, $0x3;
	v41 =	vsel vm0, $0xFFFF3CB0, v1;
	v25 =	vpop (erf);
	v21 =	vmul.f32 v37, v21  }
0x377: {  	v38 =	vsub.f32 $0.0e+00, v38;
	v30 =	vadd.s32 v30, v41;
	v37 =	vor.u32 v0, v40  }
0x378: {  	v40 =	vor.u32 $0x1, v37;
	v41 =	vor.u32 $0x2, v37;
	(erf) = vpow2.f32 v27  }
0x379: {  	v38 =	vmul.f32 $1.442695020e+00, v38;
	v42 =	vor.u32 $0x3, v37;
	v27 =	vld.idx.msk [tilespmem:v29+s4+$0x0], $0xffff;
	v29 =	vor.u32 $0x2, v36;
	v43 =	vpop (erf)  }
0x37a: {  	s11 =	sadd.s32 $0x30, s12;
	v32 =	vadd.s32 v32, v39;
	v39 =	vld.idx.msk [tilespmem:v36+s28+$0x0], $0xffff;
	v36 =	vor.u32 $0x3, v36;
	v26 =	vmul.f32 v43, v26  }
0x37b: {  	v18 =	vmul.f32 v24, v18;
	vm2 =	vgt.s32 v35, $0xC34F;
	v43 =	vmov s11  }
0x37c: {  	v31 =	vmul.f32 v31, v22;
	v43 =	vshll.u32 v43, $0x3;
	v24 =	vld.idx.msk [tilespmem:v33+s28+$0x0], $0xffff;
	v33 =	vsel vm2, $0xFFFF3CB0, v1  }
0x37d: {  	v33 =	vadd.s32 v35, v33;
	v35 =	vld.idx.msk [tilespmem:v37+s28+$0x0], $0xffff;
	v37 =	vor.u32 v0, v43;
	v43 =	vmul.f32 v26, v26  }
0x37e: {  	v44 =	vsel vm3, $0x10, v1;
	v31 =	vadd.f32 $6.666666860e-01, v31;
	v45 =	vor.u32 $0x1, v37  }
0x37f: {  	v27 =	vshrl.u32 v27, v44;
	v44 =	vor.u32 $0x2, v37;
	v32 =	vld.idx.msk [tilespmem:v32+s4+$0x0], $0xffff;
	v46 =	vmul.f32 $2.857142980e-01, v43  }
0x380: {  	v47 =	vsel vm1, $0x10, v1;
	v22 =	vmul.f32 v31, v22;
	v27 =	vshll.u32 v27, $0x10  }
0x381: {  	v31 =	vor.u32 $0x3, v37;
	v27 =	vsub.f32 v27, v39;
	v39 =	vpop (erf);
	v46 =	vadd.f32 $4.000000060e-01, v46  }
0x382: {  	v18 =	vadd.f32 $2.000000000e+00, v18;
	v48 =	vadd.f32 $2.000000000e+00, v25;
	v33 =	vld.idx.msk [tilespmem:v33+s4+$0x0], $0xffff;
	(erf) = vpow2.f32 v38  }
0x383: {  	v27 =	vand.u32 $0x7FFFFFFF, v27;
	v38 =	vadd.f32 $2.000000000e+00, v39;
	v46 =	vmul.f32 v46, v43  }
0x384: {  	v13 =	vmul.f32 v18, v13;
	v22 =	vadd.f32 $2.000000000e+00, v22;
	v30 =	vld.idx.msk [tilespmem:v30+s4+$0x0], $0xffff;
	(erf) = vrcp.f32 v48  }
0x385: {  	v21 =	vadd.f32 $2.000000000e+00, v21;
	v18 =	vld.idx.msk [tilespmem:v28+s28+$0x0], $0xffff;
	(erf) = vrcp.f32 v38;
	v28 =	vadd.f32 $6.666666860e-01, v46  }
0x386: {  	v16 =	vadd.f32 v13, v16;
	v19 =	vmul.f32 v22, v19;
	v32 =	vshrl.u32 v32, v47;
	v34 =	vld.idx.msk [tilespmem:v34+s28+$0x0], $0xffff  }
0x387: {  	v13 =	vsel vm2, $0x10, v1;
	v14 =	vmul.f32 v21, v14;
	v22 =	vld.idx.msk [tilespmem:v40+s28+$0x0], $0xffff;
	v21 =	vmul.f32 v28, v43  }
0x388: {  	v15 =	vadd.f32 v19, v15;
	v28 =	vshll.u32 v32, $0x10;
	v13 =	vshrl.u32 v33, v13;
	v29 =	vld.idx.msk [tilespmem:v29+s28+$0x0], $0xffff  }
0x389: {  	v19 =	vsub.f32 v28, v24;
	v13 =	vshll.u32 v13, $0x10;
	v24 =	vld.idx.msk [tilespmem:v41+s28+$0x0], $0xffff;
	v21 =	vadd.f32 $2.000000000e+00, v21  }
0x38a: {  	v7 =	vadd.f32 v15, v7;
	v28 =	vsel vm0, $0x10, v1;
	v13 =	vsub.f32 v13, v35;
	v32 =	vld.idx.msk [tilespmem:v37+s28+$0x0], $0xffff  }
0x38b: {  	v12 =	vadd.f32 v14, v12;
	v14 =	vmax.f32 v6, $0.0e+00;
	v28 =	vshrl.u32 v30, v28;
	v15 =	vld.idx.msk [tilespmem:v36+s28+$0x0], $0xffff;
	v30 =	vpop (erf)  }
0x38c: {  	v6 =	vmovc v10;
	v36 =	vand.u32 $0x7FFFFFFF, v13;
	v21 =	vmul.f32 v21, v26;
	v33 =	vld.idx.msk [tilespmem:v42+s28+$0x0], $0xffff;
	v35 =	vadd.f32 $2.000000000e+00, v30  }
0x38d: {  	v10 =	vand.u32 $0x7FFFFFFF, v19;
	v18 =	vmul.f32 v27, v18;
	v19 =	vshll.u32 v28, $0x10;
	v26 =	vld.idx.msk [tilespmem:v45+s28+$0x0], $0xffff;
	v27 =	vpop (erf)  }
0x38e: {  	v7 =	vadd.f32 v12, v7;
	v22 =	vmul.f32 v36, v22;
	v12 =	vadd.f32 v21, v14;
	v13 =	vpop (erf)  }
0x38f: {  	v28 =	vmul.f32 v10, v34;
	v10 =	vsub.f32 v18, v29;
	v21 =	vld.idx.msk [tilespmem:v44+s28+$0x0], $0xffff;
	v13 =	vmul.f32 v13, v39  }
0x390: {  	v14 =	vsub.f32 v19, v32;
	v7 =	vadd.f32 v12, v7;
	(erf) = vrcp.f32 v35  }
0x391: {  	v10 =	vmul.f32 v10, v10;
	v12 =	vsub.f32 v22, v24;
	(erf) = vpow2.f32 v17  }
0x392: {  	v14 =	vand.u32 $0x7FFFFFFF, v14;
	v18 =	vmul.f32 v13, v13;
	v7 =	vadd.f32 v16, v7;
	v17 =	vld.idx.msk [tilespmem:v23+s28+$0x0], $0xffff  }
0x393: {  	v15 =	vsub.f32 v15, v10;
	v10 =	vmul.f32 v12, v12;
	v16 =	vmul.f32 v14, v26  }
0x394: {  	v12 =	vmax.f32 v8, $0.0e+00;
	v14 =	vmul.f32 v27, v25;
	v22 =	vmul.f32 $2.857142980e-01, v18;
	v19 =	vld.idx.msk [tilespmem:v31+s28+$0x0], $0xffff  }
0x395: {  	v23 =	vand.u32 $0x7FFFFFFF, v15;
	v10 =	vsub.f32 v33, v10;
	v8 =	vmovc v15;
	v16 =	vsub.f32 v16, v21  }
0x396: {  	v21 =	vmul.f32 v14, v14;
	v22 =	vadd.f32 $4.000000060e-01, v22;
	v27 =	vld.idx.msk [tilespmem:v20+s28+$0x0], $0xffff;
	v20 =	vsub.f32 $0.0e+00, v23  }
0x397: {  	v15 =	vmax.f32 v11, $0.0e+00;
	v26 =	vand.u32 $0x7FFFFFFF, v10;
	v25 =	vmul.f32 v16, v16  }
.Ltmp6:
0x398: {  	v11 =	vsub.f32 v28, v17;
	v22 =	vmul.f32 v22, v18;
	v23 =	vmul.f32 $1.442695020e+00, v20;
	(pc) =	sbr.rel @p0 .LBB2_13-.Ltmp6, $4  }
0x399: {  	v16 =	vmax.f32 v9, $0.0e+00;
	v17 =	vsub.f32 $0.0e+00, v26;
	v20 =	vmul.f32 $2.857142980e-01, v21;
	v24 =	vpop (erf)  }
0x39a: {  	v11 =	vmul.f32 v11, v11;
	v9 =	vsub.f32 v19, v25;
	v19 =	vmul.f32 v24, v30;
	v26 =	vpop (erf)  }
0x39b: {  	v17 =	vmul.f32 $1.442695020e+00, v17;
	v24 =	vadd.f32 $6.666666860e-01, v22;
	v25 =	vadd.f32 $2.000000000e+00, v26  }
0x39c: {  	s10 =	sadd.s32 $0x40, s10;
	v11 =	vsub.f32 v27, v11;
	v27 =	vand.u32 $0x7FFFFFFF, v9;
	v22 =	vmul.f32 v19, v19  }
0x39d: {  	v28 =	vld [tilespmem:$0xD2E0];
	_ =	sdelay $0x3  }
0x39e: {  	v27 =	vsub.f32 $0.0e+00, v27;
	v29 =	vand.u32 $0x7FFFFFFF, v11  }
0x39f: {  	v29 =	vsub.f32 $0.0e+00, v29;
	vm0 =	vgt.s32 v28, $0xC34F  }
0x3a0: {  	(erf) = vpow2.f32 v23;
	v35 =	vmul.f32 $1.442695020e+00, v27;
	v36 =	vsel vm0, $0xFFFF3CB0, v1  }
0x3a1: {  	(erf) = vrcp.f32 v25;
	v37 =	vmul.f32 $1.442695020e+00, v29;
	v27 =	vadd.s32 v28, v36  }
0x3a2: {  	(erf) = vpow2.f32 v35  }
0x3a3: {  	(erf) = vpow2.f32 v37;
	_ =	sdelay $0x2  }
0x3a4: {  	v38 =	vld.idx.msk [tilespmem:v27+s4+$0x0], $0xffff;
	_ =	sdelay $0x1  }
0x3a5: {  	v39 =	vld.idx.msk [tilespmem:v2+s28+$0x0], $0xffff  }
0x3a6: {  	v40 =	vpop (erf)  }
0x3a7: {  	v42 =	vsel vm0, $0x10, v1;
	v41 =	vpop (erf)  }
0x3a8: {  	v43 =	vld.idx.msk [tilespmem:v3+s28+$0x0], $0xffff;
	v31 =	vadd.f32 $2.000000000e+00, v40;
	v30 =	vpop (erf);
	v23 =	vshrl.u32 v38, v42  }
0x3a9: {  	v32 =	vadd.f32 $2.000000000e+00, v30;
	v33 =	vpop (erf);
	v23 =	vshll.u32 v23, $0x10  }
0x3aa: {  	v34 =	vld.idx.msk [tilespmem:v4+s28+$0x0], $0xffff;
	(erf) = vrcp.f32 v31;
	v44 =	vadd.f32 $2.000000000e+00, v33;
	v23 =	vsub.f32 v23, v39  }
0x3ab: {  	(erf) = vrcp.f32 v32  }
0x3ac: {  	(erf) = vrcp.f32 v44;
	v23 =	vand.u32 $0x7FFFFFFF, v23  }
0x3ad: {  	(erf) = vpow2.f32 v17;
	v45 =	vmul.f32 v23, v43  }
0x3ae: {  	v46 =	vld.idx.msk [tilespmem:v5+s28+$0x0], $0xffff  }
0x3af: {  	v17 =	vsub.f32 v45, v34;
	_ =	sdelay $0x1  }
0x3b0: {  	v17 =	vmul.f32 v17, v17;
	_ =	sdelay $0x1  }
0x3b1: {  	v47 =	vpop (erf);
	v17 =	vsub.f32 v46, v17  }
0x3b2: {  	v48 =	vpop (erf)  }
0x3b3: {  	v49 =	vpop (erf);
	v50 =	vand.u32 $0x7FFFFFFF, v17  }
0x3b4: {  	v51 =	vpop (erf);
	v31 =	vsub.f32 $0.0e+00, v50  }
0x3b5: {  	v52 =	vadd.f32 $2.000000000e+00, v51  }
0x3b6: {  	v31 =	vmul.f32 $1.442695020e+00, v31  }
0x3b7: {  	(erf) = vrcp.f32 v52  }
0x3b8: {  	(erf) = vpow2.f32 v31;
	_ =	sdelay $0x2  }
0x3b9: {  	v53 =	vmul.f32 $2.857142980e-01, v22  }
0x3ba: {  	v20 =	vadd.f32 $4.000000060e-01, v20;
	v26 =	vmul.f32 v41, v26  }
0x3bb: {  	v54 =	vadd.f32 $4.000000060e-01, v53  }
0x3bc: {  	v20 =	vmul.f32 v20, v21;
	v55 =	vmul.f32 v26, v26  }
0x3bd: {  	v28 =	vmul.f32 v54, v22  }
0x3be: {  	v20 =	vadd.f32 $6.666666860e-01, v20;
	v56 =	vmul.f32 $2.857142980e-01, v55;
	v35 =	vpop (erf)  }
0x3bf: {  	v18 =	vmul.f32 v24, v18;
	v28 =	vadd.f32 $6.666666860e-01, v28;
	v57 =	vpop (erf)  }
0x3c0: {  	v20 =	vmul.f32 v20, v21;
	v34 =	vadd.f32 $4.000000060e-01, v56;
	v60 =	vadd.f32 $2.000000000e+00, v57  }
0x3c1: {  	v18 =	vadd.f32 $2.000000000e+00, v18;
	v58 =	vmul.f32 v28, v22  }
0x3c2: {  	v20 =	vadd.f32 $2.000000000e+00, v20;
	v59 =	vmul.f32 v34, v55;
	(erf) = vrcp.f32 v60  }
0x3c3: {  	v13 =	vmul.f32 v18, v13;
	v63 =	vmul.f32 v49, v33  }
0x3c4: {  	v14 =	vmul.f32 v20, v14;
	v61 =	vadd.f32 $2.000000000e+00, v58;
	v62 =	vadd.f32 $6.666666860e-01, v59  }
0x3c5: {  	v6 =	vmax.f32 v6, $0.0e+00;
	v33 =	vmul.f32 v63, v63;
	v31 =	vmul.f32 v47, v40  }
0x3c6: {  	v13 =	vadd.f32 v13, v16;
	v19 =	vmul.f32 v61, v19;
	v29 =	vmul.f32 v62, v55  }
0x3c7: {  	v12 =	vadd.f32 v14, v12;
	v37 =	vmul.f32 $2.857142980e-01, v33;
	v36 =	vmul.f32 v31, v31  }
0x3c8: {  	v15 =	vadd.f32 v19, v15;
	v39 =	vmul.f32 v48, v30;
	v38 =	vmul.f32 v35, v51  }
0x3c9: {  	v34 =	vadd.f32 $2.000000000e+00, v29;
	v20 =	vadd.f32 $4.000000060e-01, v37;
	v40 =	vmul.f32 $2.857142980e-01, v36  }
0x3ca: {  	v7 =	vadd.f32 v15, v7;
	v42 =	vmul.f32 v39, v39;
	v41 =	vmul.f32 v38, v38  }
0x3cb: {  	v16 =	vmul.f32 v34, v26;
	v20 =	vmul.f32 v20, v33;
	v21 =	vadd.f32 $4.000000060e-01, v40;
	v43 =	vpop (erf)  }
0x3cc: {  	v7 =	vadd.f32 v12, v7;
	v44 =	vmul.f32 $2.857142980e-01, v41;
	v24 =	vmul.f32 v43, v57  }
0x3cd: {  	v6 =	vadd.f32 v16, v6;
	v20 =	vadd.f32 $6.666666860e-01, v20;
	v45 =	vmul.f32 v21, v36  }
0x3ce: {  	v46 =	vmul.f32 $2.857142980e-01, v42;
	v12 =	vadd.f32 $4.000000060e-01, v44;
	v27 =	vmul.f32 v24, v24  }
0x3cf: {  	v6 =	vadd.f32 v6, v7;
	v47 =	vmul.f32 v20, v33;
	v7 =	vadd.f32 $6.666666860e-01, v45  }
0x3d0: {  	v48 =	vadd.f32 $4.000000060e-01, v46;
	v12 =	vmul.f32 v12, v41;
	v49 =	vmul.f32 $2.857142980e-01, v27  }
0x3d1: {  	v53 =	vmax.f32 v11, $0.0e+00;
	v50 =	vadd.f32 $2.000000000e+00, v47;
	v7 =	vmul.f32 v7, v36  }
0x3d2: {  	v51 =	vmul.f32 v48, v42;
	v12 =	vadd.f32 $6.666666860e-01, v12;
	v52 =	vadd.f32 $4.000000060e-01, v49  }
0x3d3: {  	v6 =	vadd.f32 v13, v6;
	v13 =	vmul.f32 v50, v63;
	v7 =	vadd.f32 $2.000000000e+00, v7  }
0x3d4: {  	v16 =	vadd.f32 $6.666666860e-01, v51;
	v12 =	vmul.f32 v12, v41;
	v54 =	vmul.f32 v52, v27  }
0x3d5: {  	v8 =	vmax.f32 v8, $0.0e+00;
	v11 =	vadd.f32 v13, v53;
	v7 =	vmul.f32 v7, v31  }
0x3d6: {  	v55 =	vmul.f32 v16, v42;
	v12 =	vadd.f32 $2.000000000e+00, v12;
	v56 =	vadd.f32 $6.666666860e-01, v54  }
0x3d7: {  	v6 =	vadd.f32 v11, v6;
	v7 =	vadd.f32 v7, v8  }
0x3d8: {  	v57 =	vadd.f32 $2.000000000e+00, v55;
	v58 =	vmul.f32 v12, v38;
	v59 =	vmul.f32 v56, v27  }
0x3d9: {  	v10 =	vmax.f32 v10, $0.0e+00;
	v6 =	vadd.f32 v7, v6  }
0x3da: {  	v7 =	vmul.f32 v57, v39;
	v60 =	vadd.f32 v58, v10;
	v61 =	vadd.f32 $2.000000000e+00, v59  }
0x3db: {  	v9 =	vmax.f32 v9, $0.0e+00  }
0x3dc: {  	v7 =	vadd.f32 v7, v9;
	v6 =	vadd.f32 v60, v6;
	v62 =	vmul.f32 v61, v24  }
0x3dd: {  	v63 =	vmax.f32 v17, $0.0e+00  }
0x3de: {  	v6 =	vadd.f32 v7, v6;
	v7 =	vadd.f32 v62, v63;
	_ =	sdelay $0x1  }
0x3df: {  	v6 =	vadd.f32 v7, v6;
	_ =	sdelay $0x1  }
0x3e0: {  	s9 =	rddreg [dreg:$0xb];
	s10 =	simm.s32 $0x1ADB0;
	[tilespmem:$0x1ADB0] =	vst v6  }
0x3e1: {  	[hbm4b:s9+s4] =	stream.linear.scatter [tilespmem:s10], [sflag:$0x7], $0x10, $0x38;
	[tilespmem:$0x1ADC0] =	vst v63  }
0x3e2: {  	_ =	swait.ge [sflag:s18], $0x10  }
0x3e3: {  	s8 =	sadd.s32 $0x1, s8;
	s17 =	rddreg [dreg:$0xc]  }
0x3e4: {  	p0 =	sne.s32 s8, s17  }
.Ltmp7:
0x3e5: {  	_ = 	snop;
	(pc) =	sbr.rel @p0 .LBB2_1-.Ltmp7, $3  }
0x3e6: {  	_ =	sdelay $0x1  }
0x3e7: {  	[sflag:s18] =	ssyncset.done $0x0  }
0x3e8: {  	[sflag:s18] =	ssyncadd.s32 $0xFFFFFFF0  }
0x3e9: {  	_ =	sfence.sel $0x180000  }
0x3ea: {  	[bflag:$0x0] =	sbarrier.arrive $0xFFFF  }
0x3eb: {  	_ =	strace $0x90000047  }
0x3ec: {  	s0 =	stileid.u32;
	[bflag:$0x2] =	sbarrier.arrive $0xFFFF  }
0x3ed: {  	p0 =	sne.s32 s0, $0x0;
	s0 =	rddreg [dreg:$0x3]  }
0x3ee: {  	s0 =	sadd.s32 @!p0 $0x100000, s0  }
0x3ef: {  	[sflag:s0] =	ssyncadd.tile.s32 @!p0 $0x1;
	_ =	shalt  }
.Lfunc_end2:
_tile_overlayer_lowered:
.L_overlay_start_2:
0x3f0: {  	(tag) =	ssettag $0x2  }
0x3f1: {  	s0 =	rddreg [dreg:$0x0];
	s2 =	stileid.u32  }
0x3f2: {  	s1 =	rddreg [dreg:$0x1];
	p0 =	sne.s32 s2, $0x0  }
0x3f3: {  	s3 =	rddreg [dreg:$0x2];
	[bflag:$0x3] =	sbarrier.arrive $0xFFFF;
	s2 =	simm.s32 @!p0 $0x1C07  }
0x3f4: {  	[timem:s3], [sflag:s2] =	dma.local @!p0 [hbm:s0], s1  }
0x3f5: {  	s0 =	simm.s32 @!p0 $0x7  }
0x3f6: {  	_ =	swait.ge @!p0 [sflag:s0], s1  }
0x3f7: {  	s1 =	ssub.s32 @!p0 $0x0, s1;
	[sflag:s0] =	ssyncset.done @!p0 $0x0  }
0x3f8: {  	[sflag:s0] =	ssyncadd.s32 @!p0 s1  }
0x3f9: {  	[bflag:$0x3] =	sbarrier.arrive $0xFFFF  }
0x3fa: {  	_ =	shalt  }

</sc_bundles>
